<compile_context>
chip_gen: v7x
topology: tpu7x:2x2x1
jax: 0.10.2.dev20260603
libtpu: 0.0.44.dev20260713+nightly
codegen_flags: <defaults>
</compile_context>

<pallas_src>
import jax
import jax.numpy as jnp
from jax import lax
from jax.experimental import pallas as pl
from jax.experimental.pallas import tpu as pltpu
from jax.experimental.pallas import tpu_sc as plsc

N_NODES = 10000
E_EDGES = 320000
D_IN = 128
U_HID = 16

NC = 2
NS = 16
N_TILES = NC * NS
CHUNK = 128
CHUNKS_PER_TILE = 80
EDGES_PER_TILE = CHUNKS_PER_TILE * CHUNK
E_PAD = N_TILES * EDGES_PER_TILE
N_PAD = 10240
ROWS_PER_TILE = N_PAD // NS
NBUF = 4
OVERRUN = NBUF * CHUNK
LAST_REAL = E_EDGES - (N_TILES - 1) * EDGES_PER_TILE
PAD_E_TILE = EDGES_PER_TILE - LAST_REAL
CHUNKS_SRC = CHUNKS_PER_TILE + NBUF


def _load_idx(flat_hbm, pad_hbm, idx, tile, sem):
    base = tile * EDGES_PER_TILE

    @pl.when(tile < N_TILES - 1)
    def _():
        pltpu.async_copy(flat_hbm.at[pl.ds(base, EDGES_PER_TILE)],
                         idx.at[pl.ds(0, EDGES_PER_TILE)], sem)

    @pl.when(tile == N_TILES - 1)
    def _():
        pltpu.async_copy(flat_hbm.at[pl.ds(base, LAST_REAL)],
                         idx.at[pl.ds(0, LAST_REAL)], sem)
        pltpu.async_copy(pad_hbm.at[pl.ds(0, PAD_E_TILE)],
                         idx.at[pl.ds(LAST_REAL, PAD_E_TILE)], sem)


def _wait_idx(flat_hbm, idx, sem):
    pltpu.make_async_copy(flat_hbm.at[pl.ds(0, EDGES_PER_TILE)],
                          idx.at[pl.ds(0, EDGES_PER_TILE)], sem).wait()


def _deg_body(edges_hbm, pad_hbm, ones_hbm, zeros_hbm, out_hbm,
              acc, didx, ones_v, sem):
    cid = lax.axis_index("c")
    sid = lax.axis_index("s")
    row0 = sid * ROWS_PER_TILE
    rows = pl.ds(row0, ROWS_PER_TILE)
    dst_hbm = edges_hbm.at[1]
    pltpu.async_copy(zeros_hbm.at[rows], acc.at[rows], sem)
    pltpu.async_copy(ones_hbm, ones_v, sem)
    tile = cid * NS + sid
    _load_idx(dst_hbm, pad_hbm, didx, tile, sem)
    pltpu.make_async_copy(zeros_hbm.at[rows], acc.at[rows], sem).wait()
    pltpu.make_async_copy(ones_hbm, ones_v, sem).wait()
    _wait_idx(dst_hbm, didx, sem)
    plsc.subcore_barrier()

    @pl.loop(0, CHUNKS_PER_TILE)
    def _(k):
        pltpu.async_copy(ones_v, acc.at[didx.at[pl.ds(k * CHUNK, CHUNK)]],
                         sem, add=True)

    @pl.loop(0, CHUNKS_PER_TILE)
    def _(k):
        pltpu.make_async_copy(ones_hbm, ones_v, sem).wait()

    plsc.subcore_barrier()
    pltpu.sync_copy(acc.at[rows], out_hbm.at[cid].at[rows])


def _scat_body(g_hbm, edges_hbm, pad_hbm, zeros_hbm, out_hbm,
               acc, gv, sidx, didx, bufs, gsems, ssem):
    cid = lax.axis_index("c")
    sid = lax.axis_index("s")
    src_hbm = edges_hbm.at[0]
    dst_hbm = edges_hbm.at[1]
    row0 = sid * ROWS_PER_TILE
    rows = pl.ds(row0, ROWS_PER_TILE)
    pltpu.async_copy(zeros_hbm.at[rows], acc.at[rows], ssem)
    pltpu.async_copy(g_hbm.at[rows], gv.at[rows], ssem)
    tile = cid * NS + sid
    _load_idx(src_hbm, pad_hbm, sidx, tile, ssem)
    pltpu.async_copy(pad_hbm.at[pl.ds(0, OVERRUN)],
                     sidx.at[pl.ds(EDGES_PER_TILE, OVERRUN)], ssem)
    _load_idx(dst_hbm, pad_hbm, didx, tile, ssem)
    pltpu.make_async_copy(zeros_hbm.at[rows], acc.at[rows], ssem).wait()
    pltpu.make_async_copy(g_hbm.at[rows], gv.at[rows], ssem).wait()
    _wait_idx(src_hbm, sidx, ssem)
    pltpu.make_async_copy(pad_hbm.at[pl.ds(0, OVERRUN)],
                          sidx.at[pl.ds(EDGES_PER_TILE, OVERRUN)],
                          ssem).wait()
    _wait_idx(dst_hbm, didx, ssem)
    plsc.subcore_barrier()

    def s_at(c):
        return sidx.at[pl.ds(c * CHUNK, CHUNK)]

    def d_at(c):
        return didx.at[pl.ds(c * CHUNK, CHUNK)]

    for b in range(NBUF):
        pltpu.async_copy(gv.at[s_at(b)], bufs.at[b], gsems.at[b])

    @pl.loop(0, CHUNKS_PER_TILE, step=NBUF)
    def _(k):
        for b in range(NBUF):
            c = k + b
            pltpu.make_async_copy(gv.at[s_at(b)], bufs.at[b],
                                  gsems.at[b]).wait()
            pltpu.sync_copy(bufs.at[b], acc.at[d_at(c)], add=True)
            pltpu.async_copy(gv.at[s_at(c + NBUF)], bufs.at[b],
                             gsems.at[b])

    for b in range(NBUF):
        pltpu.make_async_copy(gv.at[s_at(b)], bufs.at[b], gsems.at[b]).wait()

    plsc.subcore_barrier()
    pltpu.sync_copy(acc.at[rows], out_hbm.at[cid].at[rows])


_sc_calls_cache = []


def _sc_calls():
    if not _sc_calls_cache:
        mesh = plsc.VectorSubcoreMesh(core_axis_name="c", subcore_axis_name="s",
                                      num_cores=NC, num_subcores=NS)
        cp = pltpu.CompilerParams(use_tc_tiling_on_sc=False)
        deg_call = pl.kernel(
            _deg_body,
            out_type=jax.ShapeDtypeStruct((NC, N_PAD, U_HID), jnp.float32),
            mesh=mesh,
            scratch_types=[
                pltpu.VMEM_SHARED((N_PAD, U_HID), jnp.float32),
                pltpu.VMEM((EDGES_PER_TILE,), jnp.int32),
                pltpu.VMEM((CHUNK, U_HID), jnp.float32),
                pltpu.SemaphoreType.DMA,
            ],
            compiler_params=cp,
        )
        scat_call = pl.kernel(
            _scat_body,
            out_type=jax.ShapeDtypeStruct((NC, N_PAD, U_HID), jnp.float32),
            mesh=mesh,
            scratch_types=[
                pltpu.VMEM_SHARED((N_PAD, U_HID), jnp.float32),
                pltpu.VMEM_SHARED((N_PAD, U_HID), jnp.float32),
                pltpu.VMEM((CHUNKS_SRC * CHUNK,), jnp.int32),
                pltpu.VMEM((EDGES_PER_TILE,), jnp.int32),
                pltpu.VMEM((NBUF, CHUNK, U_HID), jnp.float32),
                pltpu.SemaphoreType.DMA((NBUF,)),
                pltpu.SemaphoreType.DMA,
            ],
            compiler_params=cp,
        )
        _sc_calls_cache.append((deg_call, scat_call))
    return _sc_calls_cache[0]


def _matmul_body(x_ref, w_ref, hw_ref):
    hw_ref[...] = jnp.dot(x_ref[...], w_ref[...],
                          preferred_element_type=jnp.float32)


def _combine1_body(p_ref, hw_ref, dinv_ref, g_ref):
    deg = p_ref[0] + p_ref[1] + 1.0
    dinv = lax.rsqrt(jnp.maximum(deg, 1e-12))
    dinv_ref[...] = dinv
    g_ref[...] = dinv * hw_ref[...]


def _layer2_body(p_ref, g1_ref, dinv_ref, w2_ref, b1_ref, g2_ref):
    dinv = dinv_ref[...]
    h1 = jnp.maximum(dinv * (p_ref[0] + p_ref[1] + g1_ref[...]) + b1_ref[...],
                     0.0)
    hw2 = jnp.dot(h1, w2_ref[...], preferred_element_type=jnp.float32)
    g2_ref[...] = dinv * hw2


def _final_body(p_ref, g2_ref, dinv_ref, b2_ref, o_ref):
    v = jnp.maximum(
        dinv_ref[...] * (p_ref[0] + p_ref[1] + g2_ref[...]) + b2_ref[...], 0.0)
    o_ref[...] = v[:N_NODES]


def kernel(x, edge_index, W1, b1, W2, b2):
    pad_idx = jnp.full((PAD_E_TILE,), N_NODES, dtype=jnp.int32)
    x_pad = jnp.pad(x, ((0, N_PAD - N_NODES), (0, 0)))
    zeros = jnp.zeros((N_PAD, U_HID), jnp.float32)
    ones128 = jnp.ones((CHUNK, U_HID), jnp.float32)
    b1r = b1.reshape(1, U_HID)
    b2r = b2.reshape(1, U_HID)

    f32 = jnp.float32
    nu = jax.ShapeDtypeStruct((N_PAD, U_HID), f32)
    _deg_call, _scat_call = _sc_calls()

    hw1 = pl.pallas_call(_matmul_body, out_shape=nu)(x_pad, W1)
    deg_part = _deg_call(edge_index, pad_idx, ones128, zeros)
    dinv, g1 = pl.pallas_call(_combine1_body, out_shape=(nu, nu))(
        deg_part, hw1)
    part1 = _scat_call(g1, edge_index, pad_idx, zeros)
    g2 = pl.pallas_call(_layer2_body, out_shape=nu)(
        part1, g1, dinv, W2, b1r)
    part2 = _scat_call(g2, edge_index, pad_idx, zeros)
    out = pl.pallas_call(
        _final_body,
        out_shape=jax.ShapeDtypeStruct((N_NODES, U_HID), f32))(
        part2, g2, dinv, b2r)
    return out

# --- scband reference (transcript-rebuilt; emitter-appended) ---
"""Pipeline reference for scband-temporal-graph-conv-23184233464487 (READ-ONLY COPY).

The authoritative reference and input builder live on the scoring server;
editing this copy changes nothing except your own understanding.
"""

import jax, jax.numpy as jnp
import numpy as np

N = 10000
E = 320000
D = 128
U = 16


def setup_inputs(seed: int = 0) -> dict:
    key = jax.random.key(seed)
    k1, k2, k3, k4, k5, k6 = jax.random.split(key, 6)
    x = jax.random.normal(k1, (N, D), dtype=jnp.float32)
    edge_index = jax.random.randint(k2, (2, E), 0, N, dtype=jnp.int32)
    W1 = jax.random.normal(k3, (D, U), dtype=jnp.float32) * 0.05
    b1 = jnp.zeros((U,), dtype=jnp.float32)
    W2 = jax.random.normal(k4, (U, U), dtype=jnp.float32) * 0.05
    b2 = jnp.zeros((U,), dtype=jnp.float32)
    return {"x": x, "edge_index": edge_index, "W1": W1, "b1": b1, "W2": W2, "b2": b2}


def _gcn_layer(h, edge_index, W, b, n_nodes):
    # GCNConv: out = relu(D^-1/2 (A + I) D^-1/2 (h W) + b)
    src = edge_index[0]
    dst = edge_index[1]
    loops = jnp.arange(n_nodes, dtype=edge_index.dtype)
    s = jnp.concatenate([src, loops])
    d = jnp.concatenate([dst, loops])
    ones = jnp.ones(s.shape[0], dtype=h.dtype)
    deg = jax.ops.segment_sum(ones, d, num_segments=n_nodes)
    dinv = jax.lax.rsqrt(jnp.maximum(deg, 1e-12))
    norm = dinv[s] * dinv[d]
    hw = h @ W
    msg = hw[s] * norm[:, None]
    agg = jax.ops.segment_sum(msg, d, num_segments=n_nodes)
    return jax.nn.relu(agg + b)


def reference(x, edge_index, W1, b1, W2, b2):
    h = _gcn_layer(x, edge_index, W1, b1, N)
    h = _gcn_layer(h, edge_index, W2, b2, N)
    return h

if __name__ == "__main__":
    import jax
    _d = setup_inputs()
    print(jax.jit(kernel)(*tuple(_d.values())))

</pallas_src>

<mosaic_0001>
#map = affine_map<(d0, d1) -> (0, 0)>
#map1 = affine_map<(d0, d1) -> (0)>
#map2 = affine_map<(d0, d1) -> (0, 0, 0)>
module attributes {stable_mosaic.version = 14 : i64} {
  func.func @_scat_body(%arg0: i32, %arg1: i32, %arg2: memref<10240x16xf32, #tpu.memory_space<hbm>>, %arg3: memref<2x320000xi32, #tpu.memory_space<hbm>>, %arg4: memref<7680xi32, #tpu.memory_space<hbm>>, %arg5: memref<10240x16xf32, #tpu.memory_space<hbm>>, %arg6: memref<2x10240x16xf32, #tpu.memory_space<hbm>>, %arg7: memref<10240x16xf32, #tpu.memory_space<vmem_shared>>, %arg8: memref<10240x16xf32, #tpu.memory_space<vmem_shared>>, %arg9: memref<10752xi32, #tpu.memory_space<vmem>>, %arg10: memref<10240xi32, #tpu.memory_space<vmem>>, %arg11: memref<4x128x16xf32, #tpu.memory_space<vmem>>, %arg12: memref<4x!tpu.dma_semaphore, #tpu.memory_space<semaphore_mem>>, %arg13: memref<!tpu.dma_semaphore, #tpu.memory_space<semaphore_mem>>) attributes {dimension_semantics = [#tpu.dimension_semantics<core_parallel>, #tpu.dimension_semantics<subcore_parallel>], iteration_bounds = array<i64: 2, 16>, scalar_prefetch = 0 : i64, scratch_operands = 7 : i64, tpu.core_type = #tpu.core_type<sc_vector_subcore>, window_params = [{transform_indices = #map}, {transform_indices = #map}, {transform_indices = #map1}, {transform_indices = #map}, {transform_indices = #map2}]} {
    %mul3A = arith.constant 640 : i32
    %mul3A_0 = arith.muli %arg1, %mul3A : i32
    %dma_start3A = arith.constant 0 : i32
    %dma_start3A_1 = tpu.memref_slice %arg7[%mul3A_0, %dma_start3A] : memref<10240x16xf32, #tpu.memory_space<vmem_shared>> -> memref<640x16xf32, #tpu.memory_space<vmem_shared>>
    %dma_start3A_2 = arith.constant 0 : i32
    %dma_start3A_3 = tpu.memref_slice %arg5[%mul3A_0, %dma_start3A_2] : memref<10240x16xf32, #tpu.memory_space<hbm>> -> memref<640x16xf32, #tpu.memory_space<hbm>>
    tpu.enqueue_dma source(%dma_start3A_3 : memref<640x16xf32, #tpu.memory_space<hbm>>) target(%dma_start3A_1 : memref<640x16xf32, #tpu.memory_space<vmem_shared>>) target_semaphore(%arg13 : memref<!tpu.dma_semaphore, #tpu.memory_space<semaphore_mem>>)
    %dma_start3A_4 = arith.constant 0 : i32
    %dma_start3A_5 = tpu.memref_slice %arg8[%mul3A_0, %dma_start3A_4] : memref<10240x16xf32, #tpu.memory_space<vmem_shared>> -> memref<640x16xf32, #tpu.memory_space<vmem_shared>>
    %dma_start3A_6 = arith.constant 0 : i32
    %dma_start3A_7 = tpu.memref_slice %arg2[%mul3A_0, %dma_start3A_6] : memref<10240x16xf32, #tpu.memory_space<hbm>> -> memref<640x16xf32, #tpu.memory_space<hbm>>
    tpu.enqueue_dma source(%dma_start3A_7 : memref<640x16xf32, #tpu.memory_space<hbm>>) target(%dma_start3A_5 : memref<640x16xf32, #tpu.memory_space<vmem_shared>>) target_semaphore(%arg13 : memref<!tpu.dma_semaphore, #tpu.memory_space<semaphore_mem>>)
    %mul3A_8 = arith.constant 16 : i32
    %mul3A_9 = arith.muli %arg0, %mul3A_8 : i32
    %add3A = arith.addi %mul3A_9, %arg1 : i32
    %mul3A_10 = arith.constant 10240 : i32
    %mul3A_11 = arith.muli %add3A, %mul3A_10 : i32
    %lt3A = arith.constant 31 : i32
    %lt3A_12 = arith.cmpi slt, %add3A, %lt3A : i32
    %convert_element_type3A = arith.extui %lt3A_12 : i1 to i32
    %cond3A = arith.constant 0 : i32
    %cond3A_13 = arith.constant 0 : i32
    %cond3A_14 = arith.cmpi ne, %convert_element_type3A, %cond3A_13 : i32
    scf.if %cond3A_14 {
      %dma_start3A_196 = arith.constant 0 : i32
      %dma_start3A_197 = tpu.memref_slice %arg9[%dma_start3A_196] : memref<10752xi32, #tpu.memory_space<vmem>> -> memref<10240xi32, #tpu.memory_space<vmem>>
      %dma_start3A_198 = arith.constant 0 : i32
      %dma_start3A_199 = tpu.memref_slice %arg3[%cond3A, %dma_start3A_198] : memref<2x320000xi32, #tpu.memory_space<hbm>> -> memref<1x320000xi32, #tpu.memory_space<hbm>>
      %dma_start3A_200 = tpu.memref_squeeze %dma_start3A_199 : memref<1x320000xi32, #tpu.memory_space<hbm>> -> memref<320000xi32, #tpu.memory_space<hbm>>
      %dma_start3A_201 = tpu.memref_slice %dma_start3A_200[%mul3A_11] : memref<320000xi32, #tpu.memory_space<hbm>> -> memref<10240xi32, #tpu.memory_space<hbm>>
      %dma_start3A_202 = arith.constant 0 : i32
      %dma_start3A_203 = tpu.memref_slice %arg9[%dma_start3A_202] : memref<10752xi32, #tpu.memory_space<vmem>> -> memref<10240xi32, #tpu.memory_space<vmem>>
      %dma_start3A_204 = arith.constant 0 : i32
      %dma_start3A_205 = tpu.memref_slice %arg3[%cond3A, %dma_start3A_204] : memref<2x320000xi32, #tpu.memory_space<hbm>> -> memref<1x320000xi32, #tpu.memory_space<hbm>>
      %dma_start3A_206 = tpu.memref_squeeze %dma_start3A_205 : memref<1x320000xi32, #tpu.memory_space<hbm>> -> memref<320000xi32, #tpu.memory_space<hbm>>
      %dma_start3A_207 = tpu.memref_slice %dma_start3A_206[%mul3A_11] : memref<320000xi32, #tpu.memory_space<hbm>> -> memref<10240xi32, #tpu.memory_space<hbm>>
      tpu.enqueue_dma source(%dma_start3A_207 : memref<10240xi32, #tpu.memory_space<hbm>>) target(%dma_start3A_203 : memref<10240xi32, #tpu.memory_space<vmem>>) target_semaphore(%arg13 : memref<!tpu.dma_semaphore, #tpu.memory_space<semaphore_mem>>)
    } else {
    }
    %eq3A = arith.constant 31 : i32
    %eq3A_15 = arith.cmpi eq, %add3A, %eq3A : i32
    %convert_element_type3A_16 = arith.extui %eq3A_15 : i1 to i32
    %cond3A_17 = arith.constant 0 : i32
    %cond3A_18 = arith.constant 0 : i32
    %cond3A_19 = arith.cmpi ne, %convert_element_type3A_16, %cond3A_18 : i32
    scf.if %cond3A_19 {
      %dma_start3A_196 = arith.constant 0 : i32
      %dma_start3A_197 = tpu.memref_slice %arg9[%dma_start3A_196] : memref<10752xi32, #tpu.memory_space<vmem>> -> memref<2560xi32, #tpu.memory_space<vmem>>
      %dma_start3A_198 = arith.constant 0 : i32
      %dma_start3A_199 = tpu.memref_slice %arg3[%cond3A_17, %dma_start3A_198] : memref<2x320000xi32, #tpu.memory_space<hbm>> -> memref<1x320000xi32, #tpu.memory_space<hbm>>
      %dma_start3A_200 = tpu.memref_squeeze %dma_start3A_199 : memref<1x320000xi32, #tpu.memory_space<hbm>> -> memref<320000xi32, #tpu.memory_space<hbm>>
      %dma_start3A_201 = tpu.memref_slice %dma_start3A_200[%mul3A_11] : memref<320000xi32, #tpu.memory_space<hbm>> -> memref<2560xi32, #tpu.memory_space<hbm>>
      %dma_start3A_202 = arith.constant 0 : i32
      %dma_start3A_203 = tpu.memref_slice %arg9[%dma_start3A_202] : memref<10752xi32, #tpu.memory_space<vmem>> -> memref<2560xi32, #tpu.memory_space<vmem>>
      %dma_start3A_204 = arith.constant 0 : i32
      %dma_start3A_205 = tpu.memref_slice %arg3[%cond3A_17, %dma_start3A_204] : memref<2x320000xi32, #tpu.memory_space<hbm>> -> memref<1x320000xi32, #tpu.memory_space<hbm>>
      %dma_start3A_206 = tpu.memref_squeeze %dma_start3A_205 : memref<1x320000xi32, #tpu.memory_space<hbm>> -> memref<320000xi32, #tpu.memory_space<hbm>>
      %dma_start3A_207 = tpu.memref_slice %dma_start3A_206[%mul3A_11] : memref<320000xi32, #tpu.memory_space<hbm>> -> memref<2560xi32, #tpu.memory_space<hbm>>
      tpu.enqueue_dma source(%dma_start3A_207 : memref<2560xi32, #tpu.memory_space<hbm>>) target(%dma_start3A_203 : memref<2560xi32, #tpu.memory_space<vmem>>) target_semaphore(%arg13 : memref<!tpu.dma_semaphore, #tpu.memory_space<semaphore_mem>>)
      %dma_start3A_208 = arith.constant 2560 : i32
      %dma_start3A_209 = tpu.memref_slice %arg9[%dma_start3A_208] : memref<10752xi32, #tpu.memory_space<vmem>> -> memref<7680xi32, #tpu.memory_space<vmem>>
      %dma_start3A_210 = arith.constant 0 : i32
      %dma_start3A_211 = tpu.memref_slice %arg4[%dma_start3A_210] : memref<7680xi32, #tpu.memory_space<hbm>> -> memref<7680xi32, #tpu.memory_space<hbm>>
      %dma_start3A_212 = arith.constant 2560 : i32
      %dma_start3A_213 = tpu.memref_slice %arg9[%dma_start3A_212] : memref<10752xi32, #tpu.memory_space<vmem>> -> memref<7680xi32, #tpu.memory_space<vmem>>
      %dma_start3A_214 = arith.constant 0 : i32
      %dma_start3A_215 = tpu.memref_slice %arg4[%dma_start3A_214] : memref<7680xi32, #tpu.memory_space<hbm>> -> memref<7680xi32, #tpu.memory_space<hbm>>
      tpu.enqueue_dma source(%dma_start3A_215 : memref<7680xi32, #tpu.memory_space<hbm>>) target(%dma_start3A_213 : memref<7680xi32, #tpu.memory_space<vmem>>) target_semaphore(%arg13 : memref<!tpu.dma_semaphore, #tpu.memory_space<semaphore_mem>>)
    } else {
    }
    %dma_start3A_20 = arith.constant 10240 : i32
    %dma_start3A_21 = tpu.memref_slice %arg9[%dma_start3A_20] : memref<10752xi32, #tpu.memory_space<vmem>> -> memref<512xi32, #tpu.memory_space<vmem>>
    %dma_start3A_22 = arith.constant 0 : i32
    %dma_start3A_23 = tpu.memref_slice %arg4[%dma_start3A_22] : memref<7680xi32, #tpu.memory_space<hbm>> -> memref<512xi32, #tpu.memory_space<hbm>>
    %dma_start3A_24 = arith.constant 10240 : i32
    %dma_start3A_25 = tpu.memref_slice %arg9[%dma_start3A_24] : memref<10752xi32, #tpu.memory_space<vmem>> -> memref<512xi32, #tpu.memory_space<vmem>>
    %dma_start3A_26 = arith.constant 0 : i32
    %dma_start3A_27 = tpu.memref_slice %arg4[%dma_start3A_26] : memref<7680xi32, #tpu.memory_space<hbm>> -> memref<512xi32, #tpu.memory_space<hbm>>
    tpu.enqueue_dma source(%dma_start3A_27 : memref<512xi32, #tpu.memory_space<hbm>>) target(%dma_start3A_25 : memref<512xi32, #tpu.memory_space<vmem>>) target_semaphore(%arg13 : memref<!tpu.dma_semaphore, #tpu.memory_space<semaphore_mem>>)
    %mul3A_28 = arith.constant 10240 : i32
    %mul3A_29 = arith.muli %add3A, %mul3A_28 : i32
    %lt3A_30 = arith.constant 31 : i32
    %lt3A_31 = arith.cmpi slt, %add3A, %lt3A_30 : i32
    %convert_element_type3A_32 = arith.extui %lt3A_31 : i1 to i32
    %cond3A_33 = arith.constant 1 : i32
    %cond3A_34 = arith.constant 0 : i32
    %cond3A_35 = arith.cmpi ne, %convert_element_type3A_32, %cond3A_34 : i32
    scf.if %cond3A_35 {
      %dma_start3A_196 = arith.constant 0 : i32
      %dma_start3A_197 = tpu.memref_slice %arg10[%dma_start3A_196] : memref<10240xi32, #tpu.memory_space<vmem>> -> memref<10240xi32, #tpu.memory_space<vmem>>
      %dma_start3A_198 = arith.constant 0 : i32
      %dma_start3A_199 = tpu.memref_slice %arg3[%cond3A_33, %dma_start3A_198] : memref<2x320000xi32, #tpu.memory_space<hbm>> -> memref<1x320000xi32, #tpu.memory_space<hbm>>
      %dma_start3A_200 = tpu.memref_squeeze %dma_start3A_199 : memref<1x320000xi32, #tpu.memory_space<hbm>> -> memref<320000xi32, #tpu.memory_space<hbm>>
      %dma_start3A_201 = tpu.memref_slice %dma_start3A_200[%mul3A_29] : memref<320000xi32, #tpu.memory_space<hbm>> -> memref<10240xi32, #tpu.memory_space<hbm>>
      %dma_start3A_202 = arith.constant 0 : i32
      %dma_start3A_203 = tpu.memref_slice %arg10[%dma_start3A_202] : memref<10240xi32, #tpu.memory_space<vmem>> -> memref<10240xi32, #tpu.memory_space<vmem>>
      %dma_start3A_204 = arith.constant 0 : i32
      %dma_start3A_205 = tpu.memref_slice %arg3[%cond3A_33, %dma_start3A_204] : memref<2x320000xi32, #tpu.memory_space<hbm>> -> memref<1x320000xi32, #tpu.memory_space<hbm>>
      %dma_start3A_206 = tpu.memref_squeeze %dma_start3A_205 : memref<1x320000xi32, #tpu.memory_space<hbm>> -> memref<320000xi32, #tpu.memory_space<hbm>>
      %dma_start3A_207 = tpu.memref_slice %dma_start3A_206[%mul3A_29] : memref<320000xi32, #tpu.memory_space<hbm>> -> memref<10240xi32, #tpu.memory_space<hbm>>
      tpu.enqueue_dma source(%dma_start3A_207 : memref<10240xi32, #tpu.memory_space<hbm>>) target(%dma_start3A_203 : memref<10240xi32, #tpu.memory_space<vmem>>) target_semaphore(%arg13 : memref<!tpu.dma_semaphore, #tpu.memory_space<semaphore_mem>>)
    } else {
    }
    %eq3A_36 = arith.constant 31 : i32
    %eq3A_37 = arith.cmpi eq, %add3A, %eq3A_36 : i32
    %convert_element_type3A_38 = arith.extui %eq3A_37 : i1 to i32
    %cond3A_39 = arith.constant 1 : i32
    %cond3A_40 = arith.constant 0 : i32
    %cond3A_41 = arith.cmpi ne, %convert_element_type3A_38, %cond3A_40 : i32
    scf.if %cond3A_41 {
      %dma_start3A_196 = arith.constant 0 : i32
      %dma_start3A_197 = tpu.memref_slice %arg10[%dma_start3A_196] : memref<10240xi32, #tpu.memory_space<vmem>> -> memref<2560xi32, #tpu.memory_space<vmem>>
      %dma_start3A_198 = arith.constant 0 : i32
      %dma_start3A_199 = tpu.memref_slice %arg3[%cond3A_39, %dma_start3A_198] : memref<2x320000xi32, #tpu.memory_space<hbm>> -> memref<1x320000xi32, #tpu.memory_space<hbm>>
      %dma_start3A_200 = tpu.memref_squeeze %dma_start3A_199 : memref<1x320000xi32, #tpu.memory_space<hbm>> -> memref<320000xi32, #tpu.memory_space<hbm>>
      %dma_start3A_201 = tpu.memref_slice %dma_start3A_200[%mul3A_29] : memref<320000xi32, #tpu.memory_space<hbm>> -> memref<2560xi32, #tpu.memory_space<hbm>>
      %dma_start3A_202 = arith.constant 0 : i32
      %dma_start3A_203 = tpu.memref_slice %arg10[%dma_start3A_202] : memref<10240xi32, #tpu.memory_space<vmem>> -> memref<2560xi32, #tpu.memory_space<vmem>>
      %dma_start3A_204 = arith.constant 0 : i32
      %dma_start3A_205 = tpu.memref_slice %arg3[%cond3A_39, %dma_start3A_204] : memref<2x320000xi32, #tpu.memory_space<hbm>> -> memref<1x320000xi32, #tpu.memory_space<hbm>>
      %dma_start3A_206 = tpu.memref_squeeze %dma_start3A_205 : memref<1x320000xi32, #tpu.memory_space<hbm>> -> memref<320000xi32, #tpu.memory_space<hbm>>
      %dma_start3A_207 = tpu.memref_slice %dma_start3A_206[%mul3A_29] : memref<320000xi32, #tpu.memory_space<hbm>> -> memref<2560xi32, #tpu.memory_space<hbm>>
      tpu.enqueue_dma source(%dma_start3A_207 : memref<2560xi32, #tpu.memory_space<hbm>>) target(%dma_start3A_203 : memref<2560xi32, #tpu.memory_space<vmem>>) target_semaphore(%arg13 : memref<!tpu.dma_semaphore, #tpu.memory_space<semaphore_mem>>)
      %dma_start3A_208 = arith.constant 2560 : i32
      %dma_start3A_209 = tpu.memref_slice %arg10[%dma_start3A_208] : memref<10240xi32, #tpu.memory_space<vmem>> -> memref<7680xi32, #tpu.memory_space<vmem>>
      %dma_start3A_210 = arith.constant 0 : i32
      %dma_start3A_211 = tpu.memref_slice %arg4[%dma_start3A_210] : memref<7680xi32, #tpu.memory_space<hbm>> -> memref<7680xi32, #tpu.memory_space<hbm>>
      %dma_start3A_212 = arith.constant 2560 : i32
      %dma_start3A_213 = tpu.memref_slice %arg10[%dma_start3A_212] : memref<10240xi32, #tpu.memory_space<vmem>> -> memref<7680xi32, #tpu.memory_space<vmem>>
      %dma_start3A_214 = arith.constant 0 : i32
      %dma_start3A_215 = tpu.memref_slice %arg4[%dma_start3A_214] : memref<7680xi32, #tpu.memory_space<hbm>> -> memref<7680xi32, #tpu.memory_space<hbm>>
      tpu.enqueue_dma source(%dma_start3A_215 : memref<7680xi32, #tpu.memory_space<hbm>>) target(%dma_start3A_213 : memref<7680xi32, #tpu.memory_space<vmem>>) target_semaphore(%arg13 : memref<!tpu.dma_semaphore, #tpu.memory_space<semaphore_mem>>)
    } else {
    }
    %dma_wait3A = arith.constant 0 : i32
    %dma_wait3A_42 = tpu.memref_slice %arg7[%mul3A_0, %dma_wait3A] : memref<10240x16xf32, #tpu.memory_space<vmem_shared>> -> memref<640x16xf32, #tpu.memory_space<vmem_shared>>
    %dma_wait3A_43 = arith.constant 0 : i32
    %dma_wait3A_44 = tpu.memref_slice %arg5[%mul3A_0, %dma_wait3A_43] : memref<10240x16xf32, #tpu.memory_space<hbm>> -> memref<640x16xf32, #tpu.memory_space<hbm>>
    tpu.wait_dma2 semaphore(%arg13 : memref<!tpu.dma_semaphore, #tpu.memory_space<semaphore_mem>>) src(%dma_wait3A_44 : memref<640x16xf32, #tpu.memory_space<hbm>>) dst(%dma_wait3A_42 : memref<640x16xf32, #tpu.memory_space<vmem_shared>>)
    %dma_wait3A_45 = arith.constant 0 : i32
    %dma_wait3A_46 = tpu.memref_slice %arg8[%mul3A_0, %dma_wait3A_45] : memref<10240x16xf32, #tpu.memory_space<vmem_shared>> -> memref<640x16xf32, #tpu.memory_space<vmem_shared>>
    %dma_wait3A_47 = arith.constant 0 : i32
    %dma_wait3A_48 = tpu.memref_slice %arg2[%mul3A_0, %dma_wait3A_47] : memref<10240x16xf32, #tpu.memory_space<hbm>> -> memref<640x16xf32, #tpu.memory_space<hbm>>
    tpu.wait_dma2 semaphore(%arg13 : memref<!tpu.dma_semaphore, #tpu.memory_space<semaphore_mem>>) src(%dma_wait3A_48 : memref<640x16xf32, #tpu.memory_space<hbm>>) dst(%dma_wait3A_46 : memref<640x16xf32, #tpu.memory_space<vmem_shared>>)
    %dma_wait3A_49 = arith.constant 0 : i32
    %dma_wait3A_50 = arith.constant 0 : i32
    %dma_wait3A_51 = tpu.memref_slice %arg9[%dma_wait3A_50] : memref<10752xi32, #tpu.memory_space<vmem>> -> memref<10240xi32, #tpu.memory_space<vmem>>
    %dma_wait3A_52 = arith.constant 0 : i32
    %dma_wait3A_53 = tpu.memref_slice %arg3[%dma_wait3A_49, %dma_wait3A_52] : memref<2x320000xi32, #tpu.memory_space<hbm>> -> memref<1x320000xi32, #tpu.memory_space<hbm>>
    %dma_wait3A_54 = tpu.memref_squeeze %dma_wait3A_53 : memref<1x320000xi32, #tpu.memory_space<hbm>> -> memref<320000xi32, #tpu.memory_space<hbm>>
    %dma_wait3A_55 = arith.constant 0 : i32
    %dma_wait3A_56 = tpu.memref_slice %dma_wait3A_54[%dma_wait3A_55] : memref<320000xi32, #tpu.memory_space<hbm>> -> memref<10240xi32, #tpu.memory_space<hbm>>
    %dma_wait3A_57 = arith.constant 0 : i32
    %dma_wait3A_58 = tpu.memref_slice %arg9[%dma_wait3A_57] : memref<10752xi32, #tpu.memory_space<vmem>> -> memref<10240xi32, #tpu.memory_space<vmem>>
    %dma_wait3A_59 = arith.constant 0 : i32
    %dma_wait3A_60 = tpu.memref_slice %arg3[%dma_wait3A_49, %dma_wait3A_59] : memref<2x320000xi32, #tpu.memory_space<hbm>> -> memref<1x320000xi32, #tpu.memory_space<hbm>>
    %dma_wait3A_61 = tpu.memref_squeeze %dma_wait3A_60 : memref<1x320000xi32, #tpu.memory_space<hbm>> -> memref<320000xi32, #tpu.memory_space<hbm>>
    %dma_wait3A_62 = arith.constant 0 : i32
    %dma_wait3A_63 = tpu.memref_slice %dma_wait3A_61[%dma_wait3A_62] : memref<320000xi32, #tpu.memory_space<hbm>> -> memref<10240xi32, #tpu.memory_space<hbm>>
    tpu.wait_dma2 semaphore(%arg13 : memref<!tpu.dma_semaphore, #tpu.memory_space<semaphore_mem>>) src(%dma_wait3A_63 : memref<10240xi32, #tpu.memory_space<hbm>>) dst(%dma_wait3A_58 : memref<10240xi32, #tpu.memory_space<vmem>>)
    %dma_wait3A_64 = arith.constant 10240 : i32
    %dma_wait3A_65 = tpu.memref_slice %arg9[%dma_wait3A_64] : memref<10752xi32, #tpu.memory_space<vmem>> -> memref<512xi32, #tpu.memory_space<vmem>>
    %dma_wait3A_66 = arith.constant 0 : i32
    %dma_wait3A_67 = tpu.memref_slice %arg4[%dma_wait3A_66] : memref<7680xi32, #tpu.memory_space<hbm>> -> memref<512xi32, #tpu.memory_space<hbm>>
    %dma_wait3A_68 = arith.constant 10240 : i32
    %dma_wait3A_69 = tpu.memref_slice %arg9[%dma_wait3A_68] : memref<10752xi32, #tpu.memory_space<vmem>> -> memref<512xi32, #tpu.memory_space<vmem>>
    %dma_wait3A_70 = arith.constant 0 : i32
    %dma_wait3A_71 = tpu.memref_slice %arg4[%dma_wait3A_70] : memref<7680xi32, #tpu.memory_space<hbm>> -> memref<512xi32, #tpu.memory_space<hbm>>
    tpu.wait_dma2 semaphore(%arg13 : memref<!tpu.dma_semaphore, #tpu.memory_space<semaphore_mem>>) src(%dma_wait3A_71 : memref<512xi32, #tpu.memory_space<hbm>>) dst(%dma_wait3A_69 : memref<512xi32, #tpu.memory_space<vmem>>)
    %dma_wait3A_72 = arith.constant 1 : i32
    %dma_wait3A_73 = arith.constant 0 : i32
    %dma_wait3A_74 = tpu.memref_slice %arg10[%dma_wait3A_73] : memref<10240xi32, #tpu.memory_space<vmem>> -> memref<10240xi32, #tpu.memory_space<vmem>>
    %dma_wait3A_75 = arith.constant 0 : i32
    %dma_wait3A_76 = tpu.memref_slice %arg3[%dma_wait3A_72, %dma_wait3A_75] : memref<2x320000xi32, #tpu.memory_space<hbm>> -> memref<1x320000xi32, #tpu.memory_space<hbm>>
    %dma_wait3A_77 = tpu.memref_squeeze %dma_wait3A_76 : memref<1x320000xi32, #tpu.memory_space<hbm>> -> memref<320000xi32, #tpu.memory_space<hbm>>
    %dma_wait3A_78 = arith.constant 0 : i32
    %dma_wait3A_79 = tpu.memref_slice %dma_wait3A_77[%dma_wait3A_78] : memref<320000xi32, #tpu.memory_space<hbm>> -> memref<10240xi32, #tpu.memory_space<hbm>>
    %dma_wait3A_80 = arith.constant 0 : i32
    %dma_wait3A_81 = tpu.memref_slice %arg10[%dma_wait3A_80] : memref<10240xi32, #tpu.memory_space<vmem>> -> memref<10240xi32, #tpu.memory_space<vmem>>
    %dma_wait3A_82 = arith.constant 0 : i32
    %dma_wait3A_83 = tpu.memref_slice %arg3[%dma_wait3A_72, %dma_wait3A_82] : memref<2x320000xi32, #tpu.memory_space<hbm>> -> memref<1x320000xi32, #tpu.memory_space<hbm>>
    %dma_wait3A_84 = tpu.memref_squeeze %dma_wait3A_83 : memref<1x320000xi32, #tpu.memory_space<hbm>> -> memref<320000xi32, #tpu.memory_space<hbm>>
    %dma_wait3A_85 = arith.constant 0 : i32
    %dma_wait3A_86 = tpu.memref_slice %dma_wait3A_84[%dma_wait3A_85] : memref<320000xi32, #tpu.memory_space<hbm>> -> memref<10240xi32, #tpu.memory_space<hbm>>
    tpu.wait_dma2 semaphore(%arg13 : memref<!tpu.dma_semaphore, #tpu.memory_space<semaphore_mem>>) src(%dma_wait3A_86 : memref<10240xi32, #tpu.memory_space<hbm>>) dst(%dma_wait3A_81 : memref<10240xi32, #tpu.memory_space<vmem>>)
    %barrier3A = arith.constant 0 : index
    tpu.barrier barrier_id(%barrier3A)
    %dma_start3A_87 = arith.constant 0 : i32
    %dma_start3A_88 = arith.constant 0 : i32
    %dma_start3A_89 = arith.constant 0 : i32
    %dma_start3A_90 = arith.constant 0 : i32
    %dma_start3A_91 = tpu.memref_slice %arg11[%dma_start3A_87, %dma_start3A_89, %dma_start3A_90] : memref<4x128x16xf32, #tpu.memory_space<vmem>> -> memref<1x128x16xf32, #tpu.memory_space<vmem>>
    %dma_start3A_92 = tpu.memref_squeeze %dma_start3A_91 : memref<1x128x16xf32, #tpu.memory_space<vmem>> -> memref<128x16xf32, #tpu.memory_space<vmem>>
    %dma_start3A_93 = arith.constant 0 : i32
    %dma_start3A_94 = tpu.memref_slice %arg9[%dma_start3A_93] : memref<10752xi32, #tpu.memory_space<vmem>> -> memref<128xi32, #tpu.memory_space<vmem>>
    %dma_start3A_95 = arith.constant 0 : i32
    %dma_start3A_96 = arith.constant 0 : i32
    %dma_start3A_97 = tpu.memref_slice %arg8[%dma_start3A_95, %dma_start3A_96] : memref<10240x16xf32, #tpu.memory_space<vmem_shared>> -> memref<10240x16xf32, #tpu.memory_space<vmem_shared>>
    %dma_start3A_98 = tpu.memref_slice %arg12[%dma_start3A_88] : memref<4x!tpu.dma_semaphore, #tpu.memory_space<semaphore_mem>> -> memref<1x!tpu.dma_semaphore, #tpu.memory_space<semaphore_mem>>
    %dma_start3A_99 = tpu.memref_squeeze %dma_start3A_98 : memref<1x!tpu.dma_semaphore, #tpu.memory_space<semaphore_mem>> -> memref<!tpu.dma_semaphore, #tpu.memory_space<semaphore_mem>>
    tpu.enqueue_indirect_dma source(%dma_start3A_97 : memref<10240x16xf32, #tpu.memory_space<vmem_shared>>) target(%dma_start3A_92 : memref<128x16xf32, #tpu.memory_space<vmem>>) offsets(%dma_start3A_94 : memref<128xi32, #tpu.memory_space<vmem>>) semaphore(%dma_start3A_99 : memref<!tpu.dma_semaphore, #tpu.memory_space<semaphore_mem>>)
    %dma_start3A_100 = arith.constant 1 : i32
    %dma_start3A_101 = arith.constant 1 : i32
    %dma_start3A_102 = arith.constant 0 : i32
    %dma_start3A_103 = arith.constant 0 : i32
    %dma_start3A_104 = tpu.memref_slice %arg11[%dma_start3A_100, %dma_start3A_102, %dma_start3A_103] : memref<4x128x16xf32, #tpu.memory_space<vmem>> -> memref<1x128x16xf32, #tpu.memory_space<vmem>>
    %dma_start3A_105 = tpu.memref_squeeze %dma_start3A_104 : memref<1x128x16xf32, #tpu.memory_space<vmem>> -> memref<128x16xf32, #tpu.memory_space<vmem>>
    %dma_start3A_106 = arith.constant 128 : i32
    %dma_start3A_107 = tpu.memref_slice %arg9[%dma_start3A_106] : memref<10752xi32, #tpu.memory_space<vmem>> -> memref<128xi32, #tpu.memory_space<vmem>>
    %dma_start3A_108 = arith.constant 0 : i32
    %dma_start3A_109 = arith.constant 0 : i32
    %dma_start3A_110 = tpu.memref_slice %arg8[%dma_start3A_108, %dma_start3A_109] : memref<10240x16xf32, #tpu.memory_space<vmem_shared>> -> memref<10240x16xf32, #tpu.memory_space<vmem_shared>>
    %dma_start3A_111 = tpu.memref_slice %arg12[%dma_start3A_101] : memref<4x!tpu.dma_semaphore, #tpu.memory_space<semaphore_mem>> -> memref<1x!tpu.dma_semaphore, #tpu.memory_space<semaphore_mem>>
    %dma_start3A_112 = tpu.memref_squeeze %dma_start3A_111 : memref<1x!tpu.dma_semaphore, #tpu.memory_space<semaphore_mem>> -> memref<!tpu.dma_semaphore, #tpu.memory_space<semaphore_mem>>
    tpu.enqueue_indirect_dma source(%dma_start3A_110 : memref<10240x16xf32, #tpu.memory_space<vmem_shared>>) target(%dma_start3A_105 : memref<128x16xf32, #tpu.memory_space<vmem>>) offsets(%dma_start3A_107 : memref<128xi32, #tpu.memory_space<vmem>>) semaphore(%dma_start3A_112 : memref<!tpu.dma_semaphore, #tpu.memory_space<semaphore_mem>>)
    %dma_start3A_113 = arith.constant 2 : i32
    %dma_start3A_114 = arith.constant 2 : i32
    %dma_start3A_115 = arith.constant 0 : i32
    %dma_start3A_116 = arith.constant 0 : i32
    %dma_start3A_117 = tpu.memref_slice %arg11[%dma_start3A_113, %dma_start3A_115, %dma_start3A_116] : memref<4x128x16xf32, #tpu.memory_space<vmem>> -> memref<1x128x16xf32, #tpu.memory_space<vmem>>
    %dma_start3A_118 = tpu.memref_squeeze %dma_start3A_117 : memref<1x128x16xf32, #tpu.memory_space<vmem>> -> memref<128x16xf32, #tpu.memory_space<vmem>>
    %dma_start3A_119 = arith.constant 256 : i32
    %dma_start3A_120 = tpu.memref_slice %arg9[%dma_start3A_119] : memref<10752xi32, #tpu.memory_space<vmem>> -> memref<128xi32, #tpu.memory_space<vmem>>
    %dma_start3A_121 = arith.constant 0 : i32
    %dma_start3A_122 = arith.constant 0 : i32
    %dma_start3A_123 = tpu.memref_slice %arg8[%dma_start3A_121, %dma_start3A_122] : memref<10240x16xf32, #tpu.memory_space<vmem_shared>> -> memref<10240x16xf32, #tpu.memory_space<vmem_shared>>
    %dma_start3A_124 = tpu.memref_slice %arg12[%dma_start3A_114] : memref<4x!tpu.dma_semaphore, #tpu.memory_space<semaphore_mem>> -> memref<1x!tpu.dma_semaphore, #tpu.memory_space<semaphore_mem>>
    %dma_start3A_125 = tpu.memref_squeeze %dma_start3A_124 : memref<1x!tpu.dma_semaphore, #tpu.memory_space<semaphore_mem>> -> memref<!tpu.dma_semaphore, #tpu.memory_space<semaphore_mem>>
    tpu.enqueue_indirect_dma source(%dma_start3A_123 : memref<10240x16xf32, #tpu.memory_space<vmem_shared>>) target(%dma_start3A_118 : memref<128x16xf32, #tpu.memory_space<vmem>>) offsets(%dma_start3A_120 : memref<128xi32, #tpu.memory_space<vmem>>) semaphore(%dma_start3A_125 : memref<!tpu.dma_semaphore, #tpu.memory_space<semaphore_mem>>)
    %dma_start3A_126 = arith.constant 3 : i32
    %dma_start3A_127 = arith.constant 3 : i32
    %dma_start3A_128 = arith.constant 0 : i32
    %dma_start3A_129 = arith.constant 0 : i32
    %dma_start3A_130 = tpu.memref_slice %arg11[%dma_start3A_126, %dma_start3A_128, %dma_start3A_129] : memref<4x128x16xf32, #tpu.memory_space<vmem>> -> memref<1x128x16xf32, #tpu.memory_space<vmem>>
    %dma_start3A_131 = tpu.memref_squeeze %dma_start3A_130 : memref<1x128x16xf32, #tpu.memory_space<vmem>> -> memref<128x16xf32, #tpu.memory_space<vmem>>
    %dma_start3A_132 = arith.constant 384 : i32
    %dma_start3A_133 = tpu.memref_slice %arg9[%dma_start3A_132] : memref<10752xi32, #tpu.memory_space<vmem>> -> memref<128xi32, #tpu.memory_space<vmem>>
    %dma_start3A_134 = arith.constant 0 : i32
    %dma_start3A_135 = arith.constant 0 : i32
    %dma_start3A_136 = tpu.memref_slice %arg8[%dma_start3A_134, %dma_start3A_135] : memref<10240x16xf32, #tpu.memory_space<vmem_shared>> -> memref<10240x16xf32, #tpu.memory_space<vmem_shared>>
    %dma_start3A_137 = tpu.memref_slice %arg12[%dma_start3A_127] : memref<4x!tpu.dma_semaphore, #tpu.memory_space<semaphore_mem>> -> memref<1x!tpu.dma_semaphore, #tpu.memory_space<semaphore_mem>>
    %dma_start3A_138 = tpu.memref_squeeze %dma_start3A_137 : memref<1x!tpu.dma_semaphore, #tpu.memory_space<semaphore_mem>> -> memref<!tpu.dma_semaphore, #tpu.memory_space<semaphore_mem>>
    tpu.enqueue_indirect_dma source(%dma_start3A_136 : memref<10240x16xf32, #tpu.memory_space<vmem_shared>>) target(%dma_start3A_131 : memref<128x16xf32, #tpu.memory_space<vmem>>) offsets(%dma_start3A_133 : memref<128xi32, #tpu.memory_space<vmem>>) semaphore(%dma_start3A_138 : memref<!tpu.dma_semaphore, #tpu.memory_space<semaphore_mem>>)
    %scan3A = arith.constant 0 : i32
    %scan3A_139 = arith.constant 20 : i32
    %scan3A_140 = arith.addi %scan3A, %scan3A_139 : i32
    %scan3A_141 = arith.constant 1 : i32
    scf.for %scan3A_196 = %scan3A to %scan3A_140 step %scan3A_141  : i32 {
      %mul3A_197 = arith.constant 4 : i32
      %mul3A_198 = arith.muli %scan3A_196, %mul3A_197 : i32
      %add3A_199 = arith.constant 0 : i32
      %add3A_200 = arith.addi %add3A_199, %mul3A_198 : i32
      %add3A_201 = arith.constant 0 : i32
      %add3A_202 = arith.addi %add3A_200, %add3A_201 : i32
      %dma_wait3A_203 = arith.constant 0 : i32
      %dma_wait3A_204 = arith.constant 0 : i32
      %dma_wait3A_205 = arith.constant 0 : i32
      %dma_wait3A_206 = arith.constant 0 : i32
      %dma_wait3A_207 = tpu.memref_slice %arg11[%dma_wait3A_203, %dma_wait3A_205, %dma_wait3A_206] : memref<4x128x16xf32, #tpu.memory_space<vmem>> -> memref<1x128x16xf32, #tpu.memory_space<vmem>>
      %dma_wait3A_208 = tpu.memref_squeeze %dma_wait3A_207 : memref<1x128x16xf32, #tpu.memory_space<vmem>> -> memref<128x16xf32, #tpu.memory_space<vmem>>
      %dma_wait3A_209 = arith.constant 0 : i32
      %dma_wait3A_210 = tpu.memref_slice %arg9[%dma_wait3A_209] : memref<10752xi32, #tpu.memory_space<vmem>> -> memref<128xi32, #tpu.memory_space<vmem>>
      %dma_wait3A_211 = arith.constant 0 : i32
      %dma_wait3A_212 = arith.constant 0 : i32
      %dma_wait3A_213 = tpu.memref_slice %arg8[%dma_wait3A_211, %dma_wait3A_212] : memref<10240x16xf32, #tpu.memory_space<vmem_shared>> -> memref<10240x16xf32, #tpu.memory_space<vmem_shared>>
      %dma_wait3A_214 = tpu.memref_slice %arg12[%dma_wait3A_204] : memref<4x!tpu.dma_semaphore, #tpu.memory_space<semaphore_mem>> -> memref<1x!tpu.dma_semaphore, #tpu.memory_space<semaphore_mem>>
      %dma_wait3A_215 = tpu.memref_squeeze %dma_wait3A_214 : memref<1x!tpu.dma_semaphore, #tpu.memory_space<semaphore_mem>> -> memref<!tpu.dma_semaphore, #tpu.memory_space<semaphore_mem>>
      tpu.wait_indirect_dma semaphore(%dma_wait3A_215 : memref<!tpu.dma_semaphore, #tpu.memory_space<semaphore_mem>>) src(%dma_wait3A_213 : memref<10240x16xf32, #tpu.memory_space<vmem_shared>>) dst(%dma_wait3A_208 : memref<128x16xf32, #tpu.memory_space<vmem>>)
      %mul3A_216 = arith.constant 128 : i32
      %mul3A_217 = arith.muli %add3A_202, %mul3A_216 : i32
      %run_scoped3A = arith.constant 0 : i32
      "tpu.region"() ({
        %run_scoped3A_336 = tpu.sem_alloc : memref<!tpu.dma_semaphore, #tpu.memory_space<semaphore_mem>>
        %dma_start3A_337 = arith.constant 0 : i32
        %dma_start3A_338 = arith.constant 0 : i32
        %dma_start3A_339 = tpu.memref_slice %arg11[%run_scoped3A, %dma_start3A_337, %dma_start3A_338] : memref<4x128x16xf32, #tpu.memory_space<vmem>> -> memref<1x128x16xf32, #tpu.memory_space<vmem>>
        %dma_start3A_340 = tpu.memref_squeeze %dma_start3A_339 : memref<1x128x16xf32, #tpu.memory_space<vmem>> -> memref<128x16xf32, #tpu.memory_space<vmem>>
        %dma_start3A_341 = tpu.memref_slice %arg10[%mul3A_217] : memref<10240xi32, #tpu.memory_space<vmem>> -> memref<128xi32, #tpu.memory_space<vmem>>
        %dma_start3A_342 = arith.constant 0 : i32
        %dma_start3A_343 = arith.constant 0 : i32
        %dma_start3A_344 = tpu.memref_slice %arg7[%dma_start3A_342, %dma_start3A_343] : memref<10240x16xf32, #tpu.memory_space<vmem_shared>> -> memref<10240x16xf32, #tpu.memory_space<vmem_shared>>
        tpu.enqueue_indirect_dma source(%dma_start3A_340 : memref<128x16xf32, #tpu.memory_space<vmem>>) target(%dma_start3A_344 : memref<10240x16xf32, #tpu.memory_space<vmem_shared>>) offsets(%dma_start3A_341 : memref<128xi32, #tpu.memory_space<vmem>>) semaphore(%run_scoped3A_336 : memref<!tpu.dma_semaphore, #tpu.memory_space<semaphore_mem>>) {add = true}
        %dma_wait3A_345 = arith.constant 0 : i32
        %dma_wait3A_346 = arith.constant 0 : i32
        %dma_wait3A_347 = tpu.memref_slice %arg11[%run_scoped3A, %dma_wait3A_345, %dma_wait3A_346] : memref<4x128x16xf32, #tpu.memory_space<vmem>> -> memref<1x128x16xf32, #tpu.memory_space<vmem>>
        %dma_wait3A_348 = tpu.memref_squeeze %dma_wait3A_347 : memref<1x128x16xf32, #tpu.memory_space<vmem>> -> memref<128x16xf32, #tpu.memory_space<vmem>>
        %dma_wait3A_349 = tpu.memref_slice %arg10[%mul3A_217] : memref<10240xi32, #tpu.memory_space<vmem>> -> memref<128xi32, #tpu.memory_space<vmem>>
        %dma_wait3A_350 = arith.constant 0 : i32
        %dma_wait3A_351 = arith.constant 0 : i32
        %dma_wait3A_352 = tpu.memref_slice %arg7[%dma_wait3A_350, %dma_wait3A_351] : memref<10240x16xf32, #tpu.memory_space<vmem_shared>> -> memref<10240x16xf32, #tpu.memory_space<vmem_shared>>
        tpu.wait_indirect_dma semaphore(%run_scoped3A_336 : memref<!tpu.dma_semaphore, #tpu.memory_space<semaphore_mem>>) src(%dma_wait3A_348 : memref<128x16xf32, #tpu.memory_space<vmem>>) dst(%dma_wait3A_352 : memref<10240x16xf32, #tpu.memory_space<vmem_shared>>)
        tpu.yield
      }) : () -> ()
      %add3A_218 = arith.constant 4 : i32
      %add3A_219 = arith.addi %add3A_202, %add3A_218 : i32
      %mul3A_220 = arith.constant 128 : i32
      %mul3A_221 = arith.muli %add3A_219, %mul3A_220 : i32
      %dma_start3A_222 = arith.constant 0 : i32
      %dma_start3A_223 = arith.constant 0 : i32
      %dma_start3A_224 = arith.constant 0 : i32
      %dma_start3A_225 = arith.constant 0 : i32
      %dma_start3A_226 = tpu.memref_slice %arg11[%dma_start3A_222, %dma_start3A_224, %dma_start3A_225] : memref<4x128x16xf32, #tpu.memory_space<vmem>> -> memref<1x128x16xf32, #tpu.memory_space<vmem>>
      %dma_start3A_227 = tpu.memref_squeeze %dma_start3A_226 : memref<1x128x16xf32, #tpu.memory_space<vmem>> -> memref<128x16xf32, #tpu.memory_space<vmem>>
      %dma_start3A_228 = tpu.memref_slice %arg9[%mul3A_221] : memref<10752xi32, #tpu.memory_space<vmem>> -> memref<128xi32, #tpu.memory_space<vmem>>
      %dma_start3A_229 = arith.constant 0 : i32
      %dma_start3A_230 = arith.constant 0 : i32
      %dma_start3A_231 = tpu.memref_slice %arg8[%dma_start3A_229, %dma_start3A_230] : memref<10240x16xf32, #tpu.memory_space<vmem_shared>> -> memref<10240x16xf32, #tpu.memory_space<vmem_shared>>
      %dma_start3A_232 = tpu.memref_slice %arg12[%dma_start3A_223] : memref<4x!tpu.dma_semaphore, #tpu.memory_space<semaphore_mem>> -> memref<1x!tpu.dma_semaphore, #tpu.memory_space<semaphore_mem>>
      %dma_start3A_233 = tpu.memref_squeeze %dma_start3A_232 : memref<1x!tpu.dma_semaphore, #tpu.memory_space<semaphore_mem>> -> memref<!tpu.dma_semaphore, #tpu.memory_space<semaphore_mem>>
      tpu.enqueue_indirect_dma source(%dma_start3A_231 : memref<10240x16xf32, #tpu.memory_space<vmem_shared>>) target(%dma_start3A_227 : memref<128x16xf32, #tpu.memory_space<vmem>>) offsets(%dma_start3A_228 : memref<128xi32, #tpu.memory_space<vmem>>) semaphore(%dma_start3A_233 : memref<!tpu.dma_semaphore, #tpu.memory_space<semaphore_mem>>)
      %add3A_234 = arith.constant 1 : i32
      %add3A_235 = arith.addi %add3A_200, %add3A_234 : i32
      %dma_wait3A_236 = arith.constant 1 : i32
      %dma_wait3A_237 = arith.constant 1 : i32
      %dma_wait3A_238 = arith.constant 0 : i32
      %dma_wait3A_239 = arith.constant 0 : i32
      %dma_wait3A_240 = tpu.memref_slice %arg11[%dma_wait3A_236, %dma_wait3A_238, %dma_wait3A_239] : memref<4x128x16xf32, #tpu.memory_space<vmem>> -> memref<1x128x16xf32, #tpu.memory_space<vmem>>
      %dma_wait3A_241 = tpu.memref_squeeze %dma_wait3A_240 : memref<1x128x16xf32, #tpu.memory_space<vmem>> -> memref<128x16xf32, #tpu.memory_space<vmem>>
      %dma_wait3A_242 = arith.constant 128 : i32
      %dma_wait3A_243 = tpu.memref_slice %arg9[%dma_wait3A_242] : memref<10752xi32, #tpu.memory_space<vmem>> -> memref<128xi32, #tpu.memory_space<vmem>>
      %dma_wait3A_244 = arith.constant 0 : i32
      %dma_wait3A_245 = arith.constant 0 : i32
      %dma_wait3A_246 = tpu.memref_slice %arg8[%dma_wait3A_244, %dma_wait3A_245] : memref<10240x16xf32, #tpu.memory_space<vmem_shared>> -> memref<10240x16xf32, #tpu.memory_space<vmem_shared>>
      %dma_wait3A_247 = tpu.memref_slice %arg12[%dma_wait3A_237] : memref<4x!tpu.dma_semaphore, #tpu.memory_space<semaphore_mem>> -> memref<1x!tpu.dma_semaphore, #tpu.memory_space<semaphore_mem>>
      %dma_wait3A_248 = tpu.memref_squeeze %dma_wait3A_247 : memref<1x!tpu.dma_semaphore, #tpu.memory_space<semaphore_mem>> -> memref<!tpu.dma_semaphore, #tpu.memory_space<semaphore_mem>>
      tpu.wait_indirect_dma semaphore(%dma_wait3A_248 : memref<!tpu.dma_semaphore, #tpu.memory_space<semaphore_mem>>) src(%dma_wait3A_246 : memref<10240x16xf32, #tpu.memory_space<vmem_shared>>) dst(%dma_wait3A_241 : memref<128x16xf32, #tpu.memory_space<vmem>>)
      %mul3A_249 = arith.constant 128 : i32
      %mul3A_250 = arith.muli %add3A_235, %mul3A_249 : i32
      %run_scoped3A_251 = arith.constant 1 : i32
      "tpu.region"() ({
        %run_scoped3A_336 = tpu.sem_alloc : memref<!tpu.dma_semaphore, #tpu.memory_space<semaphore_mem>>
        %dma_start3A_337 = arith.constant 0 : i32
        %dma_start3A_338 = arith.constant 0 : i32
        %dma_start3A_339 = tpu.memref_slice %arg11[%run_scoped3A_251, %dma_start3A_337, %dma_start3A_338] : memref<4x128x16xf32, #tpu.memory_space<vmem>> -> memref<1x128x16xf32, #tpu.memory_space<vmem>>
        %dma_start3A_340 = tpu.memref_squeeze %dma_start3A_339 : memref<1x128x16xf32, #tpu.memory_space<vmem>> -> memref<128x16xf32, #tpu.memory_space<vmem>>
        %dma_start3A_341 = tpu.memref_slice %arg10[%mul3A_250] : memref<10240xi32, #tpu.memory_space<vmem>> -> memref<128xi32, #tpu.memory_space<vmem>>
        %dma_start3A_342 = arith.constant 0 : i32
        %dma_start3A_343 = arith.constant 0 : i32
        %dma_start3A_344 = tpu.memref_slice %arg7[%dma_start3A_342, %dma_start3A_343] : memref<10240x16xf32, #tpu.memory_space<vmem_shared>> -> memref<10240x16xf32, #tpu.memory_space<vmem_shared>>
        tpu.enqueue_indirect_dma source(%dma_start3A_340 : memref<128x16xf32, #tpu.memory_space<vmem>>) target(%dma_start3A_344 : memref<10240x16xf32, #tpu.memory_space<vmem_shared>>) offsets(%dma_start3A_341 : memref<128xi32, #tpu.memory_space<vmem>>) semaphore(%run_scoped3A_336 : memref<!tpu.dma_semaphore, #tpu.memory_space<semaphore_mem>>) {add = true}
        %dma_wait3A_345 = arith.constant 0 : i32
        %dma_wait3A_346 = arith.constant 0 : i32
        %dma_wait3A_347 = tpu.memref_slice %arg11[%run_scoped3A_251, %dma_wait3A_345, %dma_wait3A_346] : memref<4x128x16xf32, #tpu.memory_space<vmem>> -> memref<1x128x16xf32, #tpu.memory_space<vmem>>
        %dma_wait3A_348 = tpu.memref_squeeze %dma_wait3A_347 : memref<1x128x16xf32, #tpu.memory_space<vmem>> -> memref<128x16xf32, #tpu.memory_space<vmem>>
        %dma_wait3A_349 = tpu.memref_slice %arg10[%mul3A_250] : memref<10240xi32, #tpu.memory_space<vmem>> -> memref<128xi32, #tpu.memory_space<vmem>>
        %dma_wait3A_350 = arith.constant 0 : i32
        %dma_wait3A_351 = arith.constant 0 : i32
        %dma_wait3A_352 = tpu.memref_slice %arg7[%dma_wait3A_350, %dma_wait3A_351] : memref<10240x16xf32, #tpu.memory_space<vmem_shared>> -> memref<10240x16xf32, #tpu.memory_space<vmem_shared>>
        tpu.wait_indirect_dma semaphore(%run_scoped3A_336 : memref<!tpu.dma_semaphore, #tpu.memory_space<semaphore_mem>>) src(%dma_wait3A_348 : memref<128x16xf32, #tpu.memory_space<vmem>>) dst(%dma_wait3A_352 : memref<10240x16xf32, #tpu.memory_space<vmem_shared>>)
        tpu.yield
      }) : () -> ()
      %add3A_252 = arith.constant 4 : i32
      %add3A_253 = arith.addi %add3A_235, %add3A_252 : i32
      %mul3A_254 = arith.constant 128 : i32
      %mul3A_255 = arith.muli %add3A_253, %mul3A_254 : i32
      %dma_start3A_256 = arith.constant 1 : i32
      %dma_start3A_257 = arith.constant 1 : i32
      %dma_start3A_258 = arith.constant 0 : i32
      %dma_start3A_259 = arith.constant 0 : i32
      %dma_start3A_260 = tpu.memref_slice %arg11[%dma_start3A_256, %dma_start3A_258, %dma_start3A_259] : memref<4x128x16xf32, #tpu.memory_space<vmem>> -> memref<1x128x16xf32, #tpu.memory_space<vmem>>
      %dma_start3A_261 = tpu.memref_squeeze %dma_start3A_260 : memref<1x128x16xf32, #tpu.memory_space<vmem>> -> memref<128x16xf32, #tpu.memory_space<vmem>>
      %dma_start3A_262 = tpu.memref_slice %arg9[%mul3A_255] : memref<10752xi32, #tpu.memory_space<vmem>> -> memref<128xi32, #tpu.memory_space<vmem>>
      %dma_start3A_263 = arith.constant 0 : i32
      %dma_start3A_264 = arith.constant 0 : i32
      %dma_start3A_265 = tpu.memref_slice %arg8[%dma_start3A_263, %dma_start3A_264] : memref<10240x16xf32, #tpu.memory_space<vmem_shared>> -> memref<10240x16xf32, #tpu.memory_space<vmem_shared>>
      %dma_start3A_266 = tpu.memref_slice %arg12[%dma_start3A_257] : memref<4x!tpu.dma_semaphore, #tpu.memory_space<semaphore_mem>> -> memref<1x!tpu.dma_semaphore, #tpu.memory_space<semaphore_mem>>
      %dma_start3A_267 = tpu.memref_squeeze %dma_start3A_266 : memref<1x!tpu.dma_semaphore, #tpu.memory_space<semaphore_mem>> -> memref<!tpu.dma_semaphore, #tpu.memory_space<semaphore_mem>>
      tpu.enqueue_indirect_dma source(%dma_start3A_265 : memref<10240x16xf32, #tpu.memory_space<vmem_shared>>) target(%dma_start3A_261 : memref<128x16xf32, #tpu.memory_space<vmem>>) offsets(%dma_start3A_262 : memref<128xi32, #tpu.memory_space<vmem>>) semaphore(%dma_start3A_267 : memref<!tpu.dma_semaphore, #tpu.memory_space<semaphore_mem>>)
      %add3A_268 = arith.constant 2 : i32
      %add3A_269 = arith.addi %add3A_200, %add3A_268 : i32
      %dma_wait3A_270 = arith.constant 2 : i32
      %dma_wait3A_271 = arith.constant 2 : i32
      %dma_wait3A_272 = arith.constant 0 : i32
      %dma_wait3A_273 = arith.constant 0 : i32
      %dma_wait3A_274 = tpu.memref_slice %arg11[%dma_wait3A_270, %dma_wait3A_272, %dma_wait3A_273] : memref<4x128x16xf32, #tpu.memory_space<vmem>> -> memref<1x128x16xf32, #tpu.memory_space<vmem>>
      %dma_wait3A_275 = tpu.memref_squeeze %dma_wait3A_274 : memref<1x128x16xf32, #tpu.memory_space<vmem>> -> memref<128x16xf32, #tpu.memory_space<vmem>>
      %dma_wait3A_276 = arith.constant 256 : i32
      %dma_wait3A_277 = tpu.memref_slice %arg9[%dma_wait3A_276] : memref<10752xi32, #tpu.memory_space<vmem>> -> memref<128xi32, #tpu.memory_space<vmem>>
      %dma_wait3A_278 = arith.constant 0 : i32
      %dma_wait3A_279 = arith.constant 0 : i32
      %dma_wait3A_280 = tpu.memref_slice %arg8[%dma_wait3A_278, %dma_wait3A_279] : memref<10240x16xf32, #tpu.memory_space<vmem_shared>> -> memref<10240x16xf32, #tpu.memory_space<vmem_shared>>
      %dma_wait3A_281 = tpu.memref_slice %arg12[%dma_wait3A_271] : memref<4x!tpu.dma_semaphore, #tpu.memory_space<semaphore_mem>> -> memref<1x!tpu.dma_semaphore, #tpu.memory_space<semaphore_mem>>
      %dma_wait3A_282 = tpu.memref_squeeze %dma_wait3A_281 : memref<1x!tpu.dma_semaphore, #tpu.memory_space<semaphore_mem>> -> memref<!tpu.dma_semaphore, #tpu.memory_space<semaphore_mem>>
      tpu.wait_indirect_dma semaphore(%dma_wait3A_282 : memref<!tpu.dma_semaphore, #tpu.memory_space<semaphore_mem>>) src(%dma_wait3A_280 : memref<10240x16xf32, #tpu.memory_space<vmem_shared>>) dst(%dma_wait3A_275 : memref<128x16xf32, #tpu.memory_space<vmem>>)
      %mul3A_283 = arith.constant 128 : i32
      %mul3A_284 = arith.muli %add3A_269, %mul3A_283 : i32
      %run_scoped3A_285 = arith.constant 2 : i32
      "tpu.region"() ({
        %run_scoped3A_336 = tpu.sem_alloc : memref<!tpu.dma_semaphore, #tpu.memory_space<semaphore_mem>>
        %dma_start3A_337 = arith.constant 0 : i32
        %dma_start3A_338 = arith.constant 0 : i32
        %dma_start3A_339 = tpu.memref_slice %arg11[%run_scoped3A_285, %dma_start3A_337, %dma_start3A_338] : memref<4x128x16xf32, #tpu.memory_space<vmem>> -> memref<1x128x16xf32, #tpu.memory_space<vmem>>
        %dma_start3A_340 = tpu.memref_squeeze %dma_start3A_339 : memref<1x128x16xf32, #tpu.memory_space<vmem>> -> memref<128x16xf32, #tpu.memory_space<vmem>>
        %dma_start3A_341 = tpu.memref_slice %arg10[%mul3A_284] : memref<10240xi32, #tpu.memory_space<vmem>> -> memref<128xi32, #tpu.memory_space<vmem>>
        %dma_start3A_342 = arith.constant 0 : i32
        %dma_start3A_343 = arith.constant 0 : i32
        %dma_start3A_344 = tpu.memref_slice %arg7[%dma_start3A_342, %dma_start3A_343] : memref<10240x16xf32, #tpu.memory_space<vmem_shared>> -> memref<10240x16xf32, #tpu.memory_space<vmem_shared>>
        tpu.enqueue_indirect_dma source(%dma_start3A_340 : memref<128x16xf32, #tpu.memory_space<vmem>>) target(%dma_start3A_344 : memref<10240x16xf32, #tpu.memory_space<vmem_shared>>) offsets(%dma_start3A_341 : memref<128xi32, #tpu.memory_space<vmem>>) semaphore(%run_scoped3A_336 : memref<!tpu.dma_semaphore, #tpu.memory_space<semaphore_mem>>) {add = true}
        %dma_wait3A_345 = arith.constant 0 : i32
        %dma_wait3A_346 = arith.constant 0 : i32
        %dma_wait3A_347 = tpu.memref_slice %arg11[%run_scoped3A_285, %dma_wait3A_345, %dma_wait3A_346] : memref<4x128x16xf32, #tpu.memory_space<vmem>> -> memref<1x128x16xf32, #tpu.memory_space<vmem>>
        %dma_wait3A_348 = tpu.memref_squeeze %dma_wait3A_347 : memref<1x128x16xf32, #tpu.memory_space<vmem>> -> memref<128x16xf32, #tpu.memory_space<vmem>>
        %dma_wait3A_349 = tpu.memref_slice %arg10[%mul3A_284] : memref<10240xi32, #tpu.memory_space<vmem>> -> memref<128xi32, #tpu.memory_space<vmem>>
        %dma_wait3A_350 = arith.constant 0 : i32
        %dma_wait3A_351 = arith.constant 0 : i32
        %dma_wait3A_352 = tpu.memref_slice %arg7[%dma_wait3A_350, %dma_wait3A_351] : memref<10240x16xf32, #tpu.memory_space<vmem_shared>> -> memref<10240x16xf32, #tpu.memory_space<vmem_shared>>
        tpu.wait_indirect_dma semaphore(%run_scoped3A_336 : memref<!tpu.dma_semaphore, #tpu.memory_space<semaphore_mem>>) src(%dma_wait3A_348 : memref<128x16xf32, #tpu.memory_space<vmem>>) dst(%dma_wait3A_352 : memref<10240x16xf32, #tpu.memory_space<vmem_shared>>)
        tpu.yield
      }) : () -> ()
      %add3A_286 = arith.constant 4 : i32
      %add3A_287 = arith.addi %add3A_269, %add3A_286 : i32
      %mul3A_288 = arith.constant 128 : i32
      %mul3A_289 = arith.muli %add3A_287, %mul3A_288 : i32
      %dma_start3A_290 = arith.constant 2 : i32
      %dma_start3A_291 = arith.constant 2 : i32
      %dma_start3A_292 = arith.constant 0 : i32
      %dma_start3A_293 = arith.constant 0 : i32
      %dma_start3A_294 = tpu.memref_slice %arg11[%dma_start3A_290, %dma_start3A_292, %dma_start3A_293] : memref<4x128x16xf32, #tpu.memory_space<vmem>> -> memref<1x128x16xf32, #tpu.memory_space<vmem>>
      %dma_start3A_295 = tpu.memref_squeeze %dma_start3A_294 : memref<1x128x16xf32, #tpu.memory_space<vmem>> -> memref<128x16xf32, #tpu.memory_space<vmem>>
      %dma_start3A_296 = tpu.memref_slice %arg9[%mul3A_289] : memref<10752xi32, #tpu.memory_space<vmem>> -> memref<128xi32, #tpu.memory_space<vmem>>
      %dma_start3A_297 = arith.constant 0 : i32
      %dma_start3A_298 = arith.constant 0 : i32
      %dma_start3A_299 = tpu.memref_slice %arg8[%dma_start3A_297, %dma_start3A_298] : memref<10240x16xf32, #tpu.memory_space<vmem_shared>> -> memref<10240x16xf32, #tpu.memory_space<vmem_shared>>
      %dma_start3A_300 = tpu.memref_slice %arg12[%dma_start3A_291] : memref<4x!tpu.dma_semaphore, #tpu.memory_space<semaphore_mem>> -> memref<1x!tpu.dma_semaphore, #tpu.memory_space<semaphore_mem>>
      %dma_start3A_301 = tpu.memref_squeeze %dma_start3A_300 : memref<1x!tpu.dma_semaphore, #tpu.memory_space<semaphore_mem>> -> memref<!tpu.dma_semaphore, #tpu.memory_space<semaphore_mem>>
      tpu.enqueue_indirect_dma source(%dma_start3A_299 : memref<10240x16xf32, #tpu.memory_space<vmem_shared>>) target(%dma_start3A_295 : memref<128x16xf32, #tpu.memory_space<vmem>>) offsets(%dma_start3A_296 : memref<128xi32, #tpu.memory_space<vmem>>) semaphore(%dma_start3A_301 : memref<!tpu.dma_semaphore, #tpu.memory_space<semaphore_mem>>)
      %add3A_302 = arith.constant 3 : i32
      %add3A_303 = arith.addi %add3A_200, %add3A_302 : i32
      %dma_wait3A_304 = arith.constant 3 : i32
      %dma_wait3A_305 = arith.constant 3 : i32
      %dma_wait3A_306 = arith.constant 0 : i32
      %dma_wait3A_307 = arith.constant 0 : i32
      %dma_wait3A_308 = tpu.memref_slice %arg11[%dma_wait3A_304, %dma_wait3A_306, %dma_wait3A_307] : memref<4x128x16xf32, #tpu.memory_space<vmem>> -> memref<1x128x16xf32, #tpu.memory_space<vmem>>
      %dma_wait3A_309 = tpu.memref_squeeze %dma_wait3A_308 : memref<1x128x16xf32, #tpu.memory_space<vmem>> -> memref<128x16xf32, #tpu.memory_space<vmem>>
      %dma_wait3A_310 = arith.constant 384 : i32
      %dma_wait3A_311 = tpu.memref_slice %arg9[%dma_wait3A_310] : memref<10752xi32, #tpu.memory_space<vmem>> -> memref<128xi32, #tpu.memory_space<vmem>>
      %dma_wait3A_312 = arith.constant 0 : i32
      %dma_wait3A_313 = arith.constant 0 : i32
      %dma_wait3A_314 = tpu.memref_slice %arg8[%dma_wait3A_312, %dma_wait3A_313] : memref<10240x16xf32, #tpu.memory_space<vmem_shared>> -> memref<10240x16xf32, #tpu.memory_space<vmem_shared>>
      %dma_wait3A_315 = tpu.memref_slice %arg12[%dma_wait3A_305] : memref<4x!tpu.dma_semaphore, #tpu.memory_space<semaphore_mem>> -> memref<1x!tpu.dma_semaphore, #tpu.memory_space<semaphore_mem>>
      %dma_wait3A_316 = tpu.memref_squeeze %dma_wait3A_315 : memref<1x!tpu.dma_semaphore, #tpu.memory_space<semaphore_mem>> -> memref<!tpu.dma_semaphore, #tpu.memory_space<semaphore_mem>>
      tpu.wait_indirect_dma semaphore(%dma_wait3A_316 : memref<!tpu.dma_semaphore, #tpu.memory_space<semaphore_mem>>) src(%dma_wait3A_314 : memref<10240x16xf32, #tpu.memory_space<vmem_shared>>) dst(%dma_wait3A_309 : memref<128x16xf32, #tpu.memory_space<vmem>>)
      %mul3A_317 = arith.constant 128 : i32
      %mul3A_318 = arith.muli %add3A_303, %mul3A_317 : i32
      %run_scoped3A_319 = arith.constant 3 : i32
      "tpu.region"() ({
        %run_scoped3A_336 = tpu.sem_alloc : memref<!tpu.dma_semaphore, #tpu.memory_space<semaphore_mem>>
        %dma_start3A_337 = arith.constant 0 : i32
        %dma_start3A_338 = arith.constant 0 : i32
        %dma_start3A_339 = tpu.memref_slice %arg11[%run_scoped3A_319, %dma_start3A_337, %dma_start3A_338] : memref<4x128x16xf32, #tpu.memory_space<vmem>> -> memref<1x128x16xf32, #tpu.memory_space<vmem>>
        %dma_start3A_340 = tpu.memref_squeeze %dma_start3A_339 : memref<1x128x16xf32, #tpu.memory_space<vmem>> -> memref<128x16xf32, #tpu.memory_space<vmem>>
        %dma_start3A_341 = tpu.memref_slice %arg10[%mul3A_318] : memref<10240xi32, #tpu.memory_space<vmem>> -> memref<128xi32, #tpu.memory_space<vmem>>
        %dma_start3A_342 = arith.constant 0 : i32
        %dma_start3A_343 = arith.constant 0 : i32
        %dma_start3A_344 = tpu.memref_slice %arg7[%dma_start3A_342, %dma_start3A_343] : memref<10240x16xf32, #tpu.memory_space<vmem_shared>> -> memref<10240x16xf32, #tpu.memory_space<vmem_shared>>
        tpu.enqueue_indirect_dma source(%dma_start3A_340 : memref<128x16xf32, #tpu.memory_space<vmem>>) target(%dma_start3A_344 : memref<10240x16xf32, #tpu.memory_space<vmem_shared>>) offsets(%dma_start3A_341 : memref<128xi32, #tpu.memory_space<vmem>>) semaphore(%run_scoped3A_336 : memref<!tpu.dma_semaphore, #tpu.memory_space<semaphore_mem>>) {add = true}
        %dma_wait3A_345 = arith.constant 0 : i32
        %dma_wait3A_346 = arith.constant 0 : i32
        %dma_wait3A_347 = tpu.memref_slice %arg11[%run_scoped3A_319, %dma_wait3A_345, %dma_wait3A_346] : memref<4x128x16xf32, #tpu.memory_space<vmem>> -> memref<1x128x16xf32, #tpu.memory_space<vmem>>
        %dma_wait3A_348 = tpu.memref_squeeze %dma_wait3A_347 : memref<1x128x16xf32, #tpu.memory_space<vmem>> -> memref<128x16xf32, #tpu.memory_space<vmem>>
        %dma_wait3A_349 = tpu.memref_slice %arg10[%mul3A_318] : memref<10240xi32, #tpu.memory_space<vmem>> -> memref<128xi32, #tpu.memory_space<vmem>>
        %dma_wait3A_350 = arith.constant 0 : i32
        %dma_wait3A_351 = arith.constant 0 : i32
        %dma_wait3A_352 = tpu.memref_slice %arg7[%dma_wait3A_350, %dma_wait3A_351] : memref<10240x16xf32, #tpu.memory_space<vmem_shared>> -> memref<10240x16xf32, #tpu.memory_space<vmem_shared>>
        tpu.wait_indirect_dma semaphore(%run_scoped3A_336 : memref<!tpu.dma_semaphore, #tpu.memory_space<semaphore_mem>>) src(%dma_wait3A_348 : memref<128x16xf32, #tpu.memory_space<vmem>>) dst(%dma_wait3A_352 : memref<10240x16xf32, #tpu.memory_space<vmem_shared>>)
        tpu.yield
      }) : () -> ()
      %add3A_320 = arith.constant 4 : i32
      %add3A_321 = arith.addi %add3A_303, %add3A_320 : i32
      %mul3A_322 = arith.constant 128 : i32
      %mul3A_323 = arith.muli %add3A_321, %mul3A_322 : i32
      %dma_start3A_324 = arith.constant 3 : i32
      %dma_start3A_325 = arith.constant 3 : i32
      %dma_start3A_326 = arith.constant 0 : i32
      %dma_start3A_327 = arith.constant 0 : i32
      %dma_start3A_328 = tpu.memref_slice %arg11[%dma_start3A_324, %dma_start3A_326, %dma_start3A_327] : memref<4x128x16xf32, #tpu.memory_space<vmem>> -> memref<1x128x16xf32, #tpu.memory_space<vmem>>
      %dma_start3A_329 = tpu.memref_squeeze %dma_start3A_328 : memref<1x128x16xf32, #tpu.memory_space<vmem>> -> memref<128x16xf32, #tpu.memory_space<vmem>>
      %dma_start3A_330 = tpu.memref_slice %arg9[%mul3A_323] : memref<10752xi32, #tpu.memory_space<vmem>> -> memref<128xi32, #tpu.memory_space<vmem>>
      %dma_start3A_331 = arith.constant 0 : i32
      %dma_start3A_332 = arith.constant 0 : i32
      %dma_start3A_333 = tpu.memref_slice %arg8[%dma_start3A_331, %dma_start3A_332] : memref<10240x16xf32, #tpu.memory_space<vmem_shared>> -> memref<10240x16xf32, #tpu.memory_space<vmem_shared>>
      %dma_start3A_334 = tpu.memref_slice %arg12[%dma_start3A_325] : memref<4x!tpu.dma_semaphore, #tpu.memory_space<semaphore_mem>> -> memref<1x!tpu.dma_semaphore, #tpu.memory_space<semaphore_mem>>
      %dma_start3A_335 = tpu.memref_squeeze %dma_start3A_334 : memref<1x!tpu.dma_semaphore, #tpu.memory_space<semaphore_mem>> -> memref<!tpu.dma_semaphore, #tpu.memory_space<semaphore_mem>>
      tpu.enqueue_indirect_dma source(%dma_start3A_333 : memref<10240x16xf32, #tpu.memory_space<vmem_shared>>) target(%dma_start3A_329 : memref<128x16xf32, #tpu.memory_space<vmem>>) offsets(%dma_start3A_330 : memref<128xi32, #tpu.memory_space<vmem>>) semaphore(%dma_start3A_335 : memref<!tpu.dma_semaphore, #tpu.memory_space<semaphore_mem>>)
    }
    %scan3A_142 = arith.constant 20 : i32
    %dma_wait3A_143 = arith.constant 0 : i32
    %dma_wait3A_144 = arith.constant 0 : i32
    %dma_wait3A_145 = arith.constant 0 : i32
    %dma_wait3A_146 = arith.constant 0 : i32
    %dma_wait3A_147 = tpu.memref_slice %arg11[%dma_wait3A_143, %dma_wait3A_145, %dma_wait3A_146] : memref<4x128x16xf32, #tpu.memory_space<vmem>> -> memref<1x128x16xf32, #tpu.memory_space<vmem>>
    %dma_wait3A_148 = tpu.memref_squeeze %dma_wait3A_147 : memref<1x128x16xf32, #tpu.memory_space<vmem>> -> memref<128x16xf32, #tpu.memory_space<vmem>>
    %dma_wait3A_149 = arith.constant 0 : i32
    %dma_wait3A_150 = tpu.memref_slice %arg9[%dma_wait3A_149] : memref<10752xi32, #tpu.memory_space<vmem>> -> memref<128xi32, #tpu.memory_space<vmem>>
    %dma_wait3A_151 = arith.constant 0 : i32
    %dma_wait3A_152 = arith.constant 0 : i32
    %dma_wait3A_153 = tpu.memref_slice %arg8[%dma_wait3A_151, %dma_wait3A_152] : memref<10240x16xf32, #tpu.memory_space<vmem_shared>> -> memref<10240x16xf32, #tpu.memory_space<vmem_shared>>
    %dma_wait3A_154 = tpu.memref_slice %arg12[%dma_wait3A_144] : memref<4x!tpu.dma_semaphore, #tpu.memory_space<semaphore_mem>> -> memref<1x!tpu.dma_semaphore, #tpu.memory_space<semaphore_mem>>
    %dma_wait3A_155 = tpu.memref_squeeze %dma_wait3A_154 : memref<1x!tpu.dma_semaphore, #tpu.memory_space<semaphore_mem>> -> memref<!tpu.dma_semaphore, #tpu.memory_space<semaphore_mem>>
    tpu.wait_indirect_dma semaphore(%dma_wait3A_155 : memref<!tpu.dma_semaphore, #tpu.memory_space<semaphore_mem>>) src(%dma_wait3A_153 : memref<10240x16xf32, #tpu.memory_space<vmem_shared>>) dst(%dma_wait3A_148 : memref<128x16xf32, #tpu.memory_space<vmem>>)
    %dma_wait3A_156 = arith.constant 1 : i32
    %dma_wait3A_157 = arith.constant 1 : i32
    %dma_wait3A_158 = arith.constant 0 : i32
    %dma_wait3A_159 = arith.constant 0 : i32
    %dma_wait3A_160 = tpu.memref_slice %arg11[%dma_wait3A_156, %dma_wait3A_158, %dma_wait3A_159] : memref<4x128x16xf32, #tpu.memory_space<vmem>> -> memref<1x128x16xf32, #tpu.memory_space<vmem>>
    %dma_wait3A_161 = tpu.memref_squeeze %dma_wait3A_160 : memref<1x128x16xf32, #tpu.memory_space<vmem>> -> memref<128x16xf32, #tpu.memory_space<vmem>>
    %dma_wait3A_162 = arith.constant 128 : i32
    %dma_wait3A_163 = tpu.memref_slice %arg9[%dma_wait3A_162] : memref<10752xi32, #tpu.memory_space<vmem>> -> memref<128xi32, #tpu.memory_space<vmem>>
    %dma_wait3A_164 = arith.constant 0 : i32
    %dma_wait3A_165 = arith.constant 0 : i32
    %dma_wait3A_166 = tpu.memref_slice %arg8[%dma_wait3A_164, %dma_wait3A_165] : memref<10240x16xf32, #tpu.memory_space<vmem_shared>> -> memref<10240x16xf32, #tpu.memory_space<vmem_shared>>
    %dma_wait3A_167 = tpu.memref_slice %arg12[%dma_wait3A_157] : memref<4x!tpu.dma_semaphore, #tpu.memory_space<semaphore_mem>> -> memref<1x!tpu.dma_semaphore, #tpu.memory_space<semaphore_mem>>
    %dma_wait3A_168 = tpu.memref_squeeze %dma_wait3A_167 : memref<1x!tpu.dma_semaphore, #tpu.memory_space<semaphore_mem>> -> memref<!tpu.dma_semaphore, #tpu.memory_space<semaphore_mem>>
    tpu.wait_indirect_dma semaphore(%dma_wait3A_168 : memref<!tpu.dma_semaphore, #tpu.memory_space<semaphore_mem>>) src(%dma_wait3A_166 : memref<10240x16xf32, #tpu.memory_space<vmem_shared>>) dst(%dma_wait3A_161 : memref<128x16xf32, #tpu.memory_space<vmem>>)
    %dma_wait3A_169 = arith.constant 2 : i32
    %dma_wait3A_170 = arith.constant 2 : i32
    %dma_wait3A_171 = arith.constant 0 : i32
    %dma_wait3A_172 = arith.constant 0 : i32
    %dma_wait3A_173 = tpu.memref_slice %arg11[%dma_wait3A_169, %dma_wait3A_171, %dma_wait3A_172] : memref<4x128x16xf32, #tpu.memory_space<vmem>> -> memref<1x128x16xf32, #tpu.memory_space<vmem>>
    %dma_wait3A_174 = tpu.memref_squeeze %dma_wait3A_173 : memref<1x128x16xf32, #tpu.memory_space<vmem>> -> memref<128x16xf32, #tpu.memory_space<vmem>>
    %dma_wait3A_175 = arith.constant 256 : i32
    %dma_wait3A_176 = tpu.memref_slice %arg9[%dma_wait3A_175] : memref<10752xi32, #tpu.memory_space<vmem>> -> memref<128xi32, #tpu.memory_space<vmem>>
    %dma_wait3A_177 = arith.constant 0 : i32
    %dma_wait3A_178 = arith.constant 0 : i32
    %dma_wait3A_179 = tpu.memref_slice %arg8[%dma_wait3A_177, %dma_wait3A_178] : memref<10240x16xf32, #tpu.memory_space<vmem_shared>> -> memref<10240x16xf32, #tpu.memory_space<vmem_shared>>
    %dma_wait3A_180 = tpu.memref_slice %arg12[%dma_wait3A_170] : memref<4x!tpu.dma_semaphore, #tpu.memory_space<semaphore_mem>> -> memref<1x!tpu.dma_semaphore, #tpu.memory_space<semaphore_mem>>
    %dma_wait3A_181 = tpu.memref_squeeze %dma_wait3A_180 : memref<1x!tpu.dma_semaphore, #tpu.memory_space<semaphore_mem>> -> memref<!tpu.dma_semaphore, #tpu.memory_space<semaphore_mem>>
    tpu.wait_indirect_dma semaphore(%dma_wait3A_181 : memref<!tpu.dma_semaphore, #tpu.memory_space<semaphore_mem>>) src(%dma_wait3A_179 : memref<10240x16xf32, #tpu.memory_space<vmem_shared>>) dst(%dma_wait3A_174 : memref<128x16xf32, #tpu.memory_space<vmem>>)
    %dma_wait3A_182 = arith.constant 3 : i32
    %dma_wait3A_183 = arith.constant 3 : i32
    %dma_wait3A_184 = arith.constant 0 : i32
    %dma_wait3A_185 = arith.constant 0 : i32
    %dma_wait3A_186 = tpu.memref_slice %arg11[%dma_wait3A_182, %dma_wait3A_184, %dma_wait3A_185] : memref<4x128x16xf32, #tpu.memory_space<vmem>> -> memref<1x128x16xf32, #tpu.memory_space<vmem>>
    %dma_wait3A_187 = tpu.memref_squeeze %dma_wait3A_186 : memref<1x128x16xf32, #tpu.memory_space<vmem>> -> memref<128x16xf32, #tpu.memory_space<vmem>>
    %dma_wait3A_188 = arith.constant 384 : i32
    %dma_wait3A_189 = tpu.memref_slice %arg9[%dma_wait3A_188] : memref<10752xi32, #tpu.memory_space<vmem>> -> memref<128xi32, #tpu.memory_space<vmem>>
    %dma_wait3A_190 = arith.constant 0 : i32
    %dma_wait3A_191 = arith.constant 0 : i32
    %dma_wait3A_192 = tpu.memref_slice %arg8[%dma_wait3A_190, %dma_wait3A_191] : memref<10240x16xf32, #tpu.memory_space<vmem_shared>> -> memref<10240x16xf32, #tpu.memory_space<vmem_shared>>
    %dma_wait3A_193 = tpu.memref_slice %arg12[%dma_wait3A_183] : memref<4x!tpu.dma_semaphore, #tpu.memory_space<semaphore_mem>> -> memref<1x!tpu.dma_semaphore, #tpu.memory_space<semaphore_mem>>
    %dma_wait3A_194 = tpu.memref_squeeze %dma_wait3A_193 : memref<1x!tpu.dma_semaphore, #tpu.memory_space<semaphore_mem>> -> memref<!tpu.dma_semaphore, #tpu.memory_space<semaphore_mem>>
    tpu.wait_indirect_dma semaphore(%dma_wait3A_194 : memref<!tpu.dma_semaphore, #tpu.memory_space<semaphore_mem>>) src(%dma_wait3A_192 : memref<10240x16xf32, #tpu.memory_space<vmem_shared>>) dst(%dma_wait3A_187 : memref<128x16xf32, #tpu.memory_space<vmem>>)
    %barrier3A_195 = arith.constant 0 : index
    tpu.barrier barrier_id(%barrier3A_195)
    "tpu.region"() ({
      %run_scoped3A = tpu.sem_alloc : memref<!tpu.dma_semaphore, #tpu.memory_space<semaphore_mem>>
      %dma_start3A_196 = arith.constant 0 : i32
      %dma_start3A_197 = arith.constant 0 : i32
      %dma_start3A_198 = tpu.memref_slice %arg6[%arg0, %dma_start3A_196, %dma_start3A_197] : memref<2x10240x16xf32, #tpu.memory_space<hbm>> -> memref<1x10240x16xf32, #tpu.memory_space<hbm>>
      %dma_start3A_199 = tpu.memref_squeeze %dma_start3A_198 : memref<1x10240x16xf32, #tpu.memory_space<hbm>> -> memref<10240x16xf32, #tpu.memory_space<hbm>>
      %dma_start3A_200 = arith.constant 0 : i32
      %dma_start3A_201 = tpu.memref_slice %dma_start3A_199[%mul3A_0, %dma_start3A_200] : memref<10240x16xf32, #tpu.memory_space<hbm>> -> memref<640x16xf32, #tpu.memory_space<hbm>>
      %dma_start3A_202 = arith.constant 0 : i32
      %dma_start3A_203 = tpu.memref_slice %arg7[%mul3A_0, %dma_start3A_202] : memref<10240x16xf32, #tpu.memory_space<vmem_shared>> -> memref<640x16xf32, #tpu.memory_space<vmem_shared>>
      tpu.enqueue_dma source(%dma_start3A_203 : memref<640x16xf32, #tpu.memory_space<vmem_shared>>) target(%dma_start3A_201 : memref<640x16xf32, #tpu.memory_space<hbm>>) target_semaphore(%run_scoped3A : memref<!tpu.dma_semaphore, #tpu.memory_space<semaphore_mem>>)
      %dma_wait3A_204 = arith.constant 0 : i32
      %dma_wait3A_205 = arith.constant 0 : i32
      %dma_wait3A_206 = tpu.memref_slice %arg6[%arg0, %dma_wait3A_204, %dma_wait3A_205] : memref<2x10240x16xf32, #tpu.memory_space<hbm>> -> memref<1x10240x16xf32, #tpu.memory_space<hbm>>
      %dma_wait3A_207 = tpu.memref_squeeze %dma_wait3A_206 : memref<1x10240x16xf32, #tpu.memory_space<hbm>> -> memref<10240x16xf32, #tpu.memory_space<hbm>>
      %dma_wait3A_208 = arith.constant 0 : i32
      %dma_wait3A_209 = tpu.memref_slice %dma_wait3A_207[%mul3A_0, %dma_wait3A_208] : memref<10240x16xf32, #tpu.memory_space<hbm>> -> memref<640x16xf32, #tpu.memory_space<hbm>>
      %dma_wait3A_210 = arith.constant 0 : i32
      %dma_wait3A_211 = tpu.memref_slice %arg7[%mul3A_0, %dma_wait3A_210] : memref<10240x16xf32, #tpu.memory_space<vmem_shared>> -> memref<640x16xf32, #tpu.memory_space<vmem_shared>>
      tpu.wait_dma2 semaphore(%run_scoped3A : memref<!tpu.dma_semaphore, #tpu.memory_space<semaphore_mem>>) src(%dma_wait3A_211 : memref<640x16xf32, #tpu.memory_space<vmem_shared>>) dst(%dma_wait3A_209 : memref<640x16xf32, #tpu.memory_space<hbm>>)
      tpu.yield
    }) : () -> ()
    return
  }
}

#map = affine_map<(d0, d1) -> (0, 0)>
#map1 = affine_map<(d0, d1) -> (0)>
#map2 = affine_map<(d0, d1) -> (0, 0, 0)>
module attributes {stable_mosaic.version = 14 : i64} {
  func.func @_scat_body(%arg0: i32, %arg1: i32, %arg2: memref<10240x16xf32, #tpu.memory_space<hbm>>, %arg3: memref<2x320000xi32, #tpu.memory_space<hbm>>, %arg4: memref<7680xi32, #tpu.memory_space<hbm>>, %arg5: memref<10240x16xf32, #tpu.memory_space<hbm>>, %arg6: memref<2x10240x16xf32, #tpu.memory_space<hbm>>, %arg7: memref<10240x16xf32, #tpu.memory_space<vmem_shared>>, %arg8: memref<10240x16xf32, #tpu.memory_space<vmem_shared>>, %arg9: memref<10752xi32, #tpu.memory_space<vmem>>, %arg10: memref<10240xi32, #tpu.memory_space<vmem>>, %arg11: memref<4x128x16xf32, #tpu.memory_space<vmem>>, %arg12: memref<4x!tpu.dma_semaphore, #tpu.memory_space<semaphore_mem>>, %arg13: memref<!tpu.dma_semaphore, #tpu.memory_space<semaphore_mem>>) attributes {dimension_semantics = [#tpu.dimension_semantics<core_parallel>, #tpu.dimension_semantics<subcore_parallel>], iteration_bounds = array<i64: 2, 16>, scalar_prefetch = 0 : i64, scratch_operands = 7 : i64, tpu.core_type = #tpu.core_type<sc_vector_subcore>, window_params = [{transform_indices = #map}, {transform_indices = #map}, {transform_indices = #map1}, {transform_indices = #map}, {transform_indices = #map2}]} {
    %mul3A = arith.constant 640 : i32
    %mul3A_0 = arith.muli %arg1, %mul3A : i32
    %dma_start3A = arith.constant 0 : i32
    %dma_start3A_1 = tpu.memref_slice %arg7[%mul3A_0, %dma_start3A] : memref<10240x16xf32, #tpu.memory_space<vmem_shared>> -> memref<640x16xf32, #tpu.memory_space<vmem_shared>>
    %dma_start3A_2 = arith.constant 0 : i32
    %dma_start3A_3 = tpu.memref_slice %arg5[%mul3A_0, %dma_start3A_2] : memref<10240x16xf32, #tpu.memory_space<hbm>> -> memref<640x16xf32, #tpu.memory_space<hbm>>
    tpu.enqueue_dma source(%dma_start3A_3 : memref<640x16xf32, #tpu.memory_space<hbm>>) target(%dma_start3A_1 : memref<640x16xf32, #tpu.memory_space<vmem_shared>>) target_semaphore(%arg13 : memref<!tpu.dma_semaphore, #tpu.memory_space<semaphore_mem>>)
    %dma_start3A_4 = arith.constant 0 : i32
    %dma_start3A_5 = tpu.memref_slice %arg8[%mul3A_0, %dma_start3A_4] : memref<10240x16xf32, #tpu.memory_space<vmem_shared>> -> memref<640x16xf32, #tpu.memory_space<vmem_shared>>
    %dma_start3A_6 = arith.constant 0 : i32
    %dma_start3A_7 = tpu.memref_slice %arg2[%mul3A_0, %dma_start3A_6] : memref<10240x16xf32, #tpu.memory_space<hbm>> -> memref<640x16xf32, #tpu.memory_space<hbm>>
    tpu.enqueue_dma source(%dma_start3A_7 : memref<640x16xf32, #tpu.memory_space<hbm>>) target(%dma_start3A_5 : memref<640x16xf32, #tpu.memory_space<vmem_shared>>) target_semaphore(%arg13 : memref<!tpu.dma_semaphore, #tpu.memory_space<semaphore_mem>>)
    %mul3A_8 = arith.constant 16 : i32
    %mul3A_9 = arith.muli %arg0, %mul3A_8 : i32
    %add3A = arith.addi %mul3A_9, %arg1 : i32
    %mul3A_10 = arith.constant 10240 : i32
    %mul3A_11 = arith.muli %add3A, %mul3A_10 : i32
    %lt3A = arith.constant 31 : i32
    %lt3A_12 = arith.cmpi slt, %add3A, %lt3A : i32
    %convert_element_type3A = arith.extui %lt3A_12 : i1 to i32
    %cond3A = arith.constant 0 : i32
    %cond3A_13 = arith.constant 0 : i32
    %cond3A_14 = arith.cmpi ne, %convert_element_type3A, %cond3A_13 : i32
    scf.if %cond3A_14 {
      %dma_start3A_196 = arith.constant 0 : i32
      %dma_start3A_197 = tpu.memref_slice %arg9[%dma_start3A_196] : memref<10752xi32, #tpu.memory_space<vmem>> -> memref<10240xi32, #tpu.memory_space<vmem>>
      %dma_start3A_198 = arith.constant 0 : i32
      %dma_start3A_199 = tpu.memref_slice %arg3[%cond3A, %dma_start3A_198] : memref<2x320000xi32, #tpu.memory_space<hbm>> -> memref<1x320000xi32, #tpu.memory_space<hbm>>
      %dma_start3A_200 = tpu.memref_squeeze %dma_start3A_199 : memref<1x320000xi32, #tpu.memory_space<hbm>> -> memref<320000xi32, #tpu.memory_space<hbm>>
      %dma_start3A_201 = tpu.memref_slice %dma_start3A_200[%mul3A_11] : memref<320000xi32, #tpu.memory_space<hbm>> -> memref<10240xi32, #tpu.memory_space<hbm>>
      %dma_start3A_202 = arith.constant 0 : i32
      %dma_start3A_203 = tpu.memref_slice %arg9[%dma_start3A_202] : memref<10752xi32, #tpu.memory_space<vmem>> -> memref<10240xi32, #tpu.memory_space<vmem>>
      %dma_start3A_204 = arith.constant 0 : i32
      %dma_start3A_205 = tpu.memref_slice %arg3[%cond3A, %dma_start3A_204] : memref<2x320000xi32, #tpu.memory_space<hbm>> -> memref<1x320000xi32, #tpu.memory_space<hbm>>
      %dma_start3A_206 = tpu.memref_squeeze %dma_start3A_205 : memref<1x320000xi32, #tpu.memory_space<hbm>> -> memref<320000xi32, #tpu.memory_space<hbm>>
      %dma_start3A_207 = tpu.memref_slice %dma_start3A_206[%mul3A_11] : memref<320000xi32, #tpu.memory_space<hbm>> -> memref<10240xi32, #tpu.memory_space<hbm>>
      tpu.enqueue_dma source(%dma_start3A_207 : memref<10240xi32, #tpu.memory_space<hbm>>) target(%dma_start3A_203 : memref<10240xi32, #tpu.memory_space<vmem>>) target_semaphore(%arg13 : memref<!tpu.dma_semaphore, #tpu.memory_space<semaphore_mem>>)
    } else {
    }
    %eq3A = arith.constant 31 : i32
    %eq3A_15 = arith.cmpi eq, %add3A, %eq3A : i32
    %convert_element_type3A_16 = arith.extui %eq3A_15 : i1 to i32
    %cond3A_17 = arith.constant 0 : i32
    %cond3A_18 = arith.constant 0 : i32
    %cond3A_19 = arith.cmpi ne, %convert_element_type3A_16, %cond3A_18 : i32
    scf.if %cond3A_19 {
      %dma_start3A_196 = arith.constant 0 : i32
      %dma_start3A_197 = tpu.memref_slice %arg9[%dma_start3A_196] : memref<10752xi32, #tpu.memory_space<vmem>> -> memref<2560xi32, #tpu.memory_space<vmem>>
      %dma_start3A_198 = arith.constant 0 : i32
      %dma_start3A_199 = tpu.memref_slice %arg3[%cond3A_17, %dma_start3A_198] : memref<2x320000xi32, #tpu.memory_space<hbm>> -> memref<1x320000xi32, #tpu.memory_space<hbm>>
      %dma_start3A_200 = tpu.memref_squeeze %dma_start3A_199 : memref<1x320000xi32, #tpu.memory_space<hbm>> -> memref<320000xi32, #tpu.memory_space<hbm>>
      %dma_start3A_201 = tpu.memref_slice %dma_start3A_200[%mul3A_11] : memref<320000xi32, #tpu.memory_space<hbm>> -> memref<2560xi32, #tpu.memory_space<hbm>>
      %dma_start3A_202 = arith.constant 0 : i32
      %dma_start3A_203 = tpu.memref_slice %arg9[%dma_start3A_202] : memref<10752xi32, #tpu.memory_space<vmem>> -> memref<2560xi32, #tpu.memory_space<vmem>>
      %dma_start3A_204 = arith.constant 0 : i32
      %dma_start3A_205 = tpu.memref_slice %arg3[%cond3A_17, %dma_start3A_204] : memref<2x320000xi32, #tpu.memory_space<hbm>> -> memref<1x320000xi32, #tpu.memory_space<hbm>>
      %dma_start3A_206 = tpu.memref_squeeze %dma_start3A_205 : memref<1x320000xi32, #tpu.memory_space<hbm>> -> memref<320000xi32, #tpu.memory_space<hbm>>
      %dma_start3A_207 = tpu.memref_slice %dma_start3A_206[%mul3A_11] : memref<320000xi32, #tpu.memory_space<hbm>> -> memref<2560xi32, #tpu.memory_space<hbm>>
      tpu.enqueue_dma source(%dma_start3A_207 : memref<2560xi32, #tpu.memory_space<hbm>>) target(%dma_start3A_203 : memref<2560xi32, #tpu.memory_space<vmem>>) target_semaphore(%arg13 : memref<!tpu.dma_semaphore, #tpu.memory_space<semaphore_mem>>)
      %dma_start3A_208 = arith.constant 2560 : i32
      %dma_start3A_209 = tpu.memref_slice %arg9[%dma_start3A_208] : memref<10752xi32, #tpu.memory_space<vmem>> -> memref<7680xi32, #tpu.memory_space<vmem>>
      %dma_start3A_210 = arith.constant 0 : i32
      %dma_start3A_211 = tpu.memref_slice %arg4[%dma_start3A_210] : memref<7680xi32, #tpu.memory_space<hbm>> -> memref<7680xi32, #tpu.memory_space<hbm>>
      %dma_start3A_212 = arith.constant 2560 : i32
      %dma_start3A_213 = tpu.memref_slice %arg9[%dma_start3A_212] : memref<10752xi32, #tpu.memory_space<vmem>> -> memref<7680xi32, #tpu.memory_space<vmem>>
      %dma_start3A_214 = arith.constant 0 : i32
      %dma_start3A_215 = tpu.memref_slice %arg4[%dma_start3A_214] : memref<7680xi32, #tpu.memory_space<hbm>> -> memref<7680xi32, #tpu.memory_space<hbm>>
      tpu.enqueue_dma source(%dma_start3A_215 : memref<7680xi32, #tpu.memory_space<hbm>>) target(%dma_start3A_213 : memref<7680xi32, #tpu.memory_space<vmem>>) target_semaphore(%arg13 : memref<!tpu.dma_semaphore, #tpu.memory_space<semaphore_mem>>)
    } else {
    }
    %dma_start3A_20 = arith.constant 10240 : i32
    %dma_start3A_21 = tpu.memref_slice %arg9[%dma_start3A_20] : memref<10752xi32, #tpu.memory_space<vmem>> -> memref<512xi32, #tpu.memory_space<vmem>>
    %dma_start3A_22 = arith.constant 0 : i32
    %dma_start3A_23 = tpu.memref_slice %arg4[%dma_start3A_22] : memref<7680xi32, #tpu.memory_space<hbm>> -> memref<512xi32, #tpu.memory_space<hbm>>
    %dma_start3A_24 = arith.constant 10240 : i32
    %dma_start3A_25 = tpu.memref_slice %arg9[%dma_start3A_24] : memref<10752xi32, #tpu.memory_space<vmem>> -> memref<512xi32, #tpu.memory_space<vmem>>
    %dma_start3A_26 = arith.constant 0 : i32
    %dma_start3A_27 = tpu.memref_slice %arg4[%dma_start3A_26] : memref<7680xi32, #tpu.memory_space<hbm>> -> memref<512xi32, #tpu.memory_space<hbm>>
    tpu.enqueue_dma source(%dma_start3A_27 : memref<512xi32, #tpu.memory_space<hbm>>) target(%dma_start3A_25 : memref<512xi32, #tpu.memory_space<vmem>>) target_semaphore(%arg13 : memref<!tpu.dma_semaphore, #tpu.memory_space<semaphore_mem>>)
    %mul3A_28 = arith.constant 10240 : i32
    %mul3A_29 = arith.muli %add3A, %mul3A_28 : i32
    %lt3A_30 = arith.constant 31 : i32
    %lt3A_31 = arith.cmpi slt, %add3A, %lt3A_30 : i32
    %convert_element_type3A_32 = arith.extui %lt3A_31 : i1 to i32
    %cond3A_33 = arith.constant 1 : i32
    %cond3A_34 = arith.constant 0 : i32
    %cond3A_35 = arith.cmpi ne, %convert_element_type3A_32, %cond3A_34 : i32
    scf.if %cond3A_35 {
      %dma_start3A_196 = arith.constant 0 : i32
      %dma_start3A_197 = tpu.memref_slice %arg10[%dma_start3A_196] : memref<10240xi32, #tpu.memory_space<vmem>> -> memref<10240xi32, #tpu.memory_space<vmem>>
      %dma_start3A_198 = arith.constant 0 : i32
      %dma_start3A_199 = tpu.memref_slice %arg3[%cond3A_33, %dma_start3A_198] : memref<2x320000xi32, #tpu.memory_space<hbm>> -> memref<1x320000xi32, #tpu.memory_space<hbm>>
      %dma_start3A_200 = tpu.memref_squeeze %dma_start3A_199 : memref<1x320000xi32, #tpu.memory_space<hbm>> -> memref<320000xi32, #tpu.memory_space<hbm>>
      %dma_start3A_201 = tpu.memref_slice %dma_start3A_200[%mul3A_29] : memref<320000xi32, #tpu.memory_space<hbm>> -> memref<10240xi32, #tpu.memory_space<hbm>>
      %dma_start3A_202 = arith.constant 0 : i32
      %dma_start3A_203 = tpu.memref_slice %arg10[%dma_start3A_202] : memref<10240xi32, #tpu.memory_space<vmem>> -> memref<10240xi32, #tpu.memory_space<vmem>>
      %dma_start3A_204 = arith.constant 0 : i32
      %dma_start3A_205 = tpu.memref_slice %arg3[%cond3A_33, %dma_start3A_204] : memref<2x320000xi32, #tpu.memory_space<hbm>> -> memref<1x320000xi32, #tpu.memory_space<hbm>>
      %dma_start3A_206 = tpu.memref_squeeze %dma_start3A_205 : memref<1x320000xi32, #tpu.memory_space<hbm>> -> memref<320000xi32, #tpu.memory_space<hbm>>
      %dma_start3A_207 = tpu.memref_slice %dma_start3A_206[%mul3A_29] : memref<320000xi32, #tpu.memory_space<hbm>> -> memref<10240xi32, #tpu.memory_space<hbm>>
      tpu.enqueue_dma source(%dma_start3A_207 : memref<10240xi32, #tpu.memory_space<hbm>>) target(%dma_start3A_203 : memref<10240xi32, #tpu.memory_space<vmem>>) target_semaphore(%arg13 : memref<!tpu.dma_semaphore, #tpu.memory_space<semaphore_mem>>)
    } else {
    }
    %eq3A_36 = arith.constant 31 : i32
    %eq3A_37 = arith.cmpi eq, %add3A, %eq3A_36 : i32
    %convert_element_type3A_38 = arith.extui %eq3A_37 : i1 to i32
    %cond3A_39 = arith.constant 1 : i32
    %cond3A_40 = arith.constant 0 : i32
    %cond3A_41 = arith.cmpi ne, %convert_element_type3A_38, %cond3A_40 : i32
    scf.if %cond3A_41 {
      %dma_start3A_196 = arith.constant 0 : i32
      %dma_start3A_197 = tpu.memref_slice %arg10[%dma_start3A_196] : memref<10240xi32, #tpu.memory_space<vmem>> -> memref<2560xi32, #tpu.memory_space<vmem>>
      %dma_start3A_198 = arith.constant 0 : i32
      %dma_start3A_199 = tpu.memref_slice %arg3[%cond3A_39, %dma_start3A_198] : memref<2x320000xi32, #tpu.memory_space<hbm>> -> memref<1x320000xi32, #tpu.memory_space<hbm>>
      %dma_start3A_200 = tpu.memref_squeeze %dma_start3A_199 : memref<1x320000xi32, #tpu.memory_space<hbm>> -> memref<320000xi32, #tpu.memory_space<hbm>>
      %dma_start3A_201 = tpu.memref_slice %dma_start3A_200[%mul3A_29] : memref<320000xi32, #tpu.memory_space<hbm>> -> memref<2560xi32, #tpu.memory_space<hbm>>
      %dma_start3A_202 = arith.constant 0 : i32
      %dma_start3A_203 = tpu.memref_slice %arg10[%dma_start3A_202] : memref<10240xi32, #tpu.memory_space<vmem>> -> memref<2560xi32, #tpu.memory_space<vmem>>
      %dma_start3A_204 = arith.constant 0 : i32
      %dma_start3A_205 = tpu.memref_slice %arg3[%cond3A_39, %dma_start3A_204] : memref<2x320000xi32, #tpu.memory_space<hbm>> -> memref<1x320000xi32, #tpu.memory_space<hbm>>
      %dma_start3A_206 = tpu.memref_squeeze %dma_start3A_205 : memref<1x320000xi32, #tpu.memory_space<hbm>> -> memref<320000xi32, #tpu.memory_space<hbm>>
      %dma_start3A_207 = tpu.memref_slice %dma_start3A_206[%mul3A_29] : memref<320000xi32, #tpu.memory_space<hbm>> -> memref<2560xi32, #tpu.memory_space<hbm>>
      tpu.enqueue_dma source(%dma_start3A_207 : memref<2560xi32, #tpu.memory_space<hbm>>) target(%dma_start3A_203 : memref<2560xi32, #tpu.memory_space<vmem>>) target_semaphore(%arg13 : memref<!tpu.dma_semaphore, #tpu.memory_space<semaphore_mem>>)
      %dma_start3A_208 = arith.constant 2560 : i32
      %dma_start3A_209 = tpu.memref_slice %arg10[%dma_start3A_208] : memref<10240xi32, #tpu.memory_space<vmem>> -> memref<7680xi32, #tpu.memory_space<vmem>>
      %dma_start3A_210 = arith.constant 0 : i32
      %dma_start3A_211 = tpu.memref_slice %arg4[%dma_start3A_210] : memref<7680xi32, #tpu.memory_space<hbm>> -> memref<7680xi32, #tpu.memory_space<hbm>>
      %dma_start3A_212 = arith.constant 2560 : i32
      %dma_start3A_213 = tpu.memref_slice %arg10[%dma_start3A_212] : memref<10240xi32, #tpu.memory_space<vmem>> -> memref<7680xi32, #tpu.memory_space<vmem>>
      %dma_start3A_214 = arith.constant 0 : i32
      %dma_start3A_215 = tpu.memref_slice %arg4[%dma_start3A_214] : memref<7680xi32, #tpu.memory_space<hbm>> -> memref<7680xi32, #tpu.memory_space<hbm>>
      tpu.enqueue_dma source(%dma_start3A_215 : memref<7680xi32, #tpu.memory_space<hbm>>) target(%dma_start3A_213 : memref<7680xi32, #tpu.memory_space<vmem>>) target_semaphore(%arg13 : memref<!tpu.dma_semaphore, #tpu.memory_space<semaphore_mem>>)
    } else {
    }
    %dma_wait3A = arith.constant 0 : i32
    %dma_wait3A_42 = tpu.memref_slice %arg7[%mul3A_0, %dma_wait3A] : memref<10240x16xf32, #tpu.memory_space<vmem_shared>> -> memref<640x16xf32, #tpu.memory_space<vmem_shared>>
    %dma_wait3A_43 = arith.constant 0 : i32
    %dma_wait3A_44 = tpu.memref_slice %arg5[%mul3A_0, %dma_wait3A_43] : memref<10240x16xf32, #tpu.memory_space<hbm>> -> memref<640x16xf32, #tpu.memory_space<hbm>>
    tpu.wait_dma2 semaphore(%arg13 : memref<!tpu.dma_semaphore, #tpu.memory_space<semaphore_mem>>) src(%dma_wait3A_44 : memref<640x16xf32, #tpu.memory_space<hbm>>) dst(%dma_wait3A_42 : memref<640x16xf32, #tpu.memory_space<vmem_shared>>)
    %dma_wait3A_45 = arith.constant 0 : i32
    %dma_wait3A_46 = tpu.memref_slice %arg8[%mul3A_0, %dma_wait3A_45] : memref<10240x16xf32, #tpu.memory_space<vmem_shared>> -> memref<640x16xf32, #tpu.memory_space<vmem_shared>>
    %dma_wait3A_47 = arith.constant 0 : i32
    %dma_wait3A_48 = tpu.memref_slice %arg2[%mul3A_0, %dma_wait3A_47] : memref<10240x16xf32, #tpu.memory_space<hbm>> -> memref<640x16xf32, #tpu.memory_space<hbm>>
    tpu.wait_dma2 semaphore(%arg13 : memref<!tpu.dma_semaphore, #tpu.memory_space<semaphore_mem>>) src(%dma_wait3A_48 : memref<640x16xf32, #tpu.memory_space<hbm>>) dst(%dma_wait3A_46 : memref<640x16xf32, #tpu.memory_space<vmem_shared>>)
    %dma_wait3A_49 = arith.constant 0 : i32
    %dma_wait3A_50 = arith.constant 0 : i32
    %dma_wait3A_51 = tpu.memref_slice %arg9[%dma_wait3A_50] : memref<10752xi32, #tpu.memory_space<vmem>> -> memref<10240xi32, #tpu.memory_space<vmem>>
    %dma_wait3A_52 = arith.constant 0 : i32
    %dma_wait3A_53 = tpu.memref_slice %arg3[%dma_wait3A_49, %dma_wait3A_52] : memref<2x320000xi32, #tpu.memory_space<hbm>> -> memref<1x320000xi32, #tpu.memory_space<hbm>>
    %dma_wait3A_54 = tpu.memref_squeeze %dma_wait3A_53 : memref<1x320000xi32, #tpu.memory_space<hbm>> -> memref<320000xi32, #tpu.memory_space<hbm>>
    %dma_wait3A_55 = arith.constant 0 : i32
    %dma_wait3A_56 = tpu.memref_slice %dma_wait3A_54[%dma_wait3A_55] : memref<320000xi32, #tpu.memory_space<hbm>> -> memref<10240xi32, #tpu.memory_space<hbm>>
    %dma_wait3A_57 = arith.constant 0 : i32
    %dma_wait3A_58 = tpu.memref_slice %arg9[%dma_wait3A_57] : memref<10752xi32, #tpu.memory_space<vmem>> -> memref<10240xi32, #tpu.memory_space<vmem>>
    %dma_wait3A_59 = arith.constant 0 : i32
    %dma_wait3A_60 = tpu.memref_slice %arg3[%dma_wait3A_49, %dma_wait3A_59] : memref<2x320000xi32, #tpu.memory_space<hbm>> -> memref<1x320000xi32, #tpu.memory_space<hbm>>
    %dma_wait3A_61 = tpu.memref_squeeze %dma_wait3A_60 : memref<1x320000xi32, #tpu.memory_space<hbm>> -> memref<320000xi32, #tpu.memory_space<hbm>>
    %dma_wait3A_62 = arith.constant 0 : i32
    %dma_wait3A_63 = tpu.memref_slice %dma_wait3A_61[%dma_wait3A_62] : memref<320000xi32, #tpu.memory_space<hbm>> -> memref<10240xi32, #tpu.memory_space<hbm>>
    tpu.wait_dma2 semaphore(%arg13 : memref<!tpu.dma_semaphore, #tpu.memory_space<semaphore_mem>>) src(%dma_wait3A_63 : memref<10240xi32, #tpu.memory_space<hbm>>) dst(%dma_wait3A_58 : memref<10240xi32, #tpu.memory_space<vmem>>)
    %dma_wait3A_64 = arith.constant 10240 : i32
    %dma_wait3A_65 = tpu.memref_slice %arg9[%dma_wait3A_64] : memref<10752xi32, #tpu.memory_space<vmem>> -> memref<512xi32, #tpu.memory_space<vmem>>
    %dma_wait3A_66 = arith.constant 0 : i32
    %dma_wait3A_67 = tpu.memref_slice %arg4[%dma_wait3A_66] : memref<7680xi32, #tpu.memory_space<hbm>> -> memref<512xi32, #tpu.memory_space<hbm>>
    %dma_wait3A_68 = arith.constant 10240 : i32
    %dma_wait3A_69 = tpu.memref_slice %arg9[%dma_wait3A_68] : memref<10752xi32, #tpu.memory_space<vmem>> -> memref<512xi32, #tpu.memory_space<vmem>>
    %dma_wait3A_70 = arith.constant 0 : i32
    %dma_wait3A_71 = tpu.memref_slice %arg4[%dma_wait3A_70] : memref<7680xi32, #tpu.memory_space<hbm>> -> memref<512xi32, #tpu.memory_space<hbm>>
    tpu.wait_dma2 semaphore(%arg13 : memref<!tpu.dma_semaphore, #tpu.memory_space<semaphore_mem>>) src(%dma_wait3A_71 : memref<512xi32, #tpu.memory_space<hbm>>) dst(%dma_wait3A_69 : memref<512xi32, #tpu.memory_space<vmem>>)
    %dma_wait3A_72 = arith.constant 1 : i32
    %dma_wait3A_73 = arith.constant 0 : i32
    %dma_wait3A_74 = tpu.memref_slice %arg10[%dma_wait3A_73] : memref<10240xi32, #tpu.memory_space<vmem>> -> memref<10240xi32, #tpu.memory_space<vmem>>
    %dma_wait3A_75 = arith.constant 0 : i32
    %dma_wait3A_76 = tpu.memref_slice %arg3[%dma_wait3A_72, %dma_wait3A_75] : memref<2x320000xi32, #tpu.memory_space<hbm>> -> memref<1x320000xi32, #tpu.memory_space<hbm>>
    %dma_wait3A_77 = tpu.memref_squeeze %dma_wait3A_76 : memref<1x320000xi32, #tpu.memory_space<hbm>> -> memref<320000xi32, #tpu.memory_space<hbm>>
    %dma_wait3A_78 = arith.constant 0 : i32
    %dma_wait3A_79 = tpu.memref_slice %dma_wait3A_77[%dma_wait3A_78] : memref<320000xi32, #tpu.memory_space<hbm>> -> memref<10240xi32, #tpu.memory_space<hbm>>
    %dma_wait3A_80 = arith.constant 0 : i32
    %dma_wait3A_81 = tpu.memref_slice %arg10[%dma_wait3A_80] : memref<10240xi32, #tpu.memory_space<vmem>> -> memref<10240xi32, #tpu.memory_space<vmem>>
    %dma_wait3A_82 = arith.constant 0 : i32
    %dma_wait3A_83 = tpu.memref_slice %arg3[%dma_wait3A_72, %dma_wait3A_82] : memref<2x320000xi32, #tpu.memory_space<hbm>> -> memref<1x320000xi32, #tpu.memory_space<hbm>>
    %dma_wait3A_84 = tpu.memref_squeeze %dma_wait3A_83 : memref<1x320000xi32, #tpu.memory_space<hbm>> -> memref<320000xi32, #tpu.memory_space<hbm>>
    %dma_wait3A_85 = arith.constant 0 : i32
    %dma_wait3A_86 = tpu.memref_slice %dma_wait3A_84[%dma_wait3A_85] : memref<320000xi32, #tpu.memory_space<hbm>> -> memref<10240xi32, #tpu.memory_space<hbm>>
    tpu.wait_dma2 semaphore(%arg13 : memref<!tpu.dma_semaphore, #tpu.memory_space<semaphore_mem>>) src(%dma_wait3A_86 : memref<10240xi32, #tpu.memory_space<hbm>>) dst(%dma_wait3A_81 : memref<10240xi32, #tpu.memory_space<vmem>>)
    %barrier3A = arith.constant 0 : index
    tpu.barrier barrier_id(%barrier3A)
    %dma_start3A_87 = arith.constant 0 : i32
    %dma_start3A_88 = arith.constant 0 : i32
    %dma_start3A_89 = arith.constant 0 : i32
    %dma_start3A_90 = arith.constant 0 : i32
    %dma_start3A_91 = tpu.memref_slice %arg11[%dma_start3A_87, %dma_start3A_89, %dma_start3A_90] : memref<4x128x16xf32, #tpu.memory_space<vmem>> -> memref<1x128x16xf32, #tpu.memory_space<vmem>>
    %dma_start3A_92 = tpu.memref_squeeze %dma_start3A_91 : memref<1x128x16xf32, #tpu.memory_space<vmem>> -> memref<128x16xf32, #tpu.memory_space<vmem>>
    %dma_start3A_93 = arith.constant 0 : i32
    %dma_start3A_94 = tpu.memref_slice %arg9[%dma_start3A_93] : memref<10752xi32, #tpu.memory_space<vmem>> -> memref<128xi32, #tpu.memory_space<vmem>>
    %dma_start3A_95 = arith.constant 0 : i32
    %dma_start3A_96 = arith.constant 0 : i32
    %dma_start3A_97 = tpu.memref_slice %arg8[%dma_start3A_95, %dma_start3A_96] : memref<10240x16xf32, #tpu.memory_space<vmem_shared>> -> memref<10240x16xf32, #tpu.memory_space<vmem_shared>>
    %dma_start3A_98 = tpu.memref_slice %arg12[%dma_start3A_88] : memref<4x!tpu.dma_semaphore, #tpu.memory_space<semaphore_mem>> -> memref<1x!tpu.dma_semaphore, #tpu.memory_space<semaphore_mem>>
    %dma_start3A_99 = tpu.memref_squeeze %dma_start3A_98 : memref<1x!tpu.dma_semaphore, #tpu.memory_space<semaphore_mem>> -> memref<!tpu.dma_semaphore, #tpu.memory_space<semaphore_mem>>
    tpu.enqueue_indirect_dma source(%dma_start3A_97 : memref<10240x16xf32, #tpu.memory_space<vmem_shared>>) target(%dma_start3A_92 : memref<128x16xf32, #tpu.memory_space<vmem>>) offsets(%dma_start3A_94 : memref<128xi32, #tpu.memory_space<vmem>>) semaphore(%dma_start3A_99 : memref<!tpu.dma_semaphore, #tpu.memory_space<semaphore_mem>>)
    %dma_start3A_100 = arith.constant 1 : i32
    %dma_start3A_101 = arith.constant 1 : i32
    %dma_start3A_102 = arith.constant 0 : i32
    %dma_start3A_103 = arith.constant 0 : i32
    %dma_start3A_104 = tpu.memref_slice %arg11[%dma_start3A_100, %dma_start3A_102, %dma_start3A_103] : memref<4x128x16xf32, #tpu.memory_space<vmem>> -> memref<1x128x16xf32, #tpu.memory_space<vmem>>
    %dma_start3A_105 = tpu.memref_squeeze %dma_start3A_104 : memref<1x128x16xf32, #tpu.memory_space<vmem>> -> memref<128x16xf32, #tpu.memory_space<vmem>>
    %dma_start3A_106 = arith.constant 128 : i32
    %dma_start3A_107 = tpu.memref_slice %arg9[%dma_start3A_106] : memref<10752xi32, #tpu.memory_space<vmem>> -> memref<128xi32, #tpu.memory_space<vmem>>
    %dma_start3A_108 = arith.constant 0 : i32
    %dma_start3A_109 = arith.constant 0 : i32
    %dma_start3A_110 = tpu.memref_slice %arg8[%dma_start3A_108, %dma_start3A_109] : memref<10240x16xf32, #tpu.memory_space<vmem_shared>> -> memref<10240x16xf32, #tpu.memory_space<vmem_shared>>
    %dma_start3A_111 = tpu.memref_slice %arg12[%dma_start3A_101] : memref<4x!tpu.dma_semaphore, #tpu.memory_space<semaphore_mem>> -> memref<1x!tpu.dma_semaphore, #tpu.memory_space<semaphore_mem>>
    %dma_start3A_112 = tpu.memref_squeeze %dma_start3A_111 : memref<1x!tpu.dma_semaphore, #tpu.memory_space<semaphore_mem>> -> memref<!tpu.dma_semaphore, #tpu.memory_space<semaphore_mem>>
    tpu.enqueue_indirect_dma source(%dma_start3A_110 : memref<10240x16xf32, #tpu.memory_space<vmem_shared>>) target(%dma_start3A_105 : memref<128x16xf32, #tpu.memory_space<vmem>>) offsets(%dma_start3A_107 : memref<128xi32, #tpu.memory_space<vmem>>) semaphore(%dma_start3A_112 : memref<!tpu.dma_semaphore, #tpu.memory_space<semaphore_mem>>)
    %dma_start3A_113 = arith.constant 2 : i32
    %dma_start3A_114 = arith.constant 2 : i32
    %dma_start3A_115 = arith.constant 0 : i32
    %dma_start3A_116 = arith.constant 0 : i32
    %dma_start3A_117 = tpu.memref_slice %arg11[%dma_start3A_113, %dma_start3A_115, %dma_start3A_116] : memref<4x128x16xf32, #tpu.memory_space<vmem>> -> memref<1x128x16xf32, #tpu.memory_space<vmem>>
    %dma_start3A_118 = tpu.memref_squeeze %dma_start3A_117 : memref<1x128x16xf32, #tpu.memory_space<vmem>> -> memref<128x16xf32, #tpu.memory_space<vmem>>
    %dma_start3A_119 = arith.constant 256 : i32
    %dma_start3A_120 = tpu.memref_slice %arg9[%dma_start3A_119] : memref<10752xi32, #tpu.memory_space<vmem>> -> memref<128xi32, #tpu.memory_space<vmem>>
    %dma_start3A_121 = arith.constant 0 : i32
    %dma_start3A_122 = arith.constant 0 : i32
    %dma_start3A_123 = tpu.memref_slice %arg8[%dma_start3A_121, %dma_start3A_122] : memref<10240x16xf32, #tpu.memory_space<vmem_shared>> -> memref<10240x16xf32, #tpu.memory_space<vmem_shared>>
    %dma_start3A_124 = tpu.memref_slice %arg12[%dma_start3A_114] : memref<4x!tpu.dma_semaphore, #tpu.memory_space<semaphore_mem>> -> memref<1x!tpu.dma_semaphore, #tpu.memory_space<semaphore_mem>>
    %dma_start3A_125 = tpu.memref_squeeze %dma_start3A_124 : memref<1x!tpu.dma_semaphore, #tpu.memory_space<semaphore_mem>> -> memref<!tpu.dma_semaphore, #tpu.memory_space<semaphore_mem>>
    tpu.enqueue_indirect_dma source(%dma_start3A_123 : memref<10240x16xf32, #tpu.memory_space<vmem_shared>>) target(%dma_start3A_118 : memref<128x16xf32, #tpu.memory_space<vmem>>) offsets(%dma_start3A_120 : memref<128xi32, #tpu.memory_space<vmem>>) semaphore(%dma_start3A_125 : memref<!tpu.dma_semaphore, #tpu.memory_space<semaphore_mem>>)
    %dma_start3A_126 = arith.constant 3 : i32
    %dma_start3A_127 = arith.constant 3 : i32
    %dma_start3A_128 = arith.constant 0 : i32
    %dma_start3A_129 = arith.constant 0 : i32
    %dma_start3A_130 = tpu.memref_slice %arg11[%dma_start3A_126, %dma_start3A_128, %dma_start3A_129] : memref<4x128x16xf32, #tpu.memory_space<vmem>> -> memref<1x128x16xf32, #tpu.memory_space<vmem>>
    %dma_start3A_131 = tpu.memref_squeeze %dma_start3A_130 : memref<1x128x16xf32, #tpu.memory_space<vmem>> -> memref<128x16xf32, #tpu.memory_space<vmem>>
    %dma_start3A_132 = arith.constant 384 : i32
    %dma_start3A_133 = tpu.memref_slice %arg9[%dma_start3A_132] : memref<10752xi32, #tpu.memory_space<vmem>> -> memref<128xi32, #tpu.memory_space<vmem>>
    %dma_start3A_134 = arith.constant 0 : i32
    %dma_start3A_135 = arith.constant 0 : i32
    %dma_start3A_136 = tpu.memref_slice %arg8[%dma_start3A_134, %dma_start3A_135] : memref<10240x16xf32, #tpu.memory_space<vmem_shared>> -> memref<10240x16xf32, #tpu.memory_space<vmem_shared>>
    %dma_start3A_137 = tpu.memref_slice %arg12[%dma_start3A_127] : memref<4x!tpu.dma_semaphore, #tpu.memory_space<semaphore_mem>> -> memref<1x!tpu.dma_semaphore, #tpu.memory_space<semaphore_mem>>
    %dma_start3A_138 = tpu.memref_squeeze %dma_start3A_137 : memref<1x!tpu.dma_semaphore, #tpu.memory_space<semaphore_mem>> -> memref<!tpu.dma_semaphore, #tpu.memory_space<semaphore_mem>>
    tpu.enqueue_indirect_dma source(%dma_start3A_136 : memref<10240x16xf32, #tpu.memory_space<vmem_shared>>) target(%dma_start3A_131 : memref<128x16xf32, #tpu.memory_space<vmem>>) offsets(%dma_start3A_133 : memref<128xi32, #tpu.memory_space<vmem>>) semaphore(%dma_start3A_138 : memref<!tpu.dma_semaphore, #tpu.memory_space<semaphore_mem>>)
    %scan3A = arith.constant 0 : i32
    %scan3A_139 = arith.constant 20 : i32
    %scan3A_140 = arith.addi %scan3A, %scan3A_139 : i32
    %scan3A_141 = arith.constant 1 : i32
    scf.for %scan3A_196 = %scan3A to %scan3A_140 step %scan3A_141  : i32 {
      %mul3A_197 = arith.constant 4 : i32
      %mul3A_198 = arith.muli %scan3A_196, %mul3A_197 : i32
      %add3A_199 = arith.constant 0 : i32
      %add3A_200 = arith.addi %add3A_199, %mul3A_198 : i32
      %add3A_201 = arith.constant 0 : i32
      %add3A_202 = arith.addi %add3A_200, %add3A_201 : i32
      %dma_wait3A_203 = arith.constant 0 : i32
      %dma_wait3A_204 = arith.constant 0 : i32
      %dma_wait3A_205 = arith.constant 0 : i32
      %dma_wait3A_206 = arith.constant 0 : i32
      %dma_wait3A_207 = tpu.memref_slice %arg11[%dma_wait3A_203, %dma_wait3A_205, %dma_wait3A_206] : memref<4x128x16xf32, #tpu.memory_space<vmem>> -> memref<1x128x16xf32, #tpu.memory_space<vmem>>
      %dma_wait3A_208 = tpu.memref_squeeze %dma_wait3A_207 : memref<1x128x16xf32, #tpu.memory_space<vmem>> -> memref<128x16xf32, #tpu.memory_space<vmem>>
      %dma_wait3A_209 = arith.constant 0 : i32
      %dma_wait3A_210 = tpu.memref_slice %arg9[%dma_wait3A_209] : memref<10752xi32, #tpu.memory_space<vmem>> -> memref<128xi32, #tpu.memory_space<vmem>>
      %dma_wait3A_211 = arith.constant 0 : i32
      %dma_wait3A_212 = arith.constant 0 : i32
      %dma_wait3A_213 = tpu.memref_slice %arg8[%dma_wait3A_211, %dma_wait3A_212] : memref<10240x16xf32, #tpu.memory_space<vmem_shared>> -> memref<10240x16xf32, #tpu.memory_space<vmem_shared>>
      %dma_wait3A_214 = tpu.memref_slice %arg12[%dma_wait3A_204] : memref<4x!tpu.dma_semaphore, #tpu.memory_space<semaphore_mem>> -> memref<1x!tpu.dma_semaphore, #tpu.memory_space<semaphore_mem>>
      %dma_wait3A_215 = tpu.memref_squeeze %dma_wait3A_214 : memref<1x!tpu.dma_semaphore, #tpu.memory_space<semaphore_mem>> -> memref<!tpu.dma_semaphore, #tpu.memory_space<semaphore_mem>>
      tpu.wait_indirect_dma semaphore(%dma_wait3A_215 : memref<!tpu.dma_semaphore, #tpu.memory_space<semaphore_mem>>) src(%dma_wait3A_213 : memref<10240x16xf32, #tpu.memory_space<vmem_shared>>) dst(%dma_wait3A_208 : memref<128x16xf32, #tpu.memory_space<vmem>>)
      %mul3A_216 = arith.constant 128 : i32
      %mul3A_217 = arith.muli %add3A_202, %mul3A_216 : i32
      %run_scoped3A = arith.constant 0 : i32
      "tpu.region"() ({
        %run_scoped3A_336 = tpu.sem_alloc : memref<!tpu.dma_semaphore, #tpu.memory_space<semaphore_mem>>
        %dma_start3A_337 = arith.constant 0 : i32
        %dma_start3A_338 = arith.constant 0 : i32
        %dma_start3A_339 = tpu.memref_slice %arg11[%run_scoped3A, %dma_start3A_337, %dma_start3A_338] : memref<4x128x16xf32, #tpu.memory_space<vmem>> -> memref<1x128x16xf32, #tpu.memory_space<vmem>>
        %dma_start3A_340 = tpu.memref_squeeze %dma_start3A_339 : memref<1x128x16xf32, #tpu.memory_space<vmem>> -> memref<128x16xf32, #tpu.memory_space<vmem>>
        %dma_start3A_341 = tpu.memref_slice %arg10[%mul3A_217] : memref<10240xi32, #tpu.memory_space<vmem>> -> memref<128xi32, #tpu.memory_space<vmem>>
        %dma_start3A_342 = arith.constant 0 : i32
        %dma_start3A_343 = arith.constant 0 : i32
        %dma_start3A_344 = tpu.memref_slice %arg7[%dma_start3A_342, %dma_start3A_343] : memref<10240x16xf32, #tpu.memory_space<vmem_shared>> -> memref<10240x16xf32, #tpu.memory_space<vmem_shared>>
        tpu.enqueue_indirect_dma source(%dma_start3A_340 : memref<128x16xf32, #tpu.memory_space<vmem>>) target(%dma_start3A_344 : memref<10240x16xf32, #tpu.memory_space<vmem_shared>>) offsets(%dma_start3A_341 : memref<128xi32, #tpu.memory_space<vmem>>) semaphore(%run_scoped3A_336 : memref<!tpu.dma_semaphore, #tpu.memory_space<semaphore_mem>>) {add = true}
        %dma_wait3A_345 = arith.constant 0 : i32
        %dma_wait3A_346 = arith.constant 0 : i32
        %dma_wait3A_347 = tpu.memref_slice %arg11[%run_scoped3A, %dma_wait3A_345, %dma_wait3A_346] : memref<4x128x16xf32, #tpu.memory_space<vmem>> -> memref<1x128x16xf32, #tpu.memory_space<vmem>>
        %dma_wait3A_348 = tpu.memref_squeeze %dma_wait3A_347 : memref<1x128x16xf32, #tpu.memory_space<vmem>> -> memref<128x16xf32, #tpu.memory_space<vmem>>
        %dma_wait3A_349 = tpu.memref_slice %arg10[%mul3A_217] : memref<10240xi32, #tpu.memory_space<vmem>> -> memref<128xi32, #tpu.memory_space<vmem>>
        %dma_wait3A_350 = arith.constant 0 : i32
        %dma_wait3A_351 = arith.constant 0 : i32
        %dma_wait3A_352 = tpu.memref_slice %arg7[%dma_wait3A_350, %dma_wait3A_351] : memref<10240x16xf32, #tpu.memory_space<vmem_shared>> -> memref<10240x16xf32, #tpu.memory_space<vmem_shared>>
        tpu.wait_indirect_dma semaphore(%run_scoped3A_336 : memref<!tpu.dma_semaphore, #tpu.memory_space<semaphore_mem>>) src(%dma_wait3A_348 : memref<128x16xf32, #tpu.memory_space<vmem>>) dst(%dma_wait3A_352 : memref<10240x16xf32, #tpu.memory_space<vmem_shared>>)
        tpu.yield
      }) : () -> ()
      %add3A_218 = arith.constant 4 : i32
      %add3A_219 = arith.addi %add3A_202, %add3A_218 : i32
      %mul3A_220 = arith.constant 128 : i32
      %mul3A_221 = arith.muli %add3A_219, %mul3A_220 : i32
      %dma_start3A_222 = arith.constant 0 : i32
      %dma_start3A_223 = arith.constant 0 : i32
      %dma_start3A_224 = arith.constant 0 : i32
      %dma_start3A_225 = arith.constant 0 : i32
      %dma_start3A_226 = tpu.memref_slice %arg11[%dma_start3A_222, %dma_start3A_224, %dma_start3A_225] : memref<4x128x16xf32, #tpu.memory_space<vmem>> -> memref<1x128x16xf32, #tpu.memory_space<vmem>>
      %dma_start3A_227 = tpu.memref_squeeze %dma_start3A_226 : memref<1x128x16xf32, #tpu.memory_space<vmem>> -> memref<128x16xf32, #tpu.memory_space<vmem>>
      %dma_start3A_228 = tpu.memref_slice %arg9[%mul3A_221] : memref<10752xi32, #tpu.memory_space<vmem>> -> memref<128xi32, #tpu.memory_space<vmem>>
      %dma_start3A_229 = arith.constant 0 : i32
      %dma_start3A_230 = arith.constant 0 : i32
      %dma_start3A_231 = tpu.memref_slice %arg8[%dma_start3A_229, %dma_start3A_230] : memref<10240x16xf32, #tpu.memory_space<vmem_shared>> -> memref<10240x16xf32, #tpu.memory_space<vmem_shared>>
      %dma_start3A_232 = tpu.memref_slice %arg12[%dma_start3A_223] : memref<4x!tpu.dma_semaphore, #tpu.memory_space<semaphore_mem>> -> memref<1x!tpu.dma_semaphore, #tpu.memory_space<semaphore_mem>>
      %dma_start3A_233 = tpu.memref_squeeze %dma_start3A_232 : memref<1x!tpu.dma_semaphore, #tpu.memory_space<semaphore_mem>> -> memref<!tpu.dma_semaphore, #tpu.memory_space<semaphore_mem>>
      tpu.enqueue_indirect_dma source(%dma_start3A_231 : memref<10240x16xf32, #tpu.memory_space<vmem_shared>>) target(%dma_start3A_227 : memref<128x16xf32, #tpu.memory_space<vmem>>) offsets(%dma_start3A_228 : memref<128xi32, #tpu.memory_space<vmem>>) semaphore(%dma_start3A_233 : memref<!tpu.dma_semaphore, #tpu.memory_space<semaphore_mem>>)
      %add3A_234 = arith.constant 1 : i32
      %add3A_235 = arith.addi %add3A_200, %add3A_234 : i32
      %dma_wait3A_236 = arith.constant 1 : i32
      %dma_wait3A_237 = arith.constant 1 : i32
      %dma_wait3A_238 = arith.constant 0 : i32
      %dma_wait3A_239 = arith.constant 0 : i32
      %dma_wait3A_240 = tpu.memref_slice %arg11[%dma_wait3A_236, %dma_wait3A_238, %dma_wait3A_239] : memref<4x128x16xf32, #tpu.memory_space<vmem>> -> memref<1x128x16xf32, #tpu.memory_space<vmem>>
      %dma_wait3A_241 = tpu.memref_squeeze %dma_wait3A_240 : memref<1x128x16xf32, #tpu.memory_space<vmem>> -> memref<128x16xf32, #tpu.memory_space<vmem>>
      %dma_wait3A_242 = arith.constant 128 : i32
      %dma_wait3A_243 = tpu.memref_slice %arg9[%dma_wait3A_242] : memref<10752xi32, #tpu.memory_space<vmem>> -> memref<128xi32, #tpu.memory_space<vmem>>
      %dma_wait3A_244 = arith.constant 0 : i32
      %dma_wait3A_245 = arith.constant 0 : i32
      %dma_wait3A_246 = tpu.memref_slice %arg8[%dma_wait3A_244, %dma_wait3A_245] : memref<10240x16xf32, #tpu.memory_space<vmem_shared>> -> memref<10240x16xf32, #tpu.memory_space<vmem_shared>>
      %dma_wait3A_247 = tpu.memref_slice %arg12[%dma_wait3A_237] : memref<4x!tpu.dma_semaphore, #tpu.memory_space<semaphore_mem>> -> memref<1x!tpu.dma_semaphore, #tpu.memory_space<semaphore_mem>>
      %dma_wait3A_248 = tpu.memref_squeeze %dma_wait3A_247 : memref<1x!tpu.dma_semaphore, #tpu.memory_space<semaphore_mem>> -> memref<!tpu.dma_semaphore, #tpu.memory_space<semaphore_mem>>
      tpu.wait_indirect_dma semaphore(%dma_wait3A_248 : memref<!tpu.dma_semaphore, #tpu.memory_space<semaphore_mem>>) src(%dma_wait3A_246 : memref<10240x16xf32, #tpu.memory_space<vmem_shared>>) dst(%dma_wait3A_241 : memref<128x16xf32, #tpu.memory_space<vmem>>)
      %mul3A_249 = arith.constant 128 : i32
      %mul3A_250 = arith.muli %add3A_235, %mul3A_249 : i32
      %run_scoped3A_251 = arith.constant 1 : i32
      "tpu.region"() ({
        %run_scoped3A_336 = tpu.sem_alloc : memref<!tpu.dma_semaphore, #tpu.memory_space<semaphore_mem>>
        %dma_start3A_337 = arith.constant 0 : i32
        %dma_start3A_338 = arith.constant 0 : i32
        %dma_start3A_339 = tpu.memref_slice %arg11[%run_scoped3A_251, %dma_start3A_337, %dma_start3A_338] : memref<4x128x16xf32, #tpu.memory_space<vmem>> -> memref<1x128x16xf32, #tpu.memory_space<vmem>>
        %dma_start3A_340 = tpu.memref_squeeze %dma_start3A_339 : memref<1x128x16xf32, #tpu.memory_space<vmem>> -> memref<128x16xf32, #tpu.memory_space<vmem>>
        %dma_start3A_341 = tpu.memref_slice %arg10[%mul3A_250] : memref<10240xi32, #tpu.memory_space<vmem>> -> memref<128xi32, #tpu.memory_space<vmem>>
        %dma_start3A_342 = arith.constant 0 : i32
        %dma_start3A_343 = arith.constant 0 : i32
        %dma_start3A_344 = tpu.memref_slice %arg7[%dma_start3A_342, %dma_start3A_343] : memref<10240x16xf32, #tpu.memory_space<vmem_shared>> -> memref<10240x16xf32, #tpu.memory_space<vmem_shared>>
        tpu.enqueue_indirect_dma source(%dma_start3A_340 : memref<128x16xf32, #tpu.memory_space<vmem>>) target(%dma_start3A_344 : memref<10240x16xf32, #tpu.memory_space<vmem_shared>>) offsets(%dma_start3A_341 : memref<128xi32, #tpu.memory_space<vmem>>) semaphore(%run_scoped3A_336 : memref<!tpu.dma_semaphore, #tpu.memory_space<semaphore_mem>>) {add = true}
        %dma_wait3A_345 = arith.constant 0 : i32
        %dma_wait3A_346 = arith.constant 0 : i32
        %dma_wait3A_347 = tpu.memref_slice %arg11[%run_scoped3A_251, %dma_wait3A_345, %dma_wait3A_346] : memref<4x128x16xf32, #tpu.memory_space<vmem>> -> memref<1x128x16xf32, #tpu.memory_space<vmem>>
        %dma_wait3A_348 = tpu.memref_squeeze %dma_wait3A_347 : memref<1x128x16xf32, #tpu.memory_space<vmem>> -> memref<128x16xf32, #tpu.memory_space<vmem>>
        %dma_wait3A_349 = tpu.memref_slice %arg10[%mul3A_250] : memref<10240xi32, #tpu.memory_space<vmem>> -> memref<128xi32, #tpu.memory_space<vmem>>
        %dma_wait3A_350 = arith.constant 0 : i32
        %dma_wait3A_351 = arith.constant 0 : i32
        %dma_wait3A_352 = tpu.memref_slice %arg7[%dma_wait3A_350, %dma_wait3A_351] : memref<10240x16xf32, #tpu.memory_space<vmem_shared>> -> memref<10240x16xf32, #tpu.memory_space<vmem_shared>>
        tpu.wait_indirect_dma semaphore(%run_scoped3A_336 : memref<!tpu.dma_semaphore, #tpu.memory_space<semaphore_mem>>) src(%dma_wait3A_348 : memref<128x16xf32, #tpu.memory_space<vmem>>) dst(%dma_wait3A_352 : memref<10240x16xf32, #tpu.memory_space<vmem_shared>>)
        tpu.yield
      }) : () -> ()
      %add3A_252 = arith.constant 4 : i32
      %add3A_253 = arith.addi %add3A_235, %add3A_252 : i32
      %mul3A_254 = arith.constant 128 : i32
      %mul3A_255 = arith.muli %add3A_253, %mul3A_254 : i32
      %dma_start3A_256 = arith.constant 1 : i32
      %dma_start3A_257 = arith.constant 1 : i32
      %dma_start3A_258 = arith.constant 0 : i32
      %dma_start3A_259 = arith.constant 0 : i32
      %dma_start3A_260 = tpu.memref_slice %arg11[%dma_start3A_256, %dma_start3A_258, %dma_start3A_259] : memref<4x128x16xf32, #tpu.memory_space<vmem>> -> memref<1x128x16xf32, #tpu.memory_space<vmem>>
      %dma_start3A_261 = tpu.memref_squeeze %dma_start3A_260 : memref<1x128x16xf32, #tpu.memory_space<vmem>> -> memref<128x16xf32, #tpu.memory_space<vmem>>
      %dma_start3A_262 = tpu.memref_slice %arg9[%mul3A_255] : memref<10752xi32, #tpu.memory_space<vmem>> -> memref<128xi32, #tpu.memory_space<vmem>>
      %dma_start3A_263 = arith.constant 0 : i32
      %dma_start3A_264 = arith.constant 0 : i32
      %dma_start3A_265 = tpu.memref_slice %arg8[%dma_start3A_263, %dma_start3A_264] : memref<10240x16xf32, #tpu.memory_space<vmem_shared>> -> memref<10240x16xf32, #tpu.memory_space<vmem_shared>>
      %dma_start3A_266 = tpu.memref_slice %arg12[%dma_start3A_257] : memref<4x!tpu.dma_semaphore, #tpu.memory_space<semaphore_mem>> -> memref<1x!tpu.dma_semaphore, #tpu.memory_space<semaphore_mem>>
      %dma_start3A_267 = tpu.memref_squeeze %dma_start3A_266 : memref<1x!tpu.dma_semaphore, #tpu.memory_space<semaphore_mem>> -> memref<!tpu.dma_semaphore, #tpu.memory_space<semaphore_mem>>
      tpu.enqueue_indirect_dma source(%dma_start3A_265 : memref<10240x16xf32, #tpu.memory_space<vmem_shared>>) target(%dma_start3A_261 : memref<128x16xf32, #tpu.memory_space<vmem>>) offsets(%dma_start3A_262 : memref<128xi32, #tpu.memory_space<vmem>>) semaphore(%dma_start3A_267 : memref<!tpu.dma_semaphore, #tpu.memory_space<semaphore_mem>>)
      %add3A_268 = arith.constant 2 : i32
      %add3A_269 = arith.addi %add3A_200, %add3A_268 : i32
      %dma_wait3A_270 = arith.constant 2 : i32
      %dma_wait3A_271 = arith.constant 2 : i32
      %dma_wait3A_272 = arith.constant 0 : i32
      %dma_wait3A_273 = arith.constant 0 : i32
      %dma_wait3A_274 = tpu.memref_slice %arg11[%dma_wait3A_270, %dma_wait3A_272, %dma_wait3A_273] : memref<4x128x16xf32, #tpu.memory_space<vmem>> -> memref<1x128x16xf32, #tpu.memory_space<vmem>>
      %dma_wait3A_275 = tpu.memref_squeeze %dma_wait3A_274 : memref<1x128x16xf32, #tpu.memory_space<vmem>> -> memref<128x16xf32, #tpu.memory_space<vmem>>
      %dma_wait3A_276 = arith.constant 256 : i32
      %dma_wait3A_277 = tpu.memref_slice %arg9[%dma_wait3A_276] : memref<10752xi32, #tpu.memory_space<vmem>> -> memref<128xi32, #tpu.memory_space<vmem>>
      %dma_wait3A_278 = arith.constant 0 : i32
      %dma_wait3A_279 = arith.constant 0 : i32
      %dma_wait3A_280 = tpu.memref_slice %arg8[%dma_wait3A_278, %dma_wait3A_279] : memref<10240x16xf32, #tpu.memory_space<vmem_shared>> -> memref<10240x16xf32, #tpu.memory_space<vmem_shared>>
      %dma_wait3A_281 = tpu.memref_slice %arg12[%dma_wait3A_271] : memref<4x!tpu.dma_semaphore, #tpu.memory_space<semaphore_mem>> -> memref<1x!tpu.dma_semaphore, #tpu.memory_space<semaphore_mem>>
      %dma_wait3A_282 = tpu.memref_squeeze %dma_wait3A_281 : memref<1x!tpu.dma_semaphore, #tpu.memory_space<semaphore_mem>> -> memref<!tpu.dma_semaphore, #tpu.memory_space<semaphore_mem>>
      tpu.wait_indirect_dma semaphore(%dma_wait3A_282 : memref<!tpu.dma_semaphore, #tpu.memory_space<semaphore_mem>>) src(%dma_wait3A_280 : memref<10240x16xf32, #tpu.memory_space<vmem_shared>>) dst(%dma_wait3A_275 : memref<128x16xf32, #tpu.memory_space<vmem>>)
      %mul3A_283 = arith.constant 128 : i32
      %mul3A_284 = arith.muli %add3A_269, %mul3A_283 : i32
      %run_scoped3A_285 = arith.constant 2 : i32
      "tpu.region"() ({
        %run_scoped3A_336 = tpu.sem_alloc : memref<!tpu.dma_semaphore, #tpu.memory_space<semaphore_mem>>
        %dma_start3A_337 = arith.constant 0 : i32
        %dma_start3A_338 = arith.constant 0 : i32
        %dma_start3A_339 = tpu.memref_slice %arg11[%run_scoped3A_285, %dma_start3A_337, %dma_start3A_338] : memref<4x128x16xf32, #tpu.memory_space<vmem>> -> memref<1x128x16xf32, #tpu.memory_space<vmem>>
        %dma_start3A_340 = tpu.memref_squeeze %dma_start3A_339 : memref<1x128x16xf32, #tpu.memory_space<vmem>> -> memref<128x16xf32, #tpu.memory_space<vmem>>
        %dma_start3A_341 = tpu.memref_slice %arg10[%mul3A_284] : memref<10240xi32, #tpu.memory_space<vmem>> -> memref<128xi32, #tpu.memory_space<vmem>>
        %dma_start3A_342 = arith.constant 0 : i32
        %dma_start3A_343 = arith.constant 0 : i32
        %dma_start3A_344 = tpu.memref_slice %arg7[%dma_start3A_342, %dma_start3A_343] : memref<10240x16xf32, #tpu.memory_space<vmem_shared>> -> memref<10240x16xf32, #tpu.memory_space<vmem_shared>>
        tpu.enqueue_indirect_dma source(%dma_start3A_340 : memref<128x16xf32, #tpu.memory_space<vmem>>) target(%dma_start3A_344 : memref<10240x16xf32, #tpu.memory_space<vmem_shared>>) offsets(%dma_start3A_341 : memref<128xi32, #tpu.memory_space<vmem>>) semaphore(%run_scoped3A_336 : memref<!tpu.dma_semaphore, #tpu.memory_space<semaphore_mem>>) {add = true}
        %dma_wait3A_345 = arith.constant 0 : i32
        %dma_wait3A_346 = arith.constant 0 : i32
        %dma_wait3A_347 = tpu.memref_slice %arg11[%run_scoped3A_285, %dma_wait3A_345, %dma_wait3A_346] : memref<4x128x16xf32, #tpu.memory_space<vmem>> -> memref<1x128x16xf32, #tpu.memory_space<vmem>>
        %dma_wait3A_348 = tpu.memref_squeeze %dma_wait3A_347 : memref<1x128x16xf32, #tpu.memory_space<vmem>> -> memref<128x16xf32, #tpu.memory_space<vmem>>
        %dma_wait3A_349 = tpu.memref_slice %arg10[%mul3A_284] : memref<10240xi32, #tpu.memory_space<vmem>> -> memref<128xi32, #tpu.memory_space<vmem>>
        %dma_wait3A_350 = arith.constant 0 : i32
        %dma_wait3A_351 = arith.constant 0 : i32
        %dma_wait3A_352 = tpu.memref_slice %arg7[%dma_wait3A_350, %dma_wait3A_351] : memref<10240x16xf32, #tpu.memory_space<vmem_shared>> -> memref<10240x16xf32, #tpu.memory_space<vmem_shared>>
        tpu.wait_indirect_dma semaphore(%run_scoped3A_336 : memref<!tpu.dma_semaphore, #tpu.memory_space<semaphore_mem>>) src(%dma_wait3A_348 : memref<128x16xf32, #tpu.memory_space<vmem>>) dst(%dma_wait3A_352 : memref<10240x16xf32, #tpu.memory_space<vmem_shared>>)
        tpu.yield
      }) : () -> ()
      %add3A_286 = arith.constant 4 : i32
      %add3A_287 = arith.addi %add3A_269, %add3A_286 : i32
      %mul3A_288 = arith.constant 128 : i32
      %mul3A_289 = arith.muli %add3A_287, %mul3A_288 : i32
      %dma_start3A_290 = arith.constant 2 : i32
      %dma_start3A_291 = arith.constant 2 : i32
      %dma_start3A_292 = arith.constant 0 : i32
      %dma_start3A_293 = arith.constant 0 : i32
      %dma_start3A_294 = tpu.memref_slice %arg11[%dma_start3A_290, %dma_start3A_292, %dma_start3A_293] : memref<4x128x16xf32, #tpu.memory_space<vmem>> -> memref<1x128x16xf32, #tpu.memory_space<vmem>>
      %dma_start3A_295 = tpu.memref_squeeze %dma_start3A_294 : memref<1x128x16xf32, #tpu.memory_space<vmem>> -> memref<128x16xf32, #tpu.memory_space<vmem>>
      %dma_start3A_296 = tpu.memref_slice %arg9[%mul3A_289] : memref<10752xi32, #tpu.memory_space<vmem>> -> memref<128xi32, #tpu.memory_space<vmem>>
      %dma_start3A_297 = arith.constant 0 : i32
      %dma_start3A_298 = arith.constant 0 : i32
      %dma_start3A_299 = tpu.memref_slice %arg8[%dma_start3A_297, %dma_start3A_298] : memref<10240x16xf32, #tpu.memory_space<vmem_shared>> -> memref<10240x16xf32, #tpu.memory_space<vmem_shared>>
      %dma_start3A_300 = tpu.memref_slice %arg12[%dma_start3A_291] : memref<4x!tpu.dma_semaphore, #tpu.memory_space<semaphore_mem>> -> memref<1x!tpu.dma_semaphore, #tpu.memory_space<semaphore_mem>>
      %dma_start3A_301 = tpu.memref_squeeze %dma_start3A_300 : memref<1x!tpu.dma_semaphore, #tpu.memory_space<semaphore_mem>> -> memref<!tpu.dma_semaphore, #tpu.memory_space<semaphore_mem>>
      tpu.enqueue_indirect_dma source(%dma_start3A_299 : memref<10240x16xf32, #tpu.memory_space<vmem_shared>>) target(%dma_start3A_295 : memref<128x16xf32, #tpu.memory_space<vmem>>) offsets(%dma_start3A_296 : memref<128xi32, #tpu.memory_space<vmem>>) semaphore(%dma_start3A_301 : memref<!tpu.dma_semaphore, #tpu.memory_space<semaphore_mem>>)
      %add3A_302 = arith.constant 3 : i32
      %add3A_303 = arith.addi %add3A_200, %add3A_302 : i32
      %dma_wait3A_304 = arith.constant 3 : i32
      %dma_wait3A_305 = arith.constant 3 : i32
      %dma_wait3A_306 = arith.constant 0 : i32
      %dma_wait3A_307 = arith.constant 0 : i32
      %dma_wait3A_308 = tpu.memref_slice %arg11[%dma_wait3A_304, %dma_wait3A_306, %dma_wait3A_307] : memref<4x128x16xf32, #tpu.memory_space<vmem>> -> memref<1x128x16xf32, #tpu.memory_space<vmem>>
      %dma_wait3A_309 = tpu.memref_squeeze %dma_wait3A_308 : memref<1x128x16xf32, #tpu.memory_space<vmem>> -> memref<128x16xf32, #tpu.memory_space<vmem>>
      %dma_wait3A_310 = arith.constant 384 : i32
      %dma_wait3A_311 = tpu.memref_slice %arg9[%dma_wait3A_310] : memref<10752xi32, #tpu.memory_space<vmem>> -> memref<128xi32, #tpu.memory_space<vmem>>
      %dma_wait3A_312 = arith.constant 0 : i32
      %dma_wait3A_313 = arith.constant 0 : i32
      %dma_wait3A_314 = tpu.memref_slice %arg8[%dma_wait3A_312, %dma_wait3A_313] : memref<10240x16xf32, #tpu.memory_space<vmem_shared>> -> memref<10240x16xf32, #tpu.memory_space<vmem_shared>>
      %dma_wait3A_315 = tpu.memref_slice %arg12[%dma_wait3A_305] : memref<4x!tpu.dma_semaphore, #tpu.memory_space<semaphore_mem>> -> memref<1x!tpu.dma_semaphore, #tpu.memory_space<semaphore_mem>>
      %dma_wait3A_316 = tpu.memref_squeeze %dma_wait3A_315 : memref<1x!tpu.dma_semaphore, #tpu.memory_space<semaphore_mem>> -> memref<!tpu.dma_semaphore, #tpu.memory_space<semaphore_mem>>
      tpu.wait_indirect_dma semaphore(%dma_wait3A_316 : memref<!tpu.dma_semaphore, #tpu.memory_space<semaphore_mem>>) src(%dma_wait3A_314 : memref<10240x16xf32, #tpu.memory_space<vmem_shared>>) dst(%dma_wait3A_309 : memref<128x16xf32, #tpu.memory_space<vmem>>)
      %mul3A_317 = arith.constant 128 : i32
      %mul3A_318 = arith.muli %add3A_303, %mul3A_317 : i32
      %run_scoped3A_319 = arith.constant 3 : i32
      "tpu.region"() ({
        %run_scoped3A_336 = tpu.sem_alloc : memref<!tpu.dma_semaphore, #tpu.memory_space<semaphore_mem>>
        %dma_start3A_337 = arith.constant 0 : i32
        %dma_start3A_338 = arith.constant 0 : i32
        %dma_start3A_339 = tpu.memref_slice %arg11[%run_scoped3A_319, %dma_start3A_337, %dma_start3A_338] : memref<4x128x16xf32, #tpu.memory_space<vmem>> -> memref<1x128x16xf32, #tpu.memory_space<vmem>>
        %dma_start3A_340 = tpu.memref_squeeze %dma_start3A_339 : memref<1x128x16xf32, #tpu.memory_space<vmem>> -> memref<128x16xf32, #tpu.memory_space<vmem>>
        %dma_start3A_341 = tpu.memref_slice %arg10[%mul3A_318] : memref<10240xi32, #tpu.memory_space<vmem>> -> memref<128xi32, #tpu.memory_space<vmem>>
        %dma_start3A_342 = arith.constant 0 : i32
        %dma_start3A_343 = arith.constant 0 : i32
        %dma_start3A_344 = tpu.memref_slice %arg7[%dma_start3A_342, %dma_start3A_343] : memref<10240x16xf32, #tpu.memory_space<vmem_shared>> -> memref<10240x16xf32, #tpu.memory_space<vmem_shared>>
        tpu.enqueue_indirect_dma source(%dma_start3A_340 : memref<128x16xf32, #tpu.memory_space<vmem>>) target(%dma_start3A_344 : memref<10240x16xf32, #tpu.memory_space<vmem_shared>>) offsets(%dma_start3A_341 : memref<128xi32, #tpu.memory_space<vmem>>) semaphore(%run_scoped3A_336 : memref<!tpu.dma_semaphore, #tpu.memory_space<semaphore_mem>>) {add = true}
        %dma_wait3A_345 = arith.constant 0 : i32
        %dma_wait3A_346 = arith.constant 0 : i32
        %dma_wait3A_347 = tpu.memref_slice %arg11[%run_scoped3A_319, %dma_wait3A_345, %dma_wait3A_346] : memref<4x128x16xf32, #tpu.memory_space<vmem>> -> memref<1x128x16xf32, #tpu.memory_space<vmem>>
        %dma_wait3A_348 = tpu.memref_squeeze %dma_wait3A_347 : memref<1x128x16xf32, #tpu.memory_space<vmem>> -> memref<128x16xf32, #tpu.memory_space<vmem>>
        %dma_wait3A_349 = tpu.memref_slice %arg10[%mul3A_318] : memref<10240xi32, #tpu.memory_space<vmem>> -> memref<128xi32, #tpu.memory_space<vmem>>
        %dma_wait3A_350 = arith.constant 0 : i32
        %dma_wait3A_351 = arith.constant 0 : i32
        %dma_wait3A_352 = tpu.memref_slice %arg7[%dma_wait3A_350, %dma_wait3A_351] : memref<10240x16xf32, #tpu.memory_space<vmem_shared>> -> memref<10240x16xf32, #tpu.memory_space<vmem_shared>>
        tpu.wait_indirect_dma semaphore(%run_scoped3A_336 : memref<!tpu.dma_semaphore, #tpu.memory_space<semaphore_mem>>) src(%dma_wait3A_348 : memref<128x16xf32, #tpu.memory_space<vmem>>) dst(%dma_wait3A_352 : memref<10240x16xf32, #tpu.memory_space<vmem_shared>>)
        tpu.yield
      }) : () -> ()
      %add3A_320 = arith.constant 4 : i32
      %add3A_321 = arith.addi %add3A_303, %add3A_320 : i32
      %mul3A_322 = arith.constant 128 : i32
      %mul3A_323 = arith.muli %add3A_321, %mul3A_322 : i32
      %dma_start3A_324 = arith.constant 3 : i32
      %dma_start3A_325 = arith.constant 3 : i32
      %dma_start3A_326 = arith.constant 0 : i32
      %dma_start3A_327 = arith.constant 0 : i32
      %dma_start3A_328 = tpu.memref_slice %arg11[%dma_start3A_324, %dma_start3A_326, %dma_start3A_327] : memref<4x128x16xf32, #tpu.memory_space<vmem>> -> memref<1x128x16xf32, #tpu.memory_space<vmem>>
      %dma_start3A_329 = tpu.memref_squeeze %dma_start3A_328 : memref<1x128x16xf32, #tpu.memory_space<vmem>> -> memref<128x16xf32, #tpu.memory_space<vmem>>
      %dma_start3A_330 = tpu.memref_slice %arg9[%mul3A_323] : memref<10752xi32, #tpu.memory_space<vmem>> -> memref<128xi32, #tpu.memory_space<vmem>>
      %dma_start3A_331 = arith.constant 0 : i32
      %dma_start3A_332 = arith.constant 0 : i32
      %dma_start3A_333 = tpu.memref_slice %arg8[%dma_start3A_331, %dma_start3A_332] : memref<10240x16xf32, #tpu.memory_space<vmem_shared>> -> memref<10240x16xf32, #tpu.memory_space<vmem_shared>>
      %dma_start3A_334 = tpu.memref_slice %arg12[%dma_start3A_325] : memref<4x!tpu.dma_semaphore, #tpu.memory_space<semaphore_mem>> -> memref<1x!tpu.dma_semaphore, #tpu.memory_space<semaphore_mem>>
      %dma_start3A_335 = tpu.memref_squeeze %dma_start3A_334 : memref<1x!tpu.dma_semaphore, #tpu.memory_space<semaphore_mem>> -> memref<!tpu.dma_semaphore, #tpu.memory_space<semaphore_mem>>
      tpu.enqueue_indirect_dma source(%dma_start3A_333 : memref<10240x16xf32, #tpu.memory_space<vmem_shared>>) target(%dma_start3A_329 : memref<128x16xf32, #tpu.memory_space<vmem>>) offsets(%dma_start3A_330 : memref<128xi32, #tpu.memory_space<vmem>>) semaphore(%dma_start3A_335 : memref<!tpu.dma_semaphore, #tpu.memory_space<semaphore_mem>>)
    }
    %scan3A_142 = arith.constant 20 : i32
    %dma_wait3A_143 = arith.constant 0 : i32
    %dma_wait3A_144 = arith.constant 0 : i32
    %dma_wait3A_145 = arith.constant 0 : i32
    %dma_wait3A_146 = arith.constant 0 : i32
    %dma_wait3A_147 = tpu.memref_slice %arg11[%dma_wait3A_143, %dma_wait3A_145, %dma_wait3A_146] : memref<4x128x16xf32, #tpu.memory_space<vmem>> -> memref<1x128x16xf32, #tpu.memory_space<vmem>>
    %dma_wait3A_148 = tpu.memref_squeeze %dma_wait3A_147 : memref<1x128x16xf32, #tpu.memory_space<vmem>> -> memref<128x16xf32, #tpu.memory_space<vmem>>
    %dma_wait3A_149 = arith.constant 0 : i32
    %dma_wait3A_150 = tpu.memref_slice %arg9[%dma_wait3A_149] : memref<10752xi32, #tpu.memory_space<vmem>> -> memref<128xi32, #tpu.memory_space<vmem>>
    %dma_wait3A_151 = arith.constant 0 : i32
    %dma_wait3A_152 = arith.constant 0 : i32
    %dma_wait3A_153 = tpu.memref_slice %arg8[%dma_wait3A_151, %dma_wait3A_152] : memref<10240x16xf32, #tpu.memory_space<vmem_shared>> -> memref<10240x16xf32, #tpu.memory_space<vmem_shared>>
    %dma_wait3A_154 = tpu.memref_slice %arg12[%dma_wait3A_144] : memref<4x!tpu.dma_semaphore, #tpu.memory_space<semaphore_mem>> -> memref<1x!tpu.dma_semaphore, #tpu.memory_space<semaphore_mem>>
    %dma_wait3A_155 = tpu.memref_squeeze %dma_wait3A_154 : memref<1x!tpu.dma_semaphore, #tpu.memory_space<semaphore_mem>> -> memref<!tpu.dma_semaphore, #tpu.memory_space<semaphore_mem>>
    tpu.wait_indirect_dma semaphore(%dma_wait3A_155 : memref<!tpu.dma_semaphore, #tpu.memory_space<semaphore_mem>>) src(%dma_wait3A_153 : memref<10240x16xf32, #tpu.memory_space<vmem_shared>>) dst(%dma_wait3A_148 : memref<128x16xf32, #tpu.memory_space<vmem>>)
    %dma_wait3A_156 = arith.constant 1 : i32
    %dma_wait3A_157 = arith.constant 1 : i32
    %dma_wait3A_158 = arith.constant 0 : i32
    %dma_wait3A_159 = arith.constant 0 : i32
    %dma_wait3A_160 = tpu.memref_slice %arg11[%dma_wait3A_156, %dma_wait3A_158, %dma_wait3A_159] : memref<4x128x16xf32, #tpu.memory_space<vmem>> -> memref<1x128x16xf32, #tpu.memory_space<vmem>>
    %dma_wait3A_161 = tpu.memref_squeeze %dma_wait3A_160 : memref<1x128x16xf32, #tpu.memory_space<vmem>> -> memref<128x16xf32, #tpu.memory_space<vmem>>
    %dma_wait3A_162 = arith.constant 128 : i32
    %dma_wait3A_163 = tpu.memref_slice %arg9[%dma_wait3A_162] : memref<10752xi32, #tpu.memory_space<vmem>> -> memref<128xi32, #tpu.memory_space<vmem>>
    %dma_wait3A_164 = arith.constant 0 : i32
    %dma_wait3A_165 = arith.constant 0 : i32
    %dma_wait3A_166 = tpu.memref_slice %arg8[%dma_wait3A_164, %dma_wait3A_165] : memref<10240x16xf32, #tpu.memory_space<vmem_shared>> -> memref<10240x16xf32, #tpu.memory_space<vmem_shared>>
    %dma_wait3A_167 = tpu.memref_slice %arg12[%dma_wait3A_157] : memref<4x!tpu.dma_semaphore, #tpu.memory_space<semaphore_mem>> -> memref<1x!tpu.dma_semaphore, #tpu.memory_space<semaphore_mem>>
    %dma_wait3A_168 = tpu.memref_squeeze %dma_wait3A_167 : memref<1x!tpu.dma_semaphore, #tpu.memory_space<semaphore_mem>> -> memref<!tpu.dma_semaphore, #tpu.memory_space<semaphore_mem>>
    tpu.wait_indirect_dma semaphore(%dma_wait3A_168 : memref<!tpu.dma_semaphore, #tpu.memory_space<semaphore_mem>>) src(%dma_wait3A_166 : memref<10240x16xf32, #tpu.memory_space<vmem_shared>>) dst(%dma_wait3A_161 : memref<128x16xf32, #tpu.memory_space<vmem>>)
    %dma_wait3A_169 = arith.constant 2 : i32
    %dma_wait3A_170 = arith.constant 2 : i32
    %dma_wait3A_171 = arith.constant 0 : i32
    %dma_wait3A_172 = arith.constant 0 : i32
    %dma_wait3A_173 = tpu.memref_slice %arg11[%dma_wait3A_169, %dma_wait3A_171, %dma_wait3A_172] : memref<4x128x16xf32, #tpu.memory_space<vmem>> -> memref<1x128x16xf32, #tpu.memory_space<vmem>>
    %dma_wait3A_174 = tpu.memref_squeeze %dma_wait3A_173 : memref<1x128x16xf32, #tpu.memory_space<vmem>> -> memref<128x16xf32, #tpu.memory_space<vmem>>
    %dma_wait3A_175 = arith.constant 256 : i32
    %dma_wait3A_176 = tpu.memref_slice %arg9[%dma_wait3A_175] : memref<10752xi32, #tpu.memory_space<vmem>> -> memref<128xi32, #tpu.memory_space<vmem>>
    %dma_wait3A_177 = arith.constant 0 : i32
    %dma_wait3A_178 = arith.constant 0 : i32
    %dma_wait3A_179 = tpu.memref_slice %arg8[%dma_wait3A_177, %dma_wait3A_178] : memref<10240x16xf32, #tpu.memory_space<vmem_shared>> -> memref<10240x16xf32, #tpu.memory_space<vmem_shared>>
    %dma_wait3A_180 = tpu.memref_slice %arg12[%dma_wait3A_170] : memref<4x!tpu.dma_semaphore, #tpu.memory_space<semaphore_mem>> -> memref<1x!tpu.dma_semaphore, #tpu.memory_space<semaphore_mem>>
    %dma_wait3A_181 = tpu.memref_squeeze %dma_wait3A_180 : memref<1x!tpu.dma_semaphore, #tpu.memory_space<semaphore_mem>> -> memref<!tpu.dma_semaphore, #tpu.memory_space<semaphore_mem>>
    tpu.wait_indirect_dma semaphore(%dma_wait3A_181 : memref<!tpu.dma_semaphore, #tpu.memory_space<semaphore_mem>>) src(%dma_wait3A_179 : memref<10240x16xf32, #tpu.memory_space<vmem_shared>>) dst(%dma_wait3A_174 : memref<128x16xf32, #tpu.memory_space<vmem>>)
    %dma_wait3A_182 = arith.constant 3 : i32
    %dma_wait3A_183 = arith.constant 3 : i32
    %dma_wait3A_184 = arith.constant 0 : i32
    %dma_wait3A_185 = arith.constant 0 : i32
    %dma_wait3A_186 = tpu.memref_slice %arg11[%dma_wait3A_182, %dma_wait3A_184, %dma_wait3A_185] : memref<4x128x16xf32, #tpu.memory_space<vmem>> -> memref<1x128x16xf32, #tpu.memory_space<vmem>>
    %dma_wait3A_187 = tpu.memref_squeeze %dma_wait3A_186 : memref<1x128x16xf32, #tpu.memory_space<vmem>> -> memref<128x16xf32, #tpu.memory_space<vmem>>
    %dma_wait3A_188 = arith.constant 384 : i32
    %dma_wait3A_189 = tpu.memref_slice %arg9[%dma_wait3A_188] : memref<10752xi32, #tpu.memory_space<vmem>> -> memref<128xi32, #tpu.memory_space<vmem>>
    %dma_wait3A_190 = arith.constant 0 : i32
    %dma_wait3A_191 = arith.constant 0 : i32
    %dma_wait3A_192 = tpu.memref_slice %arg8[%dma_wait3A_190, %dma_wait3A_191] : memref<10240x16xf32, #tpu.memory_space<vmem_shared>> -> memref<10240x16xf32, #tpu.memory_space<vmem_shared>>
    %dma_wait3A_193 = tpu.memref_slice %arg12[%dma_wait3A_183] : memref<4x!tpu.dma_semaphore, #tpu.memory_space<semaphore_mem>> -> memref<1x!tpu.dma_semaphore, #tpu.memory_space<semaphore_mem>>
    %dma_wait3A_194 = tpu.memref_squeeze %dma_wait3A_193 : memref<1x!tpu.dma_semaphore, #tpu.memory_space<semaphore_mem>> -> memref<!tpu.dma_semaphore, #tpu.memory_space<semaphore_mem>>
    tpu.wait_indirect_dma semaphore(%dma_wait3A_194 : memref<!tpu.dma_semaphore, #tpu.memory_space<semaphore_mem>>) src(%dma_wait3A_192 : memref<10240x16xf32, #tpu.memory_space<vmem_shared>>) dst(%dma_wait3A_187 : memref<128x16xf32, #tpu.memory_space<vmem>>)
    %barrier3A_195 = arith.constant 0 : index
    tpu.barrier barrier_id(%barrier3A_195)
    "tpu.region"() ({
      %run_scoped3A = tpu.sem_alloc : memref<!tpu.dma_semaphore, #tpu.memory_space<semaphore_mem>>
      %dma_start3A_196 = arith.constant 0 : i32
      %dma_start3A_197 = arith.constant 0 : i32
      %dma_start3A_198 = tpu.memref_slice %arg6[%arg0, %dma_start3A_196, %dma_start3A_197] : memref<2x10240x16xf32, #tpu.memory_space<hbm>> -> memref<1x10240x16xf32, #tpu.memory_space<hbm>>
      %dma_start3A_199 = tpu.memref_squeeze %dma_start3A_198 : memref<1x10240x16xf32, #tpu.memory_space<hbm>> -> memref<10240x16xf32, #tpu.memory_space<hbm>>
      %dma_start3A_200 = arith.constant 0 : i32
      %dma_start3A_201 = tpu.memref_slice %dma_start3A_199[%mul3A_0, %dma_start3A_200] : memref<10240x16xf32, #tpu.memory_space<hbm>> -> memref<640x16xf32, #tpu.memory_space<hbm>>
      %dma_start3A_202 = arith.constant 0 : i32
      %dma_start3A_203 = tpu.memref_slice %arg7[%mul3A_0, %dma_start3A_202] : memref<10240x16xf32, #tpu.memory_space<vmem_shared>> -> memref<640x16xf32, #tpu.memory_space<vmem_shared>>
      tpu.enqueue_dma source(%dma_start3A_203 : memref<640x16xf32, #tpu.memory_space<vmem_shared>>) target(%dma_start3A_201 : memref<640x16xf32, #tpu.memory_space<hbm>>) target_semaphore(%run_scoped3A : memref<!tpu.dma_semaphore, #tpu.memory_space<semaphore_mem>>)
      %dma_wait3A_204 = arith.constant 0 : i32
      %dma_wait3A_205 = arith.constant 0 : i32
      %dma_wait3A_206 = tpu.memref_slice %arg6[%arg0, %dma_wait3A_204, %dma_wait3A_205] : memref<2x10240x16xf32, #tpu.memory_space<hbm>> -> memref<1x10240x16xf32, #tpu.memory_space<hbm>>
      %dma_wait3A_207 = tpu.memref_squeeze %dma_wait3A_206 : memref<1x10240x16xf32, #tpu.memory_space<hbm>> -> memref<10240x16xf32, #tpu.memory_space<hbm>>
      %dma_wait3A_208 = arith.constant 0 : i32
      %dma_wait3A_209 = tpu.memref_slice %dma_wait3A_207[%mul3A_0, %dma_wait3A_208] : memref<10240x16xf32, #tpu.memory_space<hbm>> -> memref<640x16xf32, #tpu.memory_space<hbm>>
      %dma_wait3A_210 = arith.constant 0 : i32
      %dma_wait3A_211 = tpu.memref_slice %arg7[%mul3A_0, %dma_wait3A_210] : memref<10240x16xf32, #tpu.memory_space<vmem_shared>> -> memref<640x16xf32, #tpu.memory_space<vmem_shared>>
      tpu.wait_dma2 semaphore(%run_scoped3A : memref<!tpu.dma_semaphore, #tpu.memory_space<semaphore_mem>>) src(%dma_wait3A_211 : memref<640x16xf32, #tpu.memory_space<vmem_shared>>) dst(%dma_wait3A_209 : memref<640x16xf32, #tpu.memory_space<hbm>>)
      tpu.yield
    }) : () -> ()
    return
  }
}

#map = affine_map<(d0, d1) -> (0, 0)>
#map1 = affine_map<(d0, d1) -> (0)>
#map2 = affine_map<(d0, d1) -> (0, 0, 0)>
module attributes {stable_mosaic.version = 14 : i64} {
  func.func @_deg_body(%arg0: i32, %arg1: i32, %arg2: memref<2x320000xi32, #tpu.memory_space<hbm>>, %arg3: memref<7680xi32, #tpu.memory_space<hbm>>, %arg4: memref<128x16xf32, #tpu.memory_space<hbm>>, %arg5: memref<10240x16xf32, #tpu.memory_space<hbm>>, %arg6: memref<2x10240x16xf32, #tpu.memory_space<hbm>>, %arg7: memref<10240x16xf32, #tpu.memory_space<vmem_shared>>, %arg8: memref<10240xi32, #tpu.memory_space<vmem>>, %arg9: memref<128x16xf32, #tpu.memory_space<vmem>>, %arg10: memref<!tpu.dma_semaphore, #tpu.memory_space<semaphore_mem>>) attributes {dimension_semantics = [#tpu.dimension_semantics<core_parallel>, #tpu.dimension_semantics<subcore_parallel>], iteration_bounds = array<i64: 2, 16>, scalar_prefetch = 0 : i64, scratch_operands = 4 : i64, tpu.core_type = #tpu.core_type<sc_vector_subcore>, window_params = [{transform_indices = #map}, {transform_indices = #map1}, {transform_indices = #map}, {transform_indices = #map}, {transform_indices = #map2}]} {
    %mul3A = arith.constant 640 : i32
    %mul3A_0 = arith.muli %arg1, %mul3A : i32
    %dma_start3A = arith.constant 0 : i32
    %dma_start3A_1 = tpu.memref_slice %arg7[%mul3A_0, %dma_start3A] : memref<10240x16xf32, #tpu.memory_space<vmem_shared>> -> memref<640x16xf32, #tpu.memory_space<vmem_shared>>
    %dma_start3A_2 = arith.constant 0 : i32
    %dma_start3A_3 = tpu.memref_slice %arg5[%mul3A_0, %dma_start3A_2] : memref<10240x16xf32, #tpu.memory_space<hbm>> -> memref<640x16xf32, #tpu.memory_space<hbm>>
    tpu.enqueue_dma source(%dma_start3A_3 : memref<640x16xf32, #tpu.memory_space<hbm>>) target(%dma_start3A_1 : memref<640x16xf32, #tpu.memory_space<vmem_shared>>) target_semaphore(%arg10 : memref<!tpu.dma_semaphore, #tpu.memory_space<semaphore_mem>>)
    tpu.enqueue_dma source(%arg4 : memref<128x16xf32, #tpu.memory_space<hbm>>) target(%arg9 : memref<128x16xf32, #tpu.memory_space<vmem>>) target_semaphore(%arg10 : memref<!tpu.dma_semaphore, #tpu.memory_space<semaphore_mem>>)
    %mul3A_4 = arith.constant 16 : i32
    %mul3A_5 = arith.muli %arg0, %mul3A_4 : i32
    %add3A = arith.addi %mul3A_5, %arg1 : i32
    %mul3A_6 = arith.constant 10240 : i32
    %mul3A_7 = arith.muli %add3A, %mul3A_6 : i32
    %lt3A = arith.constant 31 : i32
    %lt3A_8 = arith.cmpi slt, %add3A, %lt3A : i32
    %convert_element_type3A = arith.extui %lt3A_8 : i1 to i32
    %cond3A = arith.constant 1 : i32
    %cond3A_9 = arith.constant 0 : i32
    %cond3A_10 = arith.cmpi ne, %convert_element_type3A, %cond3A_9 : i32
    scf.if %cond3A_10 {
      %dma_start3A_44 = arith.constant 0 : i32
      %dma_start3A_45 = tpu.memref_slice %arg8[%dma_start3A_44] : memref<10240xi32, #tpu.memory_space<vmem>> -> memref<10240xi32, #tpu.memory_space<vmem>>
      %dma_start3A_46 = arith.constant 0 : i32
      %dma_start3A_47 = tpu.memref_slice %arg2[%cond3A, %dma_start3A_46] : memref<2x320000xi32, #tpu.memory_space<hbm>> -> memref<1x320000xi32, #tpu.memory_space<hbm>>
      %dma_start3A_48 = tpu.memref_squeeze %dma_start3A_47 : memref<1x320000xi32, #tpu.memory_space<hbm>> -> memref<320000xi32, #tpu.memory_space<hbm>>
      %dma_start3A_49 = tpu.memref_slice %dma_start3A_48[%mul3A_7] : memref<320000xi32, #tpu.memory_space<hbm>> -> memref<10240xi32, #tpu.memory_space<hbm>>
      %dma_start3A_50 = arith.constant 0 : i32
      %dma_start3A_51 = tpu.memref_slice %arg8[%dma_start3A_50] : memref<10240xi32, #tpu.memory_space<vmem>> -> memref<10240xi32, #tpu.memory_space<vmem>>
      %dma_start3A_52 = arith.constant 0 : i32
      %dma_start3A_53 = tpu.memref_slice %arg2[%cond3A, %dma_start3A_52] : memref<2x320000xi32, #tpu.memory_space<hbm>> -> memref<1x320000xi32, #tpu.memory_space<hbm>>
      %dma_start3A_54 = tpu.memref_squeeze %dma_start3A_53 : memref<1x320000xi32, #tpu.memory_space<hbm>> -> memref<320000xi32, #tpu.memory_space<hbm>>
      %dma_start3A_55 = tpu.memref_slice %dma_start3A_54[%mul3A_7] : memref<320000xi32, #tpu.memory_space<hbm>> -> memref<10240xi32, #tpu.memory_space<hbm>>
      tpu.enqueue_dma source(%dma_start3A_55 : memref<10240xi32, #tpu.memory_space<hbm>>) target(%dma_start3A_51 : memref<10240xi32, #tpu.memory_space<vmem>>) target_semaphore(%arg10 : memref<!tpu.dma_semaphore, #tpu.memory_space<semaphore_mem>>)
    } else {
    }
    %eq3A = arith.constant 31 : i32
    %eq3A_11 = arith.cmpi eq, %add3A, %eq3A : i32
    %convert_element_type3A_12 = arith.extui %eq3A_11 : i1 to i32
    %cond3A_13 = arith.constant 1 : i32
    %cond3A_14 = arith.constant 0 : i32
    %cond3A_15 = arith.cmpi ne, %convert_element_type3A_12, %cond3A_14 : i32
    scf.if %cond3A_15 {
      %dma_start3A_44 = arith.constant 0 : i32
      %dma_start3A_45 = tpu.memref_slice %arg8[%dma_start3A_44] : memref<10240xi32, #tpu.memory_space<vmem>> -> memref<2560xi32, #tpu.memory_space<vmem>>
      %dma_start3A_46 = arith.constant 0 : i32
      %dma_start3A_47 = tpu.memref_slice %arg2[%cond3A_13, %dma_start3A_46] : memref<2x320000xi32, #tpu.memory_space<hbm>> -> memref<1x320000xi32, #tpu.memory_space<hbm>>
      %dma_start3A_48 = tpu.memref_squeeze %dma_start3A_47 : memref<1x320000xi32, #tpu.memory_space<hbm>> -> memref<320000xi32, #tpu.memory_space<hbm>>
      %dma_start3A_49 = tpu.memref_slice %dma_start3A_48[%mul3A_7] : memref<320000xi32, #tpu.memory_space<hbm>> -> memref<2560xi32, #tpu.memory_space<hbm>>
      %dma_start3A_50 = arith.constant 0 : i32
      %dma_start3A_51 = tpu.memref_slice %arg8[%dma_start3A_50] : memref<10240xi32, #tpu.memory_space<vmem>> -> memref<2560xi32, #tpu.memory_space<vmem>>
      %dma_start3A_52 = arith.constant 0 : i32
      %dma_start3A_53 = tpu.memref_slice %arg2[%cond3A_13, %dma_start3A_52] : memref<2x320000xi32, #tpu.memory_space<hbm>> -> memref<1x320000xi32, #tpu.memory_space<hbm>>
      %dma_start3A_54 = tpu.memref_squeeze %dma_start3A_53 : memref<1x320000xi32, #tpu.memory_space<hbm>> -> memref<320000xi32, #tpu.memory_space<hbm>>
      %dma_start3A_55 = tpu.memref_slice %dma_start3A_54[%mul3A_7] : memref<320000xi32, #tpu.memory_space<hbm>> -> memref<2560xi32, #tpu.memory_space<hbm>>
      tpu.enqueue_dma source(%dma_start3A_55 : memref<2560xi32, #tpu.memory_space<hbm>>) target(%dma_start3A_51 : memref<2560xi32, #tpu.memory_space<vmem>>) target_semaphore(%arg10 : memref<!tpu.dma_semaphore, #tpu.memory_space<semaphore_mem>>)
      %dma_start3A_56 = arith.constant 2560 : i32
      %dma_start3A_57 = tpu.memref_slice %arg8[%dma_start3A_56] : memref<10240xi32, #tpu.memory_space<vmem>> -> memref<7680xi32, #tpu.memory_space<vmem>>
      %dma_start3A_58 = arith.constant 0 : i32
      %dma_start3A_59 = tpu.memref_slice %arg3[%dma_start3A_58] : memref<7680xi32, #tpu.memory_space<hbm>> -> memref<7680xi32, #tpu.memory_space<hbm>>
      %dma_start3A_60 = arith.constant 2560 : i32
      %dma_start3A_61 = tpu.memref_slice %arg8[%dma_start3A_60] : memref<10240xi32, #tpu.memory_space<vmem>> -> memref<7680xi32, #tpu.memory_space<vmem>>
      %dma_start3A_62 = arith.constant 0 : i32
      %dma_start3A_63 = tpu.memref_slice %arg3[%dma_start3A_62] : memref<7680xi32, #tpu.memory_space<hbm>> -> memref<7680xi32, #tpu.memory_space<hbm>>
      tpu.enqueue_dma source(%dma_start3A_63 : memref<7680xi32, #tpu.memory_space<hbm>>) target(%dma_start3A_61 : memref<7680xi32, #tpu.memory_space<vmem>>) target_semaphore(%arg10 : memref<!tpu.dma_semaphore, #tpu.memory_space<semaphore_mem>>)
    } else {
    }
    %dma_wait3A = arith.constant 0 : i32
    %dma_wait3A_16 = tpu.memref_slice %arg7[%mul3A_0, %dma_wait3A] : memref<10240x16xf32, #tpu.memory_space<vmem_shared>> -> memref<640x16xf32, #tpu.memory_space<vmem_shared>>
    %dma_wait3A_17 = arith.constant 0 : i32
    %dma_wait3A_18 = tpu.memref_slice %arg5[%mul3A_0, %dma_wait3A_17] : memref<10240x16xf32, #tpu.memory_space<hbm>> -> memref<640x16xf32, #tpu.memory_space<hbm>>
    tpu.wait_dma2 semaphore(%arg10 : memref<!tpu.dma_semaphore, #tpu.memory_space<semaphore_mem>>) src(%dma_wait3A_18 : memref<640x16xf32, #tpu.memory_space<hbm>>) dst(%dma_wait3A_16 : memref<640x16xf32, #tpu.memory_space<vmem_shared>>)
    tpu.wait_dma2 semaphore(%arg10 : memref<!tpu.dma_semaphore, #tpu.memory_space<semaphore_mem>>) src(%arg4 : memref<128x16xf32, #tpu.memory_space<hbm>>) dst(%arg9 : memref<128x16xf32, #tpu.memory_space<vmem>>)
    %dma_wait3A_19 = arith.constant 1 : i32
    %dma_wait3A_20 = arith.constant 0 : i32
    %dma_wait3A_21 = tpu.memref_slice %arg8[%dma_wait3A_20] : memref<10240xi32, #tpu.memory_space<vmem>> -> memref<10240xi32, #tpu.memory_space<vmem>>
    %dma_wait3A_22 = arith.constant 0 : i32
    %dma_wait3A_23 = tpu.memref_slice %arg2[%dma_wait3A_19, %dma_wait3A_22] : memref<2x320000xi32, #tpu.memory_space<hbm>> -> memref<1x320000xi32, #tpu.memory_space<hbm>>
    %dma_wait3A_24 = tpu.memref_squeeze %dma_wait3A_23 : memref<1x320000xi32, #tpu.memory_space<hbm>> -> memref<320000xi32, #tpu.memory_space<hbm>>
    %dma_wait3A_25 = arith.constant 0 : i32
    %dma_wait3A_26 = tpu.memref_slice %dma_wait3A_24[%dma_wait3A_25] : memref<320000xi32, #tpu.memory_space<hbm>> -> memref<10240xi32, #tpu.memory_space<hbm>>
    %dma_wait3A_27 = arith.constant 0 : i32
    %dma_wait3A_28 = tpu.memref_slice %arg8[%dma_wait3A_27] : memref<10240xi32, #tpu.memory_space<vmem>> -> memref<10240xi32, #tpu.memory_space<vmem>>
    %dma_wait3A_29 = arith.constant 0 : i32
    %dma_wait3A_30 = tpu.memref_slice %arg2[%dma_wait3A_19, %dma_wait3A_29] : memref<2x320000xi32, #tpu.memory_space<hbm>> -> memref<1x320000xi32, #tpu.memory_space<hbm>>
    %dma_wait3A_31 = tpu.memref_squeeze %dma_wait3A_30 : memref<1x320000xi32, #tpu.memory_space<hbm>> -> memref<320000xi32, #tpu.memory_space<hbm>>
    %dma_wait3A_32 = arith.constant 0 : i32
    %dma_wait3A_33 = tpu.memref_slice %dma_wait3A_31[%dma_wait3A_32] : memref<320000xi32, #tpu.memory_space<hbm>> -> memref<10240xi32, #tpu.memory_space<hbm>>
    tpu.wait_dma2 semaphore(%arg10 : memref<!tpu.dma_semaphore, #tpu.memory_space<semaphore_mem>>) src(%dma_wait3A_33 : memref<10240xi32, #tpu.memory_space<hbm>>) dst(%dma_wait3A_28 : memref<10240xi32, #tpu.memory_space<vmem>>)
    %barrier3A = arith.constant 0 : index
    tpu.barrier barrier_id(%barrier3A)
    %scan3A = arith.constant 0 : i32
    %scan3A_34 = arith.constant 80 : i32
    %scan3A_35 = arith.addi %scan3A, %scan3A_34 : i32
    %scan3A_36 = arith.constant 1 : i32
    scf.for %scan3A_44 = %scan3A to %scan3A_35 step %scan3A_36  : i32 {
      %mul3A_45 = arith.constant 1 : i32
      %mul3A_46 = arith.muli %scan3A_44, %mul3A_45 : i32
      %add3A_47 = arith.constant 0 : i32
      %add3A_48 = arith.addi %add3A_47, %mul3A_46 : i32
      %mul3A_49 = arith.constant 128 : i32
      %mul3A_50 = arith.muli %add3A_48, %mul3A_49 : i32
      %dma_start3A_51 = tpu.memref_slice %arg8[%mul3A_50] : memref<10240xi32, #tpu.memory_space<vmem>> -> memref<128xi32, #tpu.memory_space<vmem>>
      %dma_start3A_52 = arith.constant 0 : i32
      %dma_start3A_53 = arith.constant 0 : i32
      %dma_start3A_54 = tpu.memref_slice %arg7[%dma_start3A_52, %dma_start3A_53] : memref<10240x16xf32, #tpu.memory_space<vmem_shared>> -> memref<10240x16xf32, #tpu.memory_space<vmem_shared>>
      tpu.enqueue_indirect_dma source(%arg9 : memref<128x16xf32, #tpu.memory_space<vmem>>) target(%dma_start3A_54 : memref<10240x16xf32, #tpu.memory_space<vmem_shared>>) offsets(%dma_start3A_51 : memref<128xi32, #tpu.memory_space<vmem>>) semaphore(%arg10 : memref<!tpu.dma_semaphore, #tpu.memory_space<semaphore_mem>>) {add = true}
    }
    %scan3A_37 = arith.constant 80 : i32
    %scan3A_38 = arith.constant 0 : i32
    %scan3A_39 = arith.constant 80 : i32
    %scan3A_40 = arith.addi %scan3A_38, %scan3A_39 : i32
    %scan3A_41 = arith.constant 1 : i32
    scf.for %scan3A_44 = %scan3A_38 to %scan3A_40 step %scan3A_41  : i32 {
      %mul3A_45 = arith.constant 1 : i32
      %mul3A_46 = arith.muli %scan3A_44, %mul3A_45 : i32
      %add3A_47 = arith.constant 0 : i32
      %add3A_48 = arith.addi %add3A_47, %mul3A_46 : i32
      tpu.wait_dma2 semaphore(%arg10 : memref<!tpu.dma_semaphore, #tpu.memory_space<semaphore_mem>>) src(%arg4 : memref<128x16xf32, #tpu.memory_space<hbm>>) dst(%arg9 : memref<128x16xf32, #tpu.memory_space<vmem>>)
    }
    %scan3A_42 = arith.constant 80 : i32
    %barrier3A_43 = arith.constant 0 : index
    tpu.barrier barrier_id(%barrier3A_43)
    "tpu.region"() ({
      %run_scoped3A = tpu.sem_alloc : memref<!tpu.dma_semaphore, #tpu.memory_space<semaphore_mem>>
      %dma_start3A_44 = arith.constant 0 : i32
      %dma_start3A_45 = arith.constant 0 : i32
      %dma_start3A_46 = tpu.memref_slice %arg6[%arg0, %dma_start3A_44, %dma_start3A_45] : memref<2x10240x16xf32, #tpu.memory_space<hbm>> -> memref<1x10240x16xf32, #tpu.memory_space<hbm>>
      %dma_start3A_47 = tpu.memref_squeeze %dma_start3A_46 : memref<1x10240x16xf32, #tpu.memory_space<hbm>> -> memref<10240x16xf32, #tpu.memory_space<hbm>>
      %dma_start3A_48 = arith.constant 0 : i32
      %dma_start3A_49 = tpu.memref_slice %dma_start3A_47[%mul3A_0, %dma_start3A_48] : memref<10240x16xf32, #tpu.memory_space<hbm>> -> memref<640x16xf32, #tpu.memory_space<hbm>>
      %dma_start3A_50 = arith.constant 0 : i32
      %dma_start3A_51 = tpu.memref_slice %arg7[%mul3A_0, %dma_start3A_50] : memref<10240x16xf32, #tpu.memory_space<vmem_shared>> -> memref<640x16xf32, #tpu.memory_space<vmem_shared>>
      tpu.enqueue_dma source(%dma_start3A_51 : memref<640x16xf32, #tpu.memory_space<vmem_shared>>) target(%dma_start3A_49 : memref<640x16xf32, #tpu.memory_space<hbm>>) target_semaphore(%run_scoped3A : memref<!tpu.dma_semaphore, #tpu.memory_space<semaphore_mem>>)
      %dma_wait3A_52 = arith.constant 0 : i32
      %dma_wait3A_53 = arith.constant 0 : i32
      %dma_wait3A_54 = tpu.memref_slice %arg6[%arg0, %dma_wait3A_52, %dma_wait3A_53] : memref<2x10240x16xf32, #tpu.memory_space<hbm>> -> memref<1x10240x16xf32, #tpu.memory_space<hbm>>
      %dma_wait3A_55 = tpu.memref_squeeze %dma_wait3A_54 : memref<1x10240x16xf32, #tpu.memory_space<hbm>> -> memref<10240x16xf32, #tpu.memory_space<hbm>>
      %dma_wait3A_56 = arith.constant 0 : i32
      %dma_wait3A_57 = tpu.memref_slice %dma_wait3A_55[%mul3A_0, %dma_wait3A_56] : memref<10240x16xf32, #tpu.memory_space<hbm>> -> memref<640x16xf32, #tpu.memory_space<hbm>>
      %dma_wait3A_58 = arith.constant 0 : i32
      %dma_wait3A_59 = tpu.memref_slice %arg7[%mul3A_0, %dma_wait3A_58] : memref<10240x16xf32, #tpu.memory_space<vmem_shared>> -> memref<640x16xf32, #tpu.memory_space<vmem_shared>>
      tpu.wait_dma2 semaphore(%run_scoped3A : memref<!tpu.dma_semaphore, #tpu.memory_space<semaphore_mem>>) src(%dma_wait3A_59 : memref<640x16xf32, #tpu.memory_space<vmem_shared>>) dst(%dma_wait3A_57 : memref<640x16xf32, #tpu.memory_space<hbm>>)
      tpu.yield
    }) : () -> ()
    return
  }
}

module attributes {stable_mosaic.version = 14 : i64} {
  func.func @_matmul_body(%arg0: memref<10240x128xf32, #tpu.memory_space<vmem>>, %arg1: memref<128x16xf32, #tpu.memory_space<vmem>>, %arg2: memref<10240x16xf32, #tpu.memory_space<vmem>>) attributes {dimension_semantics = [], scalar_prefetch = 0 : i64, scratch_operands = 0 : i64, tpu.core_type = #tpu.core_type<tc>} {
    %get3A = arith.constant 0 : index
    %get3A_0 = arith.constant 0 : index
    %get3A_1 = vector.load %arg0[%get3A, %get3A_0] : memref<10240x128xf32, #tpu.memory_space<vmem>>, vector<10240x128xf32>
    %get3A_2 = arith.constant 0 : index
    %get3A_3 = arith.constant 0 : index
    %get3A_4 = vector.load %arg1[%get3A_2, %get3A_3] : memref<128x16xf32, #tpu.memory_space<vmem>>, vector<128x16xf32>
    %dot_general3A = arith.constant dense<0.000000e+00> : vector<10240x16xf32>
    %dot_general3A_5 = tpu.matmul %get3A_1, %get3A_4, %dot_general3A {dimension_numbers = #tpu.dot_dimension_numbers<[1], [0], [0], [1], [0, 0, 1, 1], [], []>, transpose_lhs_hint = false} : vector<10240x128xf32>, vector<128x16xf32>, vector<10240x16xf32> -> vector<10240x16xf32>
    %swap3A = arith.constant 0 : index
    %swap3A_6 = arith.constant 0 : index
    %swap3A_7 = vector.load %arg2[%swap3A, %swap3A_6] : memref<10240x16xf32, #tpu.memory_space<vmem>>, vector<10240x16xf32>
    tpu.vector_store %arg2[%swap3A, %swap3A_6], %dot_general3A_5 {strides = array<i32>} : memref<10240x16xf32, #tpu.memory_space<vmem>>, vector<10240x16xf32>,
    return
  }
}

module attributes {stable_mosaic.version = 14 : i64} {
  func.func @_combine1_body(%arg0: memref<2x10240x16xf32, #tpu.memory_space<vmem>>, %arg1: memref<10240x16xf32, #tpu.memory_space<vmem>>, %arg2: memref<10240x16xf32, #tpu.memory_space<vmem>>, %arg3: memref<10240x16xf32, #tpu.memory_space<vmem>>) attributes {dimension_semantics = [], scalar_prefetch = 0 : i64, scratch_operands = 0 : i64, tpu.core_type = #tpu.core_type<tc>} {
    %get3A = arith.constant 0 : index
    %get3A_0 = arith.constant 0 : index
    %get3A_1 = arith.constant 0 : index
    %get3A_2 = vector.load %arg0[%get3A, %get3A_0, %get3A_1] : memref<2x10240x16xf32, #tpu.memory_space<vmem>>, vector<1x10240x16xf32>
    %get3A_3 = vector.shape_cast %get3A_2 : vector<1x10240x16xf32> to vector<10240x16xf32>
    %get3A_4 = arith.constant 1 : index
    %get3A_5 = arith.constant 0 : index
    %get3A_6 = arith.constant 0 : index
    %get3A_7 = vector.load %arg0[%get3A_4, %get3A_5, %get3A_6] : memref<2x10240x16xf32, #tpu.memory_space<vmem>>, vector<1x10240x16xf32>
    %get3A_8 = vector.shape_cast %get3A_7 : vector<1x10240x16xf32> to vector<10240x16xf32>
    %add3A = arith.addf %get3A_3, %get3A_8 : vector<10240x16xf32>
    %add3A_9 = arith.constant 1.000000e+00 : f32
    %add3A_10 = vector.broadcast %add3A_9 : f32 to vector<10240x16xf32>
    %add3A_11 = arith.addf %add3A, %add3A_10 : vector<10240x16xf32>
    %max3A = arith.constant 9.99999996E-13 : f32
    %max3A_12 = vector.broadcast %max3A : f32 to vector<10240x16xf32>
    %max3A_13 = arith.maximumf %add3A_11, %max3A_12 : vector<10240x16xf32>
    %rsqrt3A = math.rsqrt %max3A_13 : vector<10240x16xf32>
    %swap3A = arith.constant 0 : index
    %swap3A_14 = arith.constant 0 : index
    %swap3A_15 = vector.load %arg2[%swap3A, %swap3A_14] : memref<10240x16xf32, #tpu.memory_space<vmem>>, vector<10240x16xf32>
    tpu.vector_store %arg2[%swap3A, %swap3A_14], %rsqrt3A {strides = array<i32>} : memref<10240x16xf32, #tpu.memory_space<vmem>>, vector<10240x16xf32>,
    %get3A_16 = arith.constant 0 : index
    %get3A_17 = arith.constant 0 : index
    %get3A_18 = vector.load %arg1[%get3A_16, %get3A_17] : memref<10240x16xf32, #tpu.memory_space<vmem>>, vector<10240x16xf32>
    %mul3A = arith.mulf %rsqrt3A, %get3A_18 : vector<10240x16xf32>
    %swap3A_19 = arith.constant 0 : index
    %swap3A_20 = arith.constant 0 : index
    %swap3A_21 = vector.load %arg3[%swap3A_19, %swap3A_20] : memref<10240x16xf32, #tpu.memory_space<vmem>>, vector<10240x16xf32>
    tpu.vector_store %arg3[%swap3A_19, %swap3A_20], %mul3A {strides = array<i32>} : memref<10240x16xf32, #tpu.memory_space<vmem>>, vector<10240x16xf32>,
    return
  }
}

module attributes {stable_mosaic.version = 14 : i64} {
  func.func @_layer2_body(%arg0: memref<2x10240x16xf32, #tpu.memory_space<vmem>>, %arg1: memref<10240x16xf32, #tpu.memory_space<vmem>>, %arg2: memref<10240x16xf32, #tpu.memory_space<vmem>>, %arg3: memref<16x16xf32, #tpu.memory_space<vmem>>, %arg4: memref<1x16xf32, #tpu.memory_space<vmem>>, %arg5: memref<10240x16xf32, #tpu.memory_space<vmem>>) attributes {dimension_semantics = [], scalar_prefetch = 0 : i64, scratch_operands = 0 : i64, tpu.core_type = #tpu.core_type<tc>} {
    %get3A = arith.constant 0 : index
    %get3A_0 = arith.constant 0 : index
    %get3A_1 = vector.load %arg2[%get3A, %get3A_0] : memref<10240x16xf32, #tpu.memory_space<vmem>>, vector<10240x16xf32>
    %get3A_2 = arith.constant 0 : index
    %get3A_3 = arith.constant 0 : index
    %get3A_4 = arith.constant 0 : index
    %get3A_5 = vector.load %arg0[%get3A_2, %get3A_3, %get3A_4] : memref<2x10240x16xf32, #tpu.memory_space<vmem>>, vector<1x10240x16xf32>
    %get3A_6 = vector.shape_cast %get3A_5 : vector<1x10240x16xf32> to vector<10240x16xf32>
    %get3A_7 = arith.constant 1 : index
    %get3A_8 = arith.constant 0 : index
    %get3A_9 = arith.constant 0 : index
    %get3A_10 = vector.load %arg0[%get3A_7, %get3A_8, %get3A_9] : memref<2x10240x16xf32, #tpu.memory_space<vmem>>, vector<1x10240x16xf32>
    %get3A_11 = vector.shape_cast %get3A_10 : vector<1x10240x16xf32> to vector<10240x16xf32>
    %add3A = arith.addf %get3A_6, %get3A_11 : vector<10240x16xf32>
    %get3A_12 = arith.constant 0 : index
    %get3A_13 = arith.constant 0 : index
    %get3A_14 = vector.load %arg1[%get3A_12, %get3A_13] : memref<10240x16xf32, #tpu.memory_space<vmem>>, vector<10240x16xf32>
    %add3A_15 = arith.addf %add3A, %get3A_14 : vector<10240x16xf32>
    %mul3A = arith.mulf %get3A_1, %add3A_15 : vector<10240x16xf32>
    %get3A_16 = arith.constant 0 : index
    %get3A_17 = arith.constant 0 : index
    %get3A_18 = vector.load %arg4[%get3A_16, %get3A_17] : memref<1x16xf32, #tpu.memory_space<vmem>>, vector<1x16xf32>
    %add3A_19 = vector.broadcast %get3A_18 : vector<1x16xf32> to vector<10240x16xf32>
    %add3A_20 = arith.addf %mul3A, %add3A_19 : vector<10240x16xf32>
    %max3A = arith.constant 0.000000e+00 : f32
    %max3A_21 = vector.broadcast %max3A : f32 to vector<10240x16xf32>
    %max3A_22 = arith.maximumf %add3A_20, %max3A_21 : vector<10240x16xf32>
    %get3A_23 = arith.constant 0 : index
    %get3A_24 = arith.constant 0 : index
    %get3A_25 = vector.load %arg3[%get3A_23, %get3A_24] : memref<16x16xf32, #tpu.memory_space<vmem>>, vector<16x16xf32>
    %dot_general3A = arith.constant dense<0.000000e+00> : vector<10240x16xf32>
    %dot_general3A_26 = tpu.matmul %max3A_22, %get3A_25, %dot_general3A {dimension_numbers = #tpu.dot_dimension_numbers<[1], [0], [0], [1], [0, 0, 1, 1], [], []>, transpose_lhs_hint = false} : vector<10240x16xf32>, vector<16x16xf32>, vector<10240x16xf32> -> vector<10240x16xf32>
    %mul3A_27 = arith.mulf %get3A_1, %dot_general3A_26 : vector<10240x16xf32>
    %swap3A = arith.constant 0 : index
    %swap3A_28 = arith.constant 0 : index
    %swap3A_29 = vector.load %arg5[%swap3A, %swap3A_28] : memref<10240x16xf32, #tpu.memory_space<vmem>>, vector<10240x16xf32>
    tpu.vector_store %arg5[%swap3A, %swap3A_28], %mul3A_27 {strides = array<i32>} : memref<10240x16xf32, #tpu.memory_space<vmem>>, vector<10240x16xf32>,
    return
  }
}

module attributes {stable_mosaic.version = 14 : i64} {
  func.func @_final_body(%arg0: memref<2x10240x16xf32, #tpu.memory_space<vmem>>, %arg1: memref<10240x16xf32, #tpu.memory_space<vmem>>, %arg2: memref<10240x16xf32, #tpu.memory_space<vmem>>, %arg3: memref<1x16xf32, #tpu.memory_space<vmem>>, %arg4: memref<10000x16xf32, #tpu.memory_space<vmem>>) attributes {dimension_semantics = [], scalar_prefetch = 0 : i64, scratch_operands = 0 : i64, tpu.core_type = #tpu.core_type<tc>} {
    %get3A = arith.constant 0 : index
    %get3A_0 = arith.constant 0 : index
    %get3A_1 = vector.load %arg2[%get3A, %get3A_0] : memref<10240x16xf32, #tpu.memory_space<vmem>>, vector<10240x16xf32>
    %get3A_2 = arith.constant 0 : index
    %get3A_3 = arith.constant 0 : index
    %get3A_4 = arith.constant 0 : index
    %get3A_5 = vector.load %arg0[%get3A_2, %get3A_3, %get3A_4] : memref<2x10240x16xf32, #tpu.memory_space<vmem>>, vector<1x10240x16xf32>
    %get3A_6 = vector.shape_cast %get3A_5 : vector<1x10240x16xf32> to vector<10240x16xf32>
    %get3A_7 = arith.constant 1 : index
    %get3A_8 = arith.constant 0 : index
    %get3A_9 = arith.constant 0 : index
    %get3A_10 = vector.load %arg0[%get3A_7, %get3A_8, %get3A_9] : memref<2x10240x16xf32, #tpu.memory_space<vmem>>, vector<1x10240x16xf32>
    %get3A_11 = vector.shape_cast %get3A_10 : vector<1x10240x16xf32> to vector<10240x16xf32>
    %add3A = arith.addf %get3A_6, %get3A_11 : vector<10240x16xf32>
    %get3A_12 = arith.constant 0 : index
    %get3A_13 = arith.constant 0 : index
    %get3A_14 = vector.load %arg1[%get3A_12, %get3A_13] : memref<10240x16xf32, #tpu.memory_space<vmem>>, vector<10240x16xf32>
    %add3A_15 = arith.addf %add3A, %get3A_14 : vector<10240x16xf32>
    %mul3A = arith.mulf %get3A_1, %add3A_15 : vector<10240x16xf32>
    %get3A_16 = arith.constant 0 : index
    %get3A_17 = arith.constant 0 : index
    %get3A_18 = vector.load %arg3[%get3A_16, %get3A_17] : memref<1x16xf32, #tpu.memory_space<vmem>>, vector<1x16xf32>
    %add3A_19 = vector.broadcast %get3A_18 : vector<1x16xf32> to vector<10240x16xf32>
    %add3A_20 = arith.addf %mul3A, %add3A_19 : vector<10240x16xf32>
    %max3A = arith.constant 0.000000e+00 : f32
    %max3A_21 = vector.broadcast %max3A : f32 to vector<10240x16xf32>
    %max3A_22 = arith.maximumf %add3A_20, %max3A_21 : vector<10240x16xf32>
    %slice3A = vector.extract_strided_slice %max3A_22 {offsets = [0, 0], sizes = [10000, 16], strides = [1, 1]} : vector<10240x16xf32> to vector<10000x16xf32>
    %swap3A = arith.constant 0 : index
    %swap3A_23 = arith.constant 0 : index
    %swap3A_24 = vector.load %arg4[%swap3A, %swap3A_23] : memref<10000x16xf32, #tpu.memory_space<vmem>>, vector<10000x16xf32>
    tpu.vector_store %arg4[%swap3A, %swap3A_23], %slice3A {strides = array<i32>} : memref<10000x16xf32, #tpu.memory_space<vmem>>, vector<10000x16xf32>,
    return
  }
}

</mosaic_0001>

<sc_bundles>
// kernel: kernel.12.cloned.1.call-start
scs
__scs_entry_jumppad:
0x0: {  	(pc) =	sbr.rel $0x88, $3  }
0x1: {  	(tag) =	ssettag $0x0;
	lr =	simm.s32 $0x1  }
0x2: {  	[smem:$0x3F9B] =	sst lr;
	_ =	strace $0xD0000000  }
0x3: {  	_ = 	snop  }
0x4: {  	_ = 	snop  }
0x5: {  	_ = 	snop  }
0x6: {  	_ = 	snop  }
0x7: {  	_ = 	snop  }
__scs_overlays_trampoline_lowered:
0x8: {  	[smem:$0x3FAA] =	sst s0  }
0x9: {  	[smem:$0x3FAB] =	sst s1  }
0xa: {  	[smem:$0x3FAC] =	sst s2  }
0xb: {  	[smem:$0x3FAD] =	sst s3  }
0xc: {  	[smem:$0x3FAE] =	sst s4  }
0xd: {  	[smem:$0x3FAF] =	sst s5  }
0xe: {  	[smem:$0x3FB0] =	sst s6  }
0xf: {  	[smem:$0x3FB1] =	sst s7  }
0x10: {  	[smem:$0x3FB2] =	sst s8  }
0x11: {  	[smem:$0x3FB3] =	sst s9;
	s0 =	simm.s32 @!p0 $0x0  }
0x12: {  	s1 =	sld [smem:$0x3F99];
	s0 =	simm.s32 @p0 $0x1  }
0x13: {  	[smem:$0x3FB4] =	sst s0;
	s0 =	simm.s32 @!p1 $0x0  }
0x14: {  	s2 =	sld [smem:$0x3F98];
	s0 =	simm.s32 @p1 $0x1  }
0x15: {  	[smem:$0x3FB5] =	sst s0;
	s0 =	simm.s32 @!p2 $0x0  }
0x16: {  	s3 =	sld [smem:$0x3FDB];
	s0 =	simm.s32 @p2 $0x1  }
0x17: {  	s4 =	simm.s32 $0x1BF5;
	[smem:$0x3FB7] =	sst s0  }
0x18: {  	s0 =	sld [smem:$0x3F9A];
	_ =	swait.ge [sflag:s4], $0x0  }
0x19: {  	s7 =	sld [smem:$0x3F9B]  }
0x1a: {  	s8 =	sadd.s32 $0xFFFFE003, lr  }
0x1b: {  	s9 =	sadd.s32 $0xFFFFFEF7, lr;
	s5 =	simm.s32 $0xFFFFFFFF;
	p2 =	slt.u32 s8, $0xFFFFF086  }
0x1c: {  	p1 =	slt.u32 s9, $0xF7A;
	s5 =	simm.s32 @!p2 $0x0  }
0x1d: {  	s5 =	simm.s32 @p1 $0x1;
	p0 =	seq.s32 s7, s2  }
0x1e: {  	s7 =	smul.u32 @!p0 $0xF7A, s2;
	p2 =	seq.s32 @!p0 s5, $0x0  }
0x1f: {  	s9 =	smul.u32 $0xF7A, s1;
	s8 =	simm.s32 @!p0 $0x1BF5;
	p2 =	por !p2, p0  }
0x20: {  	[sflag:s8] =	ssyncset.s32 @!p0 $0xFFFFF086;
	s6 =	sadd.s32 @!p0 s3, s7;
	s7 =	simm.s32 @!p0 $0x108  }
0x21: {  	s3 =	sadd.s32 s3, s9;
	s6 =	sadd.s32 @!p0 $0x88, s6;
	s7 =	simm.s32 @p2 $0x1082  }
0x22: {  	[simem:s7], [sflag:s8] =	dma.local @!p0 [hbm:s6], $0xF7A  }
0x23: {  	s9 =	sor.u32 $0xD0000000, s2;
	s6 =	simm.s32 $0x108;
	_ =	swait.ge @!p0 [sflag:s8], $0x0  }
0x24: {  	s3 =	sadd.s32 $0x88, s3;
	s6 =	simm.s32 @!p1 $0x1082;
	[sflag:s4] =	ssyncset.s32 $0xFFFFF086  }
0x25: {  	[simem:s6], [sflag:s4] =	dma.local [hbm:s3], $0xF7A  }
0x26: {  	[smem:$0x3F9B] =	sst s1;
	(tag) =	ssettag s2;
	_ =	strace s9  }
0x27: {  	s1 =	sld [smem:$0x3FAB]  }
0x28: {  	s2 =	sld [smem:$0x3FAC]  }
0x29: {  	s4 =	sld [smem:$0x3FAE]  }
0x2a: {  	p0 =	seq.s32 s5, $0x0;
	s5 =	sld [smem:$0x3FAF]  }
0x2b: {  	s6 =	sld [smem:$0x3FB0]  }
0x2c: {  	s7 =	sld [smem:$0x3FB1]  }
0x2d: {  	s3 =	simm.s32 $0x108;
	s8 =	sld [smem:$0x3FB2]  }
0x2e: {  	s3 =	simm.s32 @!p0 $0x1082;
	s9 =	sld [smem:$0x3FB3]  }
0x2f: {  	lr =	sadd.s32 s0, s3;
	s0 =	sld [smem:$0x3FAA]  }
0x30: {  	s3 =	sld [smem:$0x3FAD]  }
0x31: {  	[smem:$0x3FB6] =	sst s10  }
0x32: {  	s10 =	sld [smem:$0x3FB4];
	_ =	sdelay $0x3  }
0x33: {  	p0 =	seq.s32 s10, $0x1;
	s10 =	sld [smem:$0x3FB6];
	_ =	sdelay $0x3  }
0x34: {  	[smem:$0x3FB6] =	sst s10  }
0x35: {  	s10 =	sld [smem:$0x3FB5];
	_ =	sdelay $0x3  }
0x36: {  	p1 =	seq.s32 s10, $0x1;
	s10 =	sld [smem:$0x3FB6];
	_ =	sdelay $0x3  }
0x37: {  	[smem:$0x3FB6] =	sst s10  }
0x38: {  	s10 =	sld [smem:$0x3FB7]  }
0x39: {  	_ = 	snop;
	(pc) =	sbr.ind lr, $3  }
0x3a: {  	_ = 	snop  }
0x3b: {  	_ = 	snop  }
0x3c: {  	p2 =	seq.s32 s10, $0x1;
	s10 =	sld [smem:$0x3FB6]  }
0x3d: {  	_ =	shalt  }
0x3e: {  	_ =	shalt  }
0x3f: {  	_ =	shalt  }
0x40: {  	_ =	shalt  }
0x41: {  	_ =	shalt  }
0x42: {  	_ =	shalt  }
0x43: {  	_ =	shalt  }
0x44: {  	_ =	shalt  }
0x45: {  	_ =	shalt  }
0x46: {  	_ =	shalt  }
0x47: {  	_ =	shalt  }
0x48: {  	_ =	shalt  }
0x49: {  	_ =	shalt  }
0x4a: {  	_ =	shalt  }
0x4b: {  	_ =	shalt  }
0x4c: {  	_ =	shalt  }
0x4d: {  	_ =	shalt  }
0x4e: {  	_ =	shalt  }
0x4f: {  	_ =	shalt  }
0x50: {  	_ =	shalt  }
0x51: {  	_ =	shalt  }
0x52: {  	_ =	shalt  }
0x53: {  	_ =	shalt  }
0x54: {  	_ =	shalt  }
0x55: {  	_ =	shalt  }
0x56: {  	_ =	shalt  }
0x57: {  	_ =	shalt  }
0x58: {  	_ =	shalt  }
0x59: {  	_ =	shalt  }
0x5a: {  	_ =	shalt  }
0x5b: {  	_ =	shalt  }
0x5c: {  	_ =	shalt  }
0x5d: {  	_ =	shalt  }
0x5e: {  	_ =	shalt  }
0x5f: {  	_ =	shalt  }
0x60: {  	_ =	shalt  }
0x61: {  	_ =	shalt  }
0x62: {  	_ =	shalt  }
0x63: {  	_ =	shalt  }
0x64: {  	_ =	shalt  }
0x65: {  	_ =	shalt  }
0x66: {  	_ =	shalt  }
0x67: {  	_ =	shalt  }
0x68: {  	_ =	shalt  }
0x69: {  	_ =	shalt  }
0x6a: {  	_ =	shalt  }
0x6b: {  	_ =	shalt  }
0x6c: {  	_ =	shalt  }
0x6d: {  	_ =	shalt  }
0x6e: {  	_ =	shalt  }
0x6f: {  	_ =	shalt  }
0x70: {  	_ =	shalt  }
0x71: {  	_ =	shalt  }
0x72: {  	_ =	shalt  }
0x73: {  	_ =	shalt  }
0x74: {  	_ =	shalt  }
0x75: {  	_ =	shalt  }
0x76: {  	_ =	shalt  }
0x77: {  	_ =	shalt  }
0x78: {  	_ =	shalt  }
0x79: {  	_ =	shalt  }
0x7a: {  	_ =	shalt  }
0x7b: {  	_ =	shalt  }
0x7c: {  	_ =	shalt  }
0x7d: {  	_ =	shalt  }
0x7e: {  	_ =	shalt  }
0x7f: {  	_ =	shalt  }
0x80: {  	_ =	shalt  }
0x81: {  	_ =	shalt  }
0x82: {  	_ =	shalt  }
0x83: {  	_ =	shalt  }
0x84: {  	_ =	shalt  }
0x85: {  	_ =	shalt  }
0x86: {  	_ =	shalt  }
0x87: {  	_ =	shalt  }
.Lfunc_end0:
.L_simem_size_0:
called_computation.1_lowered:
.L_overlay_start_0:
0x88: {  	s2 =	sld [smem:$0x3FD9]  }
0x89: {  	s3 =	sld [smem:$0x3FFE];
	_ =	sdelay $0x1  }
0x8a: {  	s1 =	srdreg.scid  }
0x8b: {  	s0 =	sand.u32 $0x1, s1  }
0x8c: {  	s17 =	sshll.u32 s0, $0xA;
	s2 =	sadd.s32 s3, s2  }
0x8d: {  	s2 =	sadd.s32 s2, s17  }
0x8e: {  	[smem:$0x3FC2] =	sst s2  }
0x8f: {  	_ = 	snop  }
0x90: {  	s2 =	sld [smem:$0x3FD0];
	(tm) =	ssettm $0x1  }
0x91: {  	s18 =	sld [smem:$0x3FFB];
	_ =	sdelay $0x3  }
0x92: {  	_ =	strace s18  }
0x93: {  	s3 =	sld [smem:$0x3FFC];
	_ =	sdelay $0x3  }
0x94: {  	_ =	strace s3  }
0x95: {  	s3 =	sld [smem:$0x3FFD];
	_ =	sdelay $0x3  }
0x96: {  	_ =	strace s3  }
0x97: {  	_ =	strace $0x8FFFFFFF  }
0x98: {  	s19 =	sld [smem:$0x3FDB];
	_ =	sdelay $0x1  }
0x99: {  	s4 =	simm.s32 $_scs_section_size  }
0x9a: {  	s5 =	simm.s32 $_size__tile_overlayer_lowered;
	s6 =	simm.s32 $_tile_overlayer_lowered  }
0x9b: {  	s22 =	simm.s32 $0x1BFF;
	s21 =	sshll.u32 s6, $0x1;
	s3 =	sadd.s32 s4, s19  }
0x9c: {  	s7 =	simm.s32 $0x0;
	s20 =	sshll.u32 s5, $0x1;
	s5 =	sadd.s32 s21, s3  }
0x9d: {  	[timem:s7], [sflag:s22] =	dma.local [hbm:s5], s20  }
0x9e: {  	_ =	swait.ge [sflag:s22], s20  }
0x9f: {  	s4 =	ssub.s32 $0x0, s20;
	[sflag:s22] =	ssyncset.done $0x0  }
0xa0: {  	[sflag:s22] =	ssyncadd.s32 s4;
	_ =	sdelay $0x1  }
0xa1: {  	s23 =	simm.s32 $0x1B8B  }
0xa2: {  	_ =	swait.ge [sflag:s23], $0x1  }
0xa3: {  	[sflag:s23] =	ssyncset.done $0x0  }
0xa4: {  	s25 =	simm.s32 $0x1B8E;
	s24 =	sld [smem:$0x3FFE];
	[sflag:s23] =	ssyncadd.s32 $0xFFFFFFFF  }
0xa5: {  	s26 =	simm.s32 $execute0_lowered;
	[smem:$0x3FD2] =	sst s25  }
0xa6: {  	s5 =	sshll.u32 s26, $0x1;
	_ =	strace $0x80000049;
	[dreg:$0x1] =	wrdreg $0xFFFFFFFF  }
0xa7: {  	s28 =	simm.s32 $_size_execute0_lowered;
	s3 =	sadd.s32 s3, s5;
	[dreg:$0x0] =	wrdreg $0x0  }
0xa8: {  	s5 =	sshll.u32 s28, $0x1;
	[dreg:$0x2] =	wrdreg s3  }
0xa9: {  	[dreg:$0x3] =	wrdreg s5  }
0xaa: {  	[dreg:$0x4] =	wrdreg $0xC0  }
0xab: {  	_ =	task [dreg:s7], $0x5FFFF  }
0xac: {  	[dreg:$0x1] =	wrdreg $0xFFFFFFFF  }
0xad: {  	[dreg:$0x0] =	wrdreg $0x60  }
0xae: {  	[dreg:$0x2] =	wrdreg s24  }
0xaf: {  	[dreg:$0x3] =	wrdreg s2  }
0xb0: {  	[dreg:$0x4] =	wrdreg $0x0  }
0xb1: {  	[dreg:$0x5] =	wrdreg $0x28000  }
0xb2: {  	[dreg:$0x6] =	wrdreg $0x9  }
0xb3: {  	_ =	task.clear_ibuf [dreg:s7], $0x7FFFF;
	_ =	strace $0x90000049  }
0xb4: {  	s29 =	simm.s32 $0x9;
	_ =	strace $0x8000004B  }
0xb5: {  	_ =	swait.ge [sflag:s29], $0x1  }
0xb6: {  	[sflag:s29] =	ssyncadd.s32 $0xFFFFFFFF  }
0xb7: {  	_ =	strace $0x9000004B  }
0xb8: {  	_ =	sfence  }
0xb9: {  	s30 =	sld [smem:$0x0];
	_ =	sdelay $0x2  }
0xba: {  	s31 =	sshll.u32 s1, $0xD;
	s1 =	sshrl.u32 s1, $0x2  }
0xbb: {  	s3 =	sand.u32 $0x4000, s31;
	s1 =	sadd.s32 s1, s30  }
0xbc: {  	s0 =	sor.u32 s3, s0;
	s1 =	sshll.u32 s1, $0x11  }
0xbd: {  	s0 =	sor.u32 s1, s0  }
0xbe: {  	s0 =	sadd.s32 $0x8F2B, s0  }
0xbf: {  	[sflag:s0] =	ssyncadd.remote.s32 $0x1  }
0xc0: {  	_ =	sfence.sel $0xFFFF  }
0xc1: {  	[dreg:$0x0] =	wrdreg $0xFFFFFFFF;
	(pc) =	sbr.abs _section_cstart, $3  }
0xc2: {  	[dreg:$0x1] =	wrdreg $0xFFFFFFFF  }
0xc3: {  	_ =	task.clear_ibuf [dreg:s7], $0x2FFFF;
	_ =	strace $0x9FFFFFFF  }
0xc4: {  	(tm) =	ssettm $0x7FFFFFFF  }
0xc5: {  	_ =	shalt  }
tec
execute0_lowered:
.L_overlay_start_1:
0x0: {  	(tag) =	ssettag $0x1  }
0x1: {  	s0 =	rddreg [dreg:$0x0]  }
0x2: {  	s1 =	rddreg [dreg:$0x1]  }
0x3: {  	s2 =	srdreg.scid;
	s3 =	rddreg [dreg:$0x2]  }
0x4: {  	s7 =	stileid.u32;
	s4 =	rddreg [dreg:$0x3]  }
0x5: {  	s18 =	simm.s32 $0x80;
	s20 =	simm.s32 $0xA200;
	s22 =	simm.s32 $0xAA00  }
0x6: {  	s28 =	simm.s32 $0xBA00;
	s29 =	simm.s32 $0x1;
	s30 =	simm.s32 $0x6  }
0x7: {  	s31 =	simm.s32 $0x2;
	s2 =	sand.u32 $0x1, s2;
	s9 =	smul.u32 $0x2800, s7  }
0x8: {  	s17 =	sadd.s32 $0xBA40, s0;
	s5 =	sshll.u32 s2, $0x4;
	s6 =	smul.u32 $0x5000, s2  }
0x9: {  	s2 =	ssub.s32 $0x2, s2;
	s13 =	sor.u32 s7, s5;
	s5 =	simm.s32 $0x0  }
0xa: {  	s19 =	sshrl.u32 s9, $0x3;
	s25 =	sshrl.u32 s2, $0x1;
	s14 =	sadd.s32 s9, s3  }
0xb: {  	s15 =	sadd.s32 s9, s4;
	s16 =	smul.u32 $0x500, s13;
	[smem:$0x7FF] =	sst s5  }
0xc: {  	s10 =	sadd.s32 s19, s0;
	s12 =	sadd.s32 s6, s0;
	s2 =	ssub.s32 s2, s25  }
0xd: {  	s6 =	sshll.u32 s7, $0x6;
	p0 =	seq.s32 s13, $0x1F;
	s13 =	sshrl.u32 s14, $0x3  }
0xe: {  	s14 =	sshrl.u32 s15, $0x3;
	s25 =	simm.s32 $0xB200;
	_ =	strace $0x8000004A  }
0xf: {  	s7 =	sadd.s32 $0x15A00, s10;
	s8 =	sor.u32 $0x1C05, s6;
	s9 =	sadd.s32 $0x1AA00, s10  }
0x10: {  	s26 =	sadd.s32 $0x1FA00, s12;
	s12 =	smax.u32 s2, $0x1;
	s15 =	sadd.s32 @p0 $0x9B00, s17  }
0x11: {  	s2 =	simm.s32 $0x3;
	s11 =	sadd.s32 s16, s0;
	s16 =	sadd.s32 @!p0 s16, s17  }
0x12: {  	s17 =	simm.s32 $0x5;
	s24 =	sadd.s32 s19, s26;
	s26 =	simm.s32 $0x5180  }
0x13: {  	s10 =	sadd.s32 $0x1E00, s11;
	s11 =	sadd.s32 $0xB900, s0;
	s0 =	simm.s32 $0x4  }
.LBB2_1:
0x14: {  	[spmem:s13], [sflag:s8] =	dma.local [hbm:s7], $0x500  }
0x15: {  	s19 =	simm.s32 @p0 $0x0;
	s21 =	simm.s32 @p0 $0x5000  }
0x16: {  	[spmem:s14], [sflag:s8] =	dma.local [hbm:s9], $0x500  }
0x17: {  	[tilespmem:s21], [sflag:$0x5] =	stream.linear.gather @p0 [hbm4b:s11+s19], $0xA00, $0x38;
	[tilespmem:$0xC200] =	vst v63  }
0x18: {  	s21 =	simm.s32 @p0 $0x5A00  }
0x19: {  	[tilespmem:s21], [sflag:$0x5] =	stream.linear.gather @p0 [hbm4b:s1+s19], $0x1E00, $0x38;
	[tilespmem:$0xC200] =	vst v63  }
0x1a: {  	s21 =	simm.s32 @p0 $0x7800  }
0x1b: {  	[tilespmem:s21], [sflag:$0x5] =	stream.linear.gather @p0 [hbm4b:s1+s19], $0x200, $0x38;
	[tilespmem:$0xC200] =	vst v63  }
0x1c: {  	s21 =	simm.s32 @p0 $0x7A00  }
0x1d: {  	[tilespmem:s21], [sflag:$0x5] =	stream.linear.gather @p0 [hbm4b:s15+s19], $0xA00, $0x38;
	[tilespmem:$0xC200] =	vst v63  }
0x1e: {  	s21 =	simm.s32 @p0 $0x8400  }
0x1f: {  	[tilespmem:s21], [sflag:$0x5] =	stream.linear.gather @p0 [hbm4b:s1+s19], $0x1E00, $0x38;
	[tilespmem:$0xC200] =	vst v63  }
0x20: {  	s19 =	simm.s32 @!p0 $0x0;
	s21 =	simm.s32 @!p0 $0x5000  }
0x21: {  	[tilespmem:s21], [sflag:$0x5] =	stream.linear.gather @!p0 [hbm4b:s10+s19], $0x2800, $0x38;
	[tilespmem:$0xC200] =	vst v63  }
0x22: {  	s21 =	simm.s32 @!p0 $0x7800  }
0x23: {  	[tilespmem:s21], [sflag:$0x5] =	stream.linear.gather @!p0 [hbm4b:s1+s19], $0x200, $0x38;
	[tilespmem:$0xC200] =	vst v63  }
0x24: {  	s21 =	simm.s32 @!p0 $0x7A00  }
0x25: {  	[tilespmem:s21], [sflag:$0x5] =	stream.linear.gather @!p0 [hbm4b:s16+s19], $0x2800, $0x38;
	[tilespmem:$0xC200] =	vst v63  }
0x26: {  	_ =	swait.ge [sflag:s17], $0x500  }
0x27: {  	[sflag:s17] =	ssyncset.done $0x0  }
0x28: {  	[sflag:s17] =	ssyncadd.s32 $0xFFFFFB00  }
0x29: {  	_ =	swait.ge [sflag:s17], $0x500  }
0x2a: {  	[sflag:s17] =	ssyncset.done $0x0  }
0x2b: {  	[sflag:s17] =	ssyncadd.s32 $0xFFFFFB00  }
0x2c: {  	_ =	swait.ge [sflag:s17], $0x2800  }
0x2d: {  	[sflag:s17] =	ssyncset.done $0x0  }
0x2e: {  	[sflag:s17] =	ssyncadd.s32 $0xFFFFD800  }
0x2f: {  	_ =	swait.ge [sflag:s17], $0x200  }
0x30: {  	[sflag:s17] =	ssyncset.done $0x0  }
0x31: {  	[sflag:s17] =	ssyncadd.s32 $0xFFFFFE00  }
0x32: {  	_ =	swait.ge [sflag:s17], $0x2800  }
0x33: {  	[sflag:s17] =	ssyncset.done $0x0  }
0x34: {  	[sflag:s17] =	ssyncadd.s32 $0xFFFFD800  }
0x35: {  	s21 =	simm.s32 $0x5000;
	[bflag:$0x0] =	sbarrier.arrive $0xFFFF  }
0x36: {  	[tilespmem:s20], [sflag:$0x1] =	stream.indirect.gather [spmem:s4], $0x10, s21, s18, $0xb8;
	[tilespmem:$0xC200] =	vst v63  }
0x37: {  	s23 =	simm.s32 $0x5080  }
0x38: {  	[tilespmem:s22], [sflag:$0x2] =	stream.indirect.gather [spmem:s4], $0x10, s23, s18, $0xb8;
	[tilespmem:$0xC200] =	vst v63  }
0x39: {  	s21 =	simm.s32 $0x5100  }
0x3a: {  	[tilespmem:s25], [sflag:$0x3] =	stream.indirect.gather [spmem:s4], $0x10, s21, s18, $0xb8;
	[tilespmem:$0xC200] =	vst v63  }
0x3b: {  	_ = 	snop  }
0x3c: {  	[tilespmem:s28], [sflag:$0x4] =	stream.indirect.gather [spmem:s4], $0x10, s26, s18, $0xb8;
	[tilespmem:$0xC200] =	vst v63  }
0x3d: {  	_ =	swait.ge [sflag:s29], $0x800  }
0x3e: {  	[sflag:s29] =	ssyncset.done $0x0  }
0x3f: {  	s23 =	simm.s32 $0x7A00;
	[sflag:s29] =	ssyncadd.s32 $0xFFFFF800  }
0x40: {  	[spmem:s3] =	stream.indirect.scatter.add.f32 [tilespmem:s20], [sflag:$0x6], $0x10, s23, s18, $0xb8;
	[tilespmem:$0xC200] =	vst v63  }
0x41: {  	_ =	swait.ge [sflag:s30], $0x800  }
0x42: {  	[sflag:s30] =	ssyncset.done $0x0  }
0x43: {  	s21 =	simm.s32 $0x5200;
	[sflag:s30] =	ssyncadd.s32 $0xFFFFF800  }
0x44: {  	[tilespmem:s20], [sflag:$0x1] =	stream.indirect.gather [spmem:s4], $0x10, s21, s18, $0xb8;
	[tilespmem:$0xC200] =	vst v63  }
0x45: {  	_ =	swait.ge [sflag:s31], $0x800  }
0x46: {  	[sflag:s31] =	ssyncset.done $0x0  }
0x47: {  	s23 =	simm.s32 $0x7A80;
	[sflag:s31] =	ssyncadd.s32 $0xFFFFF800  }
0x48: {  	[spmem:s3] =	stream.indirect.scatter.add.f32 [tilespmem:s22], [sflag:$0x6], $0x10, s23, s18, $0xb8;
	[tilespmem:$0xC200] =	vst v63  }
0x49: {  	_ =	swait.ge [sflag:s30], $0x800  }
0x4a: {  	[sflag:s30] =	ssyncset.done $0x0  }
0x4b: {  	s21 =	simm.s32 $0x5280;
	[sflag:s30] =	ssyncadd.s32 $0xFFFFF800  }
0x4c: {  	[tilespmem:s22], [sflag:$0x2] =	stream.indirect.gather [spmem:s4], $0x10, s21, s18, $0xb8;
	[tilespmem:$0xC200] =	vst v63  }
0x4d: {  	_ =	swait.ge [sflag:s2], $0x800  }
0x4e: {  	[sflag:s2] =	ssyncset.done $0x0  }
0x4f: {  	s23 =	simm.s32 $0x7B00;
	[sflag:s2] =	ssyncadd.s32 $0xFFFFF800  }
0x50: {  	[spmem:s3] =	stream.indirect.scatter.add.f32 [tilespmem:s25], [sflag:$0x6], $0x10, s23, s18, $0xb8;
	[tilespmem:$0xC200] =	vst v63  }
0x51: {  	_ =	swait.ge [sflag:s30], $0x800  }
0x52: {  	[sflag:s30] =	ssyncset.done $0x0  }
0x53: {  	s21 =	simm.s32 $0x5300;
	[sflag:s30] =	ssyncadd.s32 $0xFFFFF800  }
0x54: {  	[tilespmem:s25], [sflag:$0x3] =	stream.indirect.gather [spmem:s4], $0x10, s21, s18, $0xb8;
	[tilespmem:$0xC200] =	vst v63  }
0x55: {  	_ =	swait.ge [sflag:s0], $0x800  }
0x56: {  	[sflag:s0] =	ssyncset.done $0x0  }
0x57: {  	s23 =	simm.s32 $0x7B80;
	[sflag:s0] =	ssyncadd.s32 $0xFFFFF800  }
0x58: {  	[spmem:s3] =	stream.indirect.scatter.add.f32 [tilespmem:s28], [sflag:$0x6], $0x10, s23, s18, $0xb8;
	[tilespmem:$0xC200] =	vst v63  }
0x59: {  	_ =	swait.ge [sflag:s30], $0x800  }
0x5a: {  	[sflag:s30] =	ssyncset.done $0x0  }
0x5b: {  	s19 =	simm.s32 $0x800;
	s21 =	simm.s32 $0x5380;
	[sflag:s30] =	ssyncadd.s32 $0xFFFFF800  }
.LBB2_2:
0x5c: {  	[tilespmem:s28], [sflag:$0x4] =	stream.indirect.gather [spmem:s4], $0x10, s21, s18, $0xb8;
	[tilespmem:$0xC200] =	vst v63  }
0x5d: {  	s21 =	smov.u32 s19  }
0x5e: {  	p1 =	sne.s32 s19, $0x9800;
	s19 =	sadd.s32 $0x800, s19;
	_ =	swait.ge [sflag:s29], $0x800  }
0x5f: {  	s21 =	sshra.s32 s21, $0x2;
	[sflag:s29] =	ssyncset.done $0x0  }
0x60: {  	s23 =	sadd.s32 $0x7A00, s21;
	[sflag:s29] =	ssyncadd.s32 $0xFFFFF800  }
0x61: {  	[spmem:s3] =	stream.indirect.scatter.add.f32 [tilespmem:s20], [sflag:$0x6], $0x10, s23, s18, $0xb8;
	[tilespmem:$0xC200] =	vst v63  }
0x62: {  	_ =	swait.ge [sflag:s30], $0x800  }
0x63: {  	[sflag:s30] =	ssyncset.done $0x0  }
0x64: {  	s23 =	sadd.s32 $0x5200, s21;
	[sflag:s30] =	ssyncadd.s32 $0xFFFFF800  }
0x65: {  	[tilespmem:s20], [sflag:$0x1] =	stream.indirect.gather [spmem:s4], $0x10, s23, s18, $0xb8;
	[tilespmem:$0xC200] =	vst v63  }
0x66: {  	_ =	swait.ge [sflag:s31], $0x800  }
0x67: {  	[sflag:s31] =	ssyncset.done $0x0  }
0x68: {  	s23 =	sadd.s32 $0x7A80, s21;
	[sflag:s31] =	ssyncadd.s32 $0xFFFFF800  }
0x69: {  	[spmem:s3] =	stream.indirect.scatter.add.f32 [tilespmem:s22], [sflag:$0x6], $0x10, s23, s18, $0xb8;
	[tilespmem:$0xC200] =	vst v63  }
0x6a: {  	_ =	swait.ge [sflag:s30], $0x800  }
0x6b: {  	[sflag:s30] =	ssyncset.done $0x0  }
0x6c: {  	s23 =	sadd.s32 $0x5280, s21;
	[sflag:s30] =	ssyncadd.s32 $0xFFFFF800  }
0x6d: {  	[tilespmem:s22], [sflag:$0x2] =	stream.indirect.gather [spmem:s4], $0x10, s23, s18, $0xb8;
	[tilespmem:$0xC200] =	vst v63  }
0x6e: {  	_ =	swait.ge [sflag:s2], $0x800  }
0x6f: {  	[sflag:s2] =	ssyncset.done $0x0  }
0x70: {  	s23 =	sadd.s32 $0x7B00, s21;
	[sflag:s2] =	ssyncadd.s32 $0xFFFFF800  }
0x71: {  	[spmem:s3] =	stream.indirect.scatter.add.f32 [tilespmem:s25], [sflag:$0x6], $0x10, s23, s18, $0xb8;
	[tilespmem:$0xC200] =	vst v63  }
0x72: {  	_ =	swait.ge [sflag:s30], $0x800  }
0x73: {  	[sflag:s30] =	ssyncset.done $0x0  }
0x74: {  	s23 =	sadd.s32 $0x5300, s21;
	[sflag:s30] =	ssyncadd.s32 $0xFFFFF800  }
0x75: {  	[tilespmem:s25], [sflag:$0x3] =	stream.indirect.gather [spmem:s4], $0x10, s23, s18, $0xb8;
	[tilespmem:$0xC200] =	vst v63  }
0x76: {  	_ =	swait.ge [sflag:s0], $0x800  }
0x77: {  	[sflag:s0] =	ssyncset.done $0x0  }
.Ltmp0:
0x78: {  	s23 =	sadd.s32 $0x7B80, s21;
	[sflag:s0] =	ssyncadd.s32 $0xFFFFF800;
	(pc) =	sbr.rel @p1 .LBB2_2-.Ltmp0, $4  }
0x79: {  	[spmem:s3] =	stream.indirect.scatter.add.f32 [tilespmem:s28], [sflag:$0x6], $0x10, s23, s18, $0xb8;
	[tilespmem:$0xC200] =	vst v63  }
0x7a: {  	_ =	swait.ge [sflag:s30], $0x800  }
0x7b: {  	[sflag:s30] =	ssyncset.done $0x0  }
0x7c: {  	s21 =	sadd.s32 $0x5380, s21;
	[sflag:s30] =	ssyncadd.s32 $0xFFFFF800  }
0x7d: {  	[tilespmem:s28], [sflag:$0x4] =	stream.indirect.gather [spmem:s4], $0x10, s21, s18, $0xb8;
	[tilespmem:$0xC200] =	vst v63  }
0x7e: {  	_ =	swait.ge [sflag:s29], $0x800  }
0x7f: {  	[sflag:s29] =	ssyncset.done $0x0  }
0x80: {  	[sflag:s29] =	ssyncadd.s32 $0xFFFFF800  }
0x81: {  	_ =	swait.ge [sflag:s31], $0x800  }
0x82: {  	[sflag:s31] =	ssyncset.done $0x0  }
0x83: {  	[sflag:s31] =	ssyncadd.s32 $0xFFFFF800  }
0x84: {  	_ =	swait.ge [sflag:s2], $0x800  }
0x85: {  	[sflag:s2] =	ssyncset.done $0x0  }
0x86: {  	[sflag:s2] =	ssyncadd.s32 $0xFFFFF800  }
0x87: {  	_ =	swait.ge [sflag:s0], $0x800  }
0x88: {  	s5 =	sadd.s32 $0x1, s5;
	[sflag:s0] =	ssyncset.done $0x0  }
0x89: {  	p1 =	sne.s32 s5, s12;
	[sflag:s0] =	ssyncadd.s32 $0xFFFFF800  }
.Ltmp1:
0x8a: {  	s19 =	sor.u32 $0x1C06, s6;
	[bflag:$0x0] =	sbarrier.arrive $0xFFFF;
	(pc) =	sbr.rel @p1 .LBB2_1-.Ltmp1, $4  }
0x8b: {  	[hbm:s24], [sflag:s19] =	dma.local [spmem:s13], $0x500  }
0x8c: {  	_ =	swait.ge [sflag:s30], $0x500  }
0x8d: {  	[sflag:s30] =	ssyncset.done $0x0  }
0x8e: {  	[sflag:s30] =	ssyncadd.s32 $0xFFFFFB00  }
0x8f: {  	_ =	sfence.sel $0x180000  }
0x90: {  	[bflag:$0x0] =	sbarrier.arrive $0xFFFF  }
0x91: {  	_ =	strace $0x9000004A  }
0x92: {  	s0 =	stileid.u32;
	[bflag:$0x2] =	sbarrier.arrive $0xFFFF  }
0x93: {  	p0 =	sne.s32 s0, $0x0;
	s0 =	rddreg [dreg:$0x4]  }
0x94: {  	s0 =	sadd.s32 @!p0 $0x100000, s0  }
0x95: {  	[sflag:s0] =	ssyncadd.tile.s32 @!p0 $0x1;
	_ =	shalt  }
.Lfunc_end2:
_tile_overlayer_lowered:
.L_overlay_start_2:
0x96: {  	(tag) =	ssettag $0x2  }
0x97: {  	s0 =	rddreg [dreg:$0x0];
	s2 =	stileid.u32  }
0x98: {  	s1 =	rddreg [dreg:$0x1];
	p0 =	sne.s32 s2, $0x0  }
0x99: {  	s3 =	rddreg [dreg:$0x2];
	[bflag:$0x3] =	sbarrier.arrive $0xFFFF;
	s2 =	simm.s32 @!p0 $0x1C06  }
0x9a: {  	[timem:s3], [sflag:s2] =	dma.local @!p0 [hbm:s0], s1  }
0x9b: {  	s0 =	simm.s32 @!p0 $0x6  }
0x9c: {  	_ =	swait.ge @!p0 [sflag:s0], s1  }
0x9d: {  	s1 =	ssub.s32 @!p0 $0x0, s1;
	[sflag:s0] =	ssyncset.done @!p0 $0x0  }
0x9e: {  	[sflag:s0] =	ssyncadd.s32 @!p0 s1  }
0x9f: {  	[bflag:$0x3] =	sbarrier.arrive $0xFFFF  }
0xa0: {  	_ =	shalt  }

// kernel: kernel.15.cloned.1.call-start
scs
__scs_entry_jumppad:
0x0: {  	(pc) =	sbr.rel $0x88, $3  }
0x1: {  	(tag) =	ssettag $0x0;
	lr =	simm.s32 $0x1  }
0x2: {  	[smem:$0x3F9B] =	sst lr;
	_ =	strace $0xD0000000  }
0x3: {  	_ = 	snop  }
0x4: {  	_ = 	snop  }
0x5: {  	_ = 	snop  }
0x6: {  	_ = 	snop  }
0x7: {  	_ = 	snop  }
__scs_overlays_trampoline_lowered:
0x8: {  	[smem:$0x3FAA] =	sst s0  }
0x9: {  	[smem:$0x3FAB] =	sst s1  }
0xa: {  	[smem:$0x3FAC] =	sst s2  }
0xb: {  	[smem:$0x3FAD] =	sst s3  }
0xc: {  	[smem:$0x3FAE] =	sst s4  }
0xd: {  	[smem:$0x3FAF] =	sst s5  }
0xe: {  	[smem:$0x3FB0] =	sst s6  }
0xf: {  	[smem:$0x3FB1] =	sst s7  }
0x10: {  	[smem:$0x3FB2] =	sst s8  }
0x11: {  	[smem:$0x3FB3] =	sst s9;
	s0 =	simm.s32 @!p0 $0x0  }
0x12: {  	s1 =	sld [smem:$0x3F99];
	s0 =	simm.s32 @p0 $0x1  }
0x13: {  	[smem:$0x3FB4] =	sst s0;
	s0 =	simm.s32 @!p1 $0x0  }
0x14: {  	s2 =	sld [smem:$0x3F98];
	s0 =	simm.s32 @p1 $0x1  }
0x15: {  	[smem:$0x3FB5] =	sst s0;
	s0 =	simm.s32 @!p2 $0x0  }
0x16: {  	s3 =	sld [smem:$0x3FDB];
	s0 =	simm.s32 @p2 $0x1  }
0x17: {  	s4 =	simm.s32 $0x1BF5;
	[smem:$0x3FB7] =	sst s0  }
0x18: {  	s0 =	sld [smem:$0x3F9A];
	_ =	swait.ge [sflag:s4], $0x0  }
0x19: {  	s7 =	sld [smem:$0x3F9B]  }
0x1a: {  	s8 =	sadd.s32 $0xFFFFE003, lr  }
0x1b: {  	s9 =	sadd.s32 $0xFFFFFEF7, lr;
	s5 =	simm.s32 $0xFFFFFFFF;
	p2 =	slt.u32 s8, $0xFFFFF086  }
0x1c: {  	p1 =	slt.u32 s9, $0xF7A;
	s5 =	simm.s32 @!p2 $0x0  }
0x1d: {  	s5 =	simm.s32 @p1 $0x1;
	p0 =	seq.s32 s7, s2  }
0x1e: {  	s7 =	smul.u32 @!p0 $0xF7A, s2;
	p2 =	seq.s32 @!p0 s5, $0x0  }
0x1f: {  	s9 =	smul.u32 $0xF7A, s1;
	s8 =	simm.s32 @!p0 $0x1BF5;
	p2 =	por !p2, p0  }
0x20: {  	[sflag:s8] =	ssyncset.s32 @!p0 $0xFFFFF086;
	s6 =	sadd.s32 @!p0 s3, s7;
	s7 =	simm.s32 @!p0 $0x108  }
0x21: {  	s3 =	sadd.s32 s3, s9;
	s6 =	sadd.s32 @!p0 $0x88, s6;
	s7 =	simm.s32 @p2 $0x1082  }
0x22: {  	[simem:s7], [sflag:s8] =	dma.local @!p0 [hbm:s6], $0xF7A  }
0x23: {  	s9 =	sor.u32 $0xD0000000, s2;
	s6 =	simm.s32 $0x108;
	_ =	swait.ge @!p0 [sflag:s8], $0x0  }
0x24: {  	s3 =	sadd.s32 $0x88, s3;
	s6 =	simm.s32 @!p1 $0x1082;
	[sflag:s4] =	ssyncset.s32 $0xFFFFF086  }
0x25: {  	[simem:s6], [sflag:s4] =	dma.local [hbm:s3], $0xF7A  }
0x26: {  	[smem:$0x3F9B] =	sst s1;
	(tag) =	ssettag s2;
	_ =	strace s9  }
0x27: {  	s1 =	sld [smem:$0x3FAB]  }
0x28: {  	s2 =	sld [smem:$0x3FAC]  }
0x29: {  	s4 =	sld [smem:$0x3FAE]  }
0x2a: {  	p0 =	seq.s32 s5, $0x0;
	s5 =	sld [smem:$0x3FAF]  }
0x2b: {  	s6 =	sld [smem:$0x3FB0]  }
0x2c: {  	s7 =	sld [smem:$0x3FB1]  }
0x2d: {  	s3 =	simm.s32 $0x108;
	s8 =	sld [smem:$0x3FB2]  }
0x2e: {  	s3 =	simm.s32 @!p0 $0x1082;
	s9 =	sld [smem:$0x3FB3]  }
0x2f: {  	lr =	sadd.s32 s0, s3;
	s0 =	sld [smem:$0x3FAA]  }
0x30: {  	s3 =	sld [smem:$0x3FAD]  }
0x31: {  	[smem:$0x3FB6] =	sst s10  }
0x32: {  	s10 =	sld [smem:$0x3FB4];
	_ =	sdelay $0x3  }
0x33: {  	p0 =	seq.s32 s10, $0x1;
	s10 =	sld [smem:$0x3FB6];
	_ =	sdelay $0x3  }
0x34: {  	[smem:$0x3FB6] =	sst s10  }
0x35: {  	s10 =	sld [smem:$0x3FB5];
	_ =	sdelay $0x3  }
0x36: {  	p1 =	seq.s32 s10, $0x1;
	s10 =	sld [smem:$0x3FB6];
	_ =	sdelay $0x3  }
0x37: {  	[smem:$0x3FB6] =	sst s10  }
0x38: {  	s10 =	sld [smem:$0x3FB7]  }
0x39: {  	_ = 	snop;
	(pc) =	sbr.ind lr, $3  }
0x3a: {  	_ = 	snop  }
0x3b: {  	_ = 	snop  }
0x3c: {  	p2 =	seq.s32 s10, $0x1;
	s10 =	sld [smem:$0x3FB6]  }
0x3d: {  	_ =	shalt  }
0x3e: {  	_ =	shalt  }
0x3f: {  	_ =	shalt  }
0x40: {  	_ =	shalt  }
0x41: {  	_ =	shalt  }
0x42: {  	_ =	shalt  }
0x43: {  	_ =	shalt  }
0x44: {  	_ =	shalt  }
0x45: {  	_ =	shalt  }
0x46: {  	_ =	shalt  }
0x47: {  	_ =	shalt  }
0x48: {  	_ =	shalt  }
0x49: {  	_ =	shalt  }
0x4a: {  	_ =	shalt  }
0x4b: {  	_ =	shalt  }
0x4c: {  	_ =	shalt  }
0x4d: {  	_ =	shalt  }
0x4e: {  	_ =	shalt  }
0x4f: {  	_ =	shalt  }
0x50: {  	_ =	shalt  }
0x51: {  	_ =	shalt  }
0x52: {  	_ =	shalt  }
0x53: {  	_ =	shalt  }
0x54: {  	_ =	shalt  }
0x55: {  	_ =	shalt  }
0x56: {  	_ =	shalt  }
0x57: {  	_ =	shalt  }
0x58: {  	_ =	shalt  }
0x59: {  	_ =	shalt  }
0x5a: {  	_ =	shalt  }
0x5b: {  	_ =	shalt  }
0x5c: {  	_ =	shalt  }
0x5d: {  	_ =	shalt  }
0x5e: {  	_ =	shalt  }
0x5f: {  	_ =	shalt  }
0x60: {  	_ =	shalt  }
0x61: {  	_ =	shalt  }
0x62: {  	_ =	shalt  }
0x63: {  	_ =	shalt  }
0x64: {  	_ =	shalt  }
0x65: {  	_ =	shalt  }
0x66: {  	_ =	shalt  }
0x67: {  	_ =	shalt  }
0x68: {  	_ =	shalt  }
0x69: {  	_ =	shalt  }
0x6a: {  	_ =	shalt  }
0x6b: {  	_ =	shalt  }
0x6c: {  	_ =	shalt  }
0x6d: {  	_ =	shalt  }
0x6e: {  	_ =	shalt  }
0x6f: {  	_ =	shalt  }
0x70: {  	_ =	shalt  }
0x71: {  	_ =	shalt  }
0x72: {  	_ =	shalt  }
0x73: {  	_ =	shalt  }
0x74: {  	_ =	shalt  }
0x75: {  	_ =	shalt  }
0x76: {  	_ =	shalt  }
0x77: {  	_ =	shalt  }
0x78: {  	_ =	shalt  }
0x79: {  	_ =	shalt  }
0x7a: {  	_ =	shalt  }
0x7b: {  	_ =	shalt  }
0x7c: {  	_ =	shalt  }
0x7d: {  	_ =	shalt  }
0x7e: {  	_ =	shalt  }
0x7f: {  	_ =	shalt  }
0x80: {  	_ =	shalt  }
0x81: {  	_ =	shalt  }
0x82: {  	_ =	shalt  }
0x83: {  	_ =	shalt  }
0x84: {  	_ =	shalt  }
0x85: {  	_ =	shalt  }
0x86: {  	_ =	shalt  }
0x87: {  	_ =	shalt  }
.Lfunc_end0:
.L_simem_size_0:
called_computation.2_lowered:
.L_overlay_start_0:
0x88: {  	s2 =	sld [smem:$0x3FD9]  }
0x89: {  	s3 =	sld [smem:$0x3FFE];
	_ =	sdelay $0x1  }
0x8a: {  	s1 =	srdreg.scid  }
0x8b: {  	s0 =	sand.u32 $0x1, s1  }
0x8c: {  	s17 =	sshll.u32 s0, $0xA;
	s2 =	sadd.s32 s3, s2  }
0x8d: {  	s2 =	sadd.s32 s2, s17  }
0x8e: {  	[smem:$0x3FC2] =	sst s2  }
0x8f: {  	_ = 	snop  }
0x90: {  	s2 =	sld [smem:$0x3FD0];
	(tm) =	ssettm $0x1  }
0x91: {  	s18 =	sld [smem:$0x3FFB];
	_ =	sdelay $0x3  }
0x92: {  	_ =	strace s18  }
0x93: {  	s3 =	sld [smem:$0x3FFC];
	_ =	sdelay $0x3  }
0x94: {  	_ =	strace s3  }
0x95: {  	s3 =	sld [smem:$0x3FFD];
	_ =	sdelay $0x3  }
0x96: {  	_ =	strace s3  }
0x97: {  	_ =	strace $0x8FFFFFFF  }
0x98: {  	s19 =	sld [smem:$0x3FDB];
	_ =	sdelay $0x1  }
0x99: {  	s4 =	simm.s32 $_scs_section_size  }
0x9a: {  	s5 =	simm.s32 $_size__tile_overlayer_lowered;
	s6 =	simm.s32 $_tile_overlayer_lowered  }
0x9b: {  	s22 =	simm.s32 $0x1BFF;
	s21 =	sshll.u32 s6, $0x1;
	s3 =	sadd.s32 s4, s19  }
0x9c: {  	s7 =	simm.s32 $0x0;
	s20 =	sshll.u32 s5, $0x1;
	s5 =	sadd.s32 s21, s3  }
0x9d: {  	[timem:s7], [sflag:s22] =	dma.local [hbm:s5], s20  }
0x9e: {  	_ =	swait.ge [sflag:s22], s20  }
0x9f: {  	s4 =	ssub.s32 $0x0, s20;
	[sflag:s22] =	ssyncset.done $0x0  }
0xa0: {  	[sflag:s22] =	ssyncadd.s32 s4;
	_ =	sdelay $0x1  }
0xa1: {  	s23 =	simm.s32 $0x1B8B  }
0xa2: {  	_ =	swait.ge [sflag:s23], $0x1  }
0xa3: {  	[sflag:s23] =	ssyncset.done $0x0  }
0xa4: {  	s25 =	simm.s32 $0x1B8E;
	s24 =	sld [smem:$0x3FFE];
	[sflag:s23] =	ssyncadd.s32 $0xFFFFFFFF  }
0xa5: {  	s26 =	simm.s32 $execute0_lowered;
	[smem:$0x3FD2] =	sst s25  }
0xa6: {  	s5 =	sshll.u32 s26, $0x1;
	_ =	strace $0x8000004C;
	[dreg:$0x1] =	wrdreg $0xFFFFFFFF  }
0xa7: {  	s28 =	simm.s32 $_size_execute0_lowered;
	s3 =	sadd.s32 s3, s5;
	[dreg:$0x0] =	wrdreg $0x0  }
0xa8: {  	s5 =	sshll.u32 s28, $0x1;
	[dreg:$0x2] =	wrdreg s3  }
0xa9: {  	[dreg:$0x3] =	wrdreg s5  }
0xaa: {  	[dreg:$0x4] =	wrdreg $0xC0  }
0xab: {  	_ =	task [dreg:s7], $0x5FFFF  }
0xac: {  	[dreg:$0x1] =	wrdreg $0xFFFFFFFF  }
0xad: {  	[dreg:$0x0] =	wrdreg $0x60  }
0xae: {  	[dreg:$0x2] =	wrdreg s24  }
0xaf: {  	[dreg:$0x3] =	wrdreg s2  }
0xb0: {  	[dreg:$0x4] =	wrdreg $0x0  }
0xb1: {  	[dreg:$0x5] =	wrdreg $0x28000  }
0xb2: {  	[dreg:$0x6] =	wrdreg $0x9  }
0xb3: {  	_ =	task.clear_ibuf [dreg:s7], $0x7FFFF;
	_ =	strace $0x9000004C  }
0xb4: {  	s29 =	simm.s32 $0x9;
	_ =	strace $0x8000004E  }
0xb5: {  	_ =	swait.ge [sflag:s29], $0x1  }
0xb6: {  	[sflag:s29] =	ssyncadd.s32 $0xFFFFFFFF  }
0xb7: {  	_ =	strace $0x9000004E  }
0xb8: {  	_ =	sfence  }
0xb9: {  	s30 =	sld [smem:$0x0];
	_ =	sdelay $0x2  }
0xba: {  	s31 =	sshll.u32 s1, $0xD;
	s1 =	sshrl.u32 s1, $0x2  }
0xbb: {  	s3 =	sand.u32 $0x4000, s31;
	s1 =	sadd.s32 s1, s30  }
0xbc: {  	s0 =	sor.u32 s3, s0;
	s1 =	sshll.u32 s1, $0x11  }
0xbd: {  	s0 =	sor.u32 s1, s0  }
0xbe: {  	s0 =	sadd.s32 $0x8F2B, s0  }
0xbf: {  	[sflag:s0] =	ssyncadd.remote.s32 $0x1  }
0xc0: {  	_ =	sfence.sel $0xFFFF  }
0xc1: {  	[dreg:$0x0] =	wrdreg $0xFFFFFFFF;
	(pc) =	sbr.abs _section_cstart, $3  }
0xc2: {  	[dreg:$0x1] =	wrdreg $0xFFFFFFFF  }
0xc3: {  	_ =	task.clear_ibuf [dreg:s7], $0x2FFFF;
	_ =	strace $0x9FFFFFFF  }
0xc4: {  	(tm) =	ssettm $0x7FFFFFFF  }
0xc5: {  	_ =	shalt  }
tec
execute0_lowered:
.L_overlay_start_1:
0x0: {  	(tag) =	ssettag $0x1  }
0x1: {  	s0 =	rddreg [dreg:$0x0]  }
0x2: {  	s1 =	rddreg [dreg:$0x1]  }
0x3: {  	s2 =	srdreg.scid;
	s3 =	rddreg [dreg:$0x2]  }
0x4: {  	s7 =	stileid.u32;
	s4 =	rddreg [dreg:$0x3]  }
0x5: {  	s18 =	simm.s32 $0x80;
	s20 =	simm.s32 $0xA200;
	s22 =	simm.s32 $0xAA00  }
0x6: {  	s28 =	simm.s32 $0xBA00;
	s29 =	simm.s32 $0x1;
	s30 =	simm.s32 $0x6  }
0x7: {  	s31 =	simm.s32 $0x2;
	s2 =	sand.u32 $0x1, s2;
	s9 =	smul.u32 $0x2800, s7  }
0x8: {  	s17 =	sadd.s32 $0xBA40, s0;
	s5 =	sshll.u32 s2, $0x4;
	s6 =	smul.u32 $0x5000, s2  }
0x9: {  	s2 =	ssub.s32 $0x2, s2;
	s13 =	sor.u32 s7, s5;
	s5 =	simm.s32 $0x0  }
0xa: {  	s19 =	sshrl.u32 s9, $0x3;
	s25 =	sshrl.u32 s2, $0x1;
	s14 =	sadd.s32 s9, s3  }
0xb: {  	s15 =	sadd.s32 s9, s4;
	s16 =	smul.u32 $0x500, s13;
	[smem:$0x7FF] =	sst s5  }
0xc: {  	s10 =	sadd.s32 s19, s0;
	s12 =	sadd.s32 s6, s0;
	s2 =	ssub.s32 s2, s25  }
0xd: {  	s6 =	sshll.u32 s7, $0x6;
	p0 =	seq.s32 s13, $0x1F;
	s13 =	sshrl.u32 s14, $0x3  }
0xe: {  	s14 =	sshrl.u32 s15, $0x3;
	s25 =	simm.s32 $0xB200;
	_ =	strace $0x8000004D  }
0xf: {  	s7 =	sadd.s32 $0x15A00, s10;
	s8 =	sor.u32 $0x1C05, s6;
	s9 =	sadd.s32 $0x1AA00, s10  }
0x10: {  	s26 =	sadd.s32 $0x1FA00, s12;
	s12 =	smax.u32 s2, $0x1;
	s15 =	sadd.s32 @p0 $0x9B00, s17  }
0x11: {  	s2 =	simm.s32 $0x3;
	s11 =	sadd.s32 s16, s0;
	s16 =	sadd.s32 @!p0 s16, s17  }
0x12: {  	s17 =	simm.s32 $0x5;
	s24 =	sadd.s32 s19, s26;
	s26 =	simm.s32 $0x5180  }
0x13: {  	s10 =	sadd.s32 $0x1E00, s11;
	s11 =	sadd.s32 $0xB900, s0;
	s0 =	simm.s32 $0x4  }
.LBB2_1:
0x14: {  	[spmem:s13], [sflag:s8] =	dma.local [hbm:s7], $0x500  }
0x15: {  	s19 =	simm.s32 @p0 $0x0;
	s21 =	simm.s32 @p0 $0x5000  }
0x16: {  	[spmem:s14], [sflag:s8] =	dma.local [hbm:s9], $0x500  }
0x17: {  	[tilespmem:s21], [sflag:$0x5] =	stream.linear.gather @p0 [hbm4b:s11+s19], $0xA00, $0x38;
	[tilespmem:$0xC200] =	vst v63  }
0x18: {  	s21 =	simm.s32 @p0 $0x5A00  }
0x19: {  	[tilespmem:s21], [sflag:$0x5] =	stream.linear.gather @p0 [hbm4b:s1+s19], $0x1E00, $0x38;
	[tilespmem:$0xC200] =	vst v63  }
0x1a: {  	s21 =	simm.s32 @p0 $0x7800  }
0x1b: {  	[tilespmem:s21], [sflag:$0x5] =	stream.linear.gather @p0 [hbm4b:s1+s19], $0x200, $0x38;
	[tilespmem:$0xC200] =	vst v63  }
0x1c: {  	s21 =	simm.s32 @p0 $0x7A00  }
0x1d: {  	[tilespmem:s21], [sflag:$0x5] =	stream.linear.gather @p0 [hbm4b:s15+s19], $0xA00, $0x38;
	[tilespmem:$0xC200] =	vst v63  }
0x1e: {  	s21 =	simm.s32 @p0 $0x8400  }
0x1f: {  	[tilespmem:s21], [sflag:$0x5] =	stream.linear.gather @p0 [hbm4b:s1+s19], $0x1E00, $0x38;
	[tilespmem:$0xC200] =	vst v63  }
0x20: {  	s19 =	simm.s32 @!p0 $0x0;
	s21 =	simm.s32 @!p0 $0x5000  }
0x21: {  	[tilespmem:s21], [sflag:$0x5] =	stream.linear.gather @!p0 [hbm4b:s10+s19], $0x2800, $0x38;
	[tilespmem:$0xC200] =	vst v63  }
0x22: {  	s21 =	simm.s32 @!p0 $0x7800  }
0x23: {  	[tilespmem:s21], [sflag:$0x5] =	stream.linear.gather @!p0 [hbm4b:s1+s19], $0x200, $0x38;
	[tilespmem:$0xC200] =	vst v63  }
0x24: {  	s21 =	simm.s32 @!p0 $0x7A00  }
0x25: {  	[tilespmem:s21], [sflag:$0x5] =	stream.linear.gather @!p0 [hbm4b:s16+s19], $0x2800, $0x38;
	[tilespmem:$0xC200] =	vst v63  }
0x26: {  	_ =	swait.ge [sflag:s17], $0x500  }
0x27: {  	[sflag:s17] =	ssyncset.done $0x0  }
0x28: {  	[sflag:s17] =	ssyncadd.s32 $0xFFFFFB00  }
0x29: {  	_ =	swait.ge [sflag:s17], $0x500  }
0x2a: {  	[sflag:s17] =	ssyncset.done $0x0  }
0x2b: {  	[sflag:s17] =	ssyncadd.s32 $0xFFFFFB00  }
0x2c: {  	_ =	swait.ge [sflag:s17], $0x2800  }
0x2d: {  	[sflag:s17] =	ssyncset.done $0x0  }
0x2e: {  	[sflag:s17] =	ssyncadd.s32 $0xFFFFD800  }
0x2f: {  	_ =	swait.ge [sflag:s17], $0x200  }
0x30: {  	[sflag:s17] =	ssyncset.done $0x0  }
0x31: {  	[sflag:s17] =	ssyncadd.s32 $0xFFFFFE00  }
0x32: {  	_ =	swait.ge [sflag:s17], $0x2800  }
0x33: {  	[sflag:s17] =	ssyncset.done $0x0  }
0x34: {  	[sflag:s17] =	ssyncadd.s32 $0xFFFFD800  }
0x35: {  	s21 =	simm.s32 $0x5000;
	[bflag:$0x0] =	sbarrier.arrive $0xFFFF  }
0x36: {  	[tilespmem:s20], [sflag:$0x1] =	stream.indirect.gather [spmem:s4], $0x10, s21, s18, $0xb8;
	[tilespmem:$0xC200] =	vst v63  }
0x37: {  	s23 =	simm.s32 $0x5080  }
0x38: {  	[tilespmem:s22], [sflag:$0x2] =	stream.indirect.gather [spmem:s4], $0x10, s23, s18, $0xb8;
	[tilespmem:$0xC200] =	vst v63  }
0x39: {  	s21 =	simm.s32 $0x5100  }
0x3a: {  	[tilespmem:s25], [sflag:$0x3] =	stream.indirect.gather [spmem:s4], $0x10, s21, s18, $0xb8;
	[tilespmem:$0xC200] =	vst v63  }
0x3b: {  	_ = 	snop  }
0x3c: {  	[tilespmem:s28], [sflag:$0x4] =	stream.indirect.gather [spmem:s4], $0x10, s26, s18, $0xb8;
	[tilespmem:$0xC200] =	vst v63  }
0x3d: {  	_ =	swait.ge [sflag:s29], $0x800  }
0x3e: {  	[sflag:s29] =	ssyncset.done $0x0  }
0x3f: {  	s23 =	simm.s32 $0x7A00;
	[sflag:s29] =	ssyncadd.s32 $0xFFFFF800  }
0x40: {  	[spmem:s3] =	stream.indirect.scatter.add.f32 [tilespmem:s20], [sflag:$0x6], $0x10, s23, s18, $0xb8;
	[tilespmem:$0xC200] =	vst v63  }
0x41: {  	_ =	swait.ge [sflag:s30], $0x800  }
0x42: {  	[sflag:s30] =	ssyncset.done $0x0  }
0x43: {  	s21 =	simm.s32 $0x5200;
	[sflag:s30] =	ssyncadd.s32 $0xFFFFF800  }
0x44: {  	[tilespmem:s20], [sflag:$0x1] =	stream.indirect.gather [spmem:s4], $0x10, s21, s18, $0xb8;
	[tilespmem:$0xC200] =	vst v63  }
0x45: {  	_ =	swait.ge [sflag:s31], $0x800  }
0x46: {  	[sflag:s31] =	ssyncset.done $0x0  }
0x47: {  	s23 =	simm.s32 $0x7A80;
	[sflag:s31] =	ssyncadd.s32 $0xFFFFF800  }
0x48: {  	[spmem:s3] =	stream.indirect.scatter.add.f32 [tilespmem:s22], [sflag:$0x6], $0x10, s23, s18, $0xb8;
	[tilespmem:$0xC200] =	vst v63  }
0x49: {  	_ =	swait.ge [sflag:s30], $0x800  }
0x4a: {  	[sflag:s30] =	ssyncset.done $0x0  }
0x4b: {  	s21 =	simm.s32 $0x5280;
	[sflag:s30] =	ssyncadd.s32 $0xFFFFF800  }
0x4c: {  	[tilespmem:s22], [sflag:$0x2] =	stream.indirect.gather [spmem:s4], $0x10, s21, s18, $0xb8;
	[tilespmem:$0xC200] =	vst v63  }
0x4d: {  	_ =	swait.ge [sflag:s2], $0x800  }
0x4e: {  	[sflag:s2] =	ssyncset.done $0x0  }
0x4f: {  	s23 =	simm.s32 $0x7B00;
	[sflag:s2] =	ssyncadd.s32 $0xFFFFF800  }
0x50: {  	[spmem:s3] =	stream.indirect.scatter.add.f32 [tilespmem:s25], [sflag:$0x6], $0x10, s23, s18, $0xb8;
	[tilespmem:$0xC200] =	vst v63  }
0x51: {  	_ =	swait.ge [sflag:s30], $0x800  }
0x52: {  	[sflag:s30] =	ssyncset.done $0x0  }
0x53: {  	s21 =	simm.s32 $0x5300;
	[sflag:s30] =	ssyncadd.s32 $0xFFFFF800  }
0x54: {  	[tilespmem:s25], [sflag:$0x3] =	stream.indirect.gather [spmem:s4], $0x10, s21, s18, $0xb8;
	[tilespmem:$0xC200] =	vst v63  }
0x55: {  	_ =	swait.ge [sflag:s0], $0x800  }
0x56: {  	[sflag:s0] =	ssyncset.done $0x0  }
0x57: {  	s23 =	simm.s32 $0x7B80;
	[sflag:s0] =	ssyncadd.s32 $0xFFFFF800  }
0x58: {  	[spmem:s3] =	stream.indirect.scatter.add.f32 [tilespmem:s28], [sflag:$0x6], $0x10, s23, s18, $0xb8;
	[tilespmem:$0xC200] =	vst v63  }
0x59: {  	_ =	swait.ge [sflag:s30], $0x800  }
0x5a: {  	[sflag:s30] =	ssyncset.done $0x0  }
0x5b: {  	s19 =	simm.s32 $0x800;
	s21 =	simm.s32 $0x5380;
	[sflag:s30] =	ssyncadd.s32 $0xFFFFF800  }
.LBB2_2:
0x5c: {  	[tilespmem:s28], [sflag:$0x4] =	stream.indirect.gather [spmem:s4], $0x10, s21, s18, $0xb8;
	[tilespmem:$0xC200] =	vst v63  }
0x5d: {  	s21 =	smov.u32 s19  }
0x5e: {  	p1 =	sne.s32 s19, $0x9800;
	s19 =	sadd.s32 $0x800, s19;
	_ =	swait.ge [sflag:s29], $0x800  }
0x5f: {  	s21 =	sshra.s32 s21, $0x2;
	[sflag:s29] =	ssyncset.done $0x0  }
0x60: {  	s23 =	sadd.s32 $0x7A00, s21;
	[sflag:s29] =	ssyncadd.s32 $0xFFFFF800  }
0x61: {  	[spmem:s3] =	stream.indirect.scatter.add.f32 [tilespmem:s20], [sflag:$0x6], $0x10, s23, s18, $0xb8;
	[tilespmem:$0xC200] =	vst v63  }
0x62: {  	_ =	swait.ge [sflag:s30], $0x800  }
0x63: {  	[sflag:s30] =	ssyncset.done $0x0  }
0x64: {  	s23 =	sadd.s32 $0x5200, s21;
	[sflag:s30] =	ssyncadd.s32 $0xFFFFF800  }
0x65: {  	[tilespmem:s20], [sflag:$0x1] =	stream.indirect.gather [spmem:s4], $0x10, s23, s18, $0xb8;
	[tilespmem:$0xC200] =	vst v63  }
0x66: {  	_ =	swait.ge [sflag:s31], $0x800  }
0x67: {  	[sflag:s31] =	ssyncset.done $0x0  }
0x68: {  	s23 =	sadd.s32 $0x7A80, s21;
	[sflag:s31] =	ssyncadd.s32 $0xFFFFF800  }
0x69: {  	[spmem:s3] =	stream.indirect.scatter.add.f32 [tilespmem:s22], [sflag:$0x6], $0x10, s23, s18, $0xb8;
	[tilespmem:$0xC200] =	vst v63  }
0x6a: {  	_ =	swait.ge [sflag:s30], $0x800  }
0x6b: {  	[sflag:s30] =	ssyncset.done $0x0  }
0x6c: {  	s23 =	sadd.s32 $0x5280, s21;
	[sflag:s30] =	ssyncadd.s32 $0xFFFFF800  }
0x6d: {  	[tilespmem:s22], [sflag:$0x2] =	stream.indirect.gather [spmem:s4], $0x10, s23, s18, $0xb8;
	[tilespmem:$0xC200] =	vst v63  }
0x6e: {  	_ =	swait.ge [sflag:s2], $0x800  }
0x6f: {  	[sflag:s2] =	ssyncset.done $0x0  }
0x70: {  	s23 =	sadd.s32 $0x7B00, s21;
	[sflag:s2] =	ssyncadd.s32 $0xFFFFF800  }
0x71: {  	[spmem:s3] =	stream.indirect.scatter.add.f32 [tilespmem:s25], [sflag:$0x6], $0x10, s23, s18, $0xb8;
	[tilespmem:$0xC200] =	vst v63  }
0x72: {  	_ =	swait.ge [sflag:s30], $0x800  }
0x73: {  	[sflag:s30] =	ssyncset.done $0x0  }
0x74: {  	s23 =	sadd.s32 $0x5300, s21;
	[sflag:s30] =	ssyncadd.s32 $0xFFFFF800  }
0x75: {  	[tilespmem:s25], [sflag:$0x3] =	stream.indirect.gather [spmem:s4], $0x10, s23, s18, $0xb8;
	[tilespmem:$0xC200] =	vst v63  }
0x76: {  	_ =	swait.ge [sflag:s0], $0x800  }
0x77: {  	[sflag:s0] =	ssyncset.done $0x0  }
.Ltmp0:
0x78: {  	s23 =	sadd.s32 $0x7B80, s21;
	[sflag:s0] =	ssyncadd.s32 $0xFFFFF800;
	(pc) =	sbr.rel @p1 .LBB2_2-.Ltmp0, $4  }
0x79: {  	[spmem:s3] =	stream.indirect.scatter.add.f32 [tilespmem:s28], [sflag:$0x6], $0x10, s23, s18, $0xb8;
	[tilespmem:$0xC200] =	vst v63  }
0x7a: {  	_ =	swait.ge [sflag:s30], $0x800  }
0x7b: {  	[sflag:s30] =	ssyncset.done $0x0  }
0x7c: {  	s21 =	sadd.s32 $0x5380, s21;
	[sflag:s30] =	ssyncadd.s32 $0xFFFFF800  }
0x7d: {  	[tilespmem:s28], [sflag:$0x4] =	stream.indirect.gather [spmem:s4], $0x10, s21, s18, $0xb8;
	[tilespmem:$0xC200] =	vst v63  }
0x7e: {  	_ =	swait.ge [sflag:s29], $0x800  }
0x7f: {  	[sflag:s29] =	ssyncset.done $0x0  }
0x80: {  	[sflag:s29] =	ssyncadd.s32 $0xFFFFF800  }
0x81: {  	_ =	swait.ge [sflag:s31], $0x800  }
0x82: {  	[sflag:s31] =	ssyncset.done $0x0  }
0x83: {  	[sflag:s31] =	ssyncadd.s32 $0xFFFFF800  }
0x84: {  	_ =	swait.ge [sflag:s2], $0x800  }
0x85: {  	[sflag:s2] =	ssyncset.done $0x0  }
0x86: {  	[sflag:s2] =	ssyncadd.s32 $0xFFFFF800  }
0x87: {  	_ =	swait.ge [sflag:s0], $0x800  }
0x88: {  	s5 =	sadd.s32 $0x1, s5;
	[sflag:s0] =	ssyncset.done $0x0  }
0x89: {  	p1 =	sne.s32 s5, s12;
	[sflag:s0] =	ssyncadd.s32 $0xFFFFF800  }
.Ltmp1:
0x8a: {  	s19 =	sor.u32 $0x1C06, s6;
	[bflag:$0x0] =	sbarrier.arrive $0xFFFF;
	(pc) =	sbr.rel @p1 .LBB2_1-.Ltmp1, $4  }
0x8b: {  	[hbm:s24], [sflag:s19] =	dma.local [spmem:s13], $0x500  }
0x8c: {  	_ =	swait.ge [sflag:s30], $0x500  }
0x8d: {  	[sflag:s30] =	ssyncset.done $0x0  }
0x8e: {  	[sflag:s30] =	ssyncadd.s32 $0xFFFFFB00  }
0x8f: {  	_ =	sfence.sel $0x180000  }
0x90: {  	[bflag:$0x0] =	sbarrier.arrive $0xFFFF  }
0x91: {  	_ =	strace $0x9000004D  }
0x92: {  	s0 =	stileid.u32;
	[bflag:$0x2] =	sbarrier.arrive $0xFFFF  }
0x93: {  	p0 =	sne.s32 s0, $0x0;
	s0 =	rddreg [dreg:$0x4]  }
0x94: {  	s0 =	sadd.s32 @!p0 $0x100000, s0  }
0x95: {  	[sflag:s0] =	ssyncadd.tile.s32 @!p0 $0x1;
	_ =	shalt  }
.Lfunc_end2:
_tile_overlayer_lowered:
.L_overlay_start_2:
0x96: {  	(tag) =	ssettag $0x2  }
0x97: {  	s0 =	rddreg [dreg:$0x0];
	s2 =	stileid.u32  }
0x98: {  	s1 =	rddreg [dreg:$0x1];
	p0 =	sne.s32 s2, $0x0  }
0x99: {  	s3 =	rddreg [dreg:$0x2];
	[bflag:$0x3] =	sbarrier.arrive $0xFFFF;
	s2 =	simm.s32 @!p0 $0x1C06  }
0x9a: {  	[timem:s3], [sflag:s2] =	dma.local @!p0 [hbm:s0], s1  }
0x9b: {  	s0 =	simm.s32 @!p0 $0x6  }
0x9c: {  	_ =	swait.ge @!p0 [sflag:s0], s1  }
0x9d: {  	s1 =	ssub.s32 @!p0 $0x0, s1;
	[sflag:s0] =	ssyncset.done @!p0 $0x0  }
0x9e: {  	[sflag:s0] =	ssyncadd.s32 @!p0 s1  }
0x9f: {  	[bflag:$0x3] =	sbarrier.arrive $0xFFFF  }
0xa0: {  	_ =	shalt  }

// kernel: kernel.9.cloned.1.call-start
scs
__scs_entry_jumppad:
0x0: {  	(pc) =	sbr.rel $0x88, $3  }
0x1: {  	(tag) =	ssettag $0x0;
	lr =	simm.s32 $0x1  }
0x2: {  	[smem:$0x3F9B] =	sst lr;
	_ =	strace $0xD0000000  }
0x3: {  	_ = 	snop  }
0x4: {  	_ = 	snop  }
0x5: {  	_ = 	snop  }
0x6: {  	_ = 	snop  }
0x7: {  	_ = 	snop  }
__scs_overlays_trampoline_lowered:
0x8: {  	[smem:$0x3FAA] =	sst s0  }
0x9: {  	[smem:$0x3FAB] =	sst s1  }
0xa: {  	[smem:$0x3FAC] =	sst s2  }
0xb: {  	[smem:$0x3FAD] =	sst s3  }
0xc: {  	[smem:$0x3FAE] =	sst s4  }
0xd: {  	[smem:$0x3FAF] =	sst s5  }
0xe: {  	[smem:$0x3FB0] =	sst s6  }
0xf: {  	[smem:$0x3FB1] =	sst s7  }
0x10: {  	[smem:$0x3FB2] =	sst s8  }
0x11: {  	[smem:$0x3FB3] =	sst s9;
	s0 =	simm.s32 @!p0 $0x0  }
0x12: {  	s1 =	sld [smem:$0x3F99];
	s0 =	simm.s32 @p0 $0x1  }
0x13: {  	[smem:$0x3FB4] =	sst s0;
	s0 =	simm.s32 @!p1 $0x0  }
0x14: {  	s2 =	sld [smem:$0x3F98];
	s0 =	simm.s32 @p1 $0x1  }
0x15: {  	[smem:$0x3FB5] =	sst s0;
	s0 =	simm.s32 @!p2 $0x0  }
0x16: {  	s3 =	sld [smem:$0x3FDB];
	s0 =	simm.s32 @p2 $0x1  }
0x17: {  	s4 =	simm.s32 $0x1BF5;
	[smem:$0x3FB7] =	sst s0  }
0x18: {  	s0 =	sld [smem:$0x3F9A];
	_ =	swait.ge [sflag:s4], $0x0  }
0x19: {  	s7 =	sld [smem:$0x3F9B]  }
0x1a: {  	s8 =	sadd.s32 $0xFFFFE003, lr  }
0x1b: {  	s9 =	sadd.s32 $0xFFFFFEF7, lr;
	s5 =	simm.s32 $0xFFFFFFFF;
	p2 =	slt.u32 s8, $0xFFFFF086  }
0x1c: {  	p1 =	slt.u32 s9, $0xF7A;
	s5 =	simm.s32 @!p2 $0x0  }
0x1d: {  	s5 =	simm.s32 @p1 $0x1;
	p0 =	seq.s32 s7, s2  }
0x1e: {  	s7 =	smul.u32 @!p0 $0xF7A, s2;
	p2 =	seq.s32 @!p0 s5, $0x0  }
0x1f: {  	s9 =	smul.u32 $0xF7A, s1;
	s8 =	simm.s32 @!p0 $0x1BF5;
	p2 =	por !p2, p0  }
0x20: {  	[sflag:s8] =	ssyncset.s32 @!p0 $0xFFFFF086;
	s6 =	sadd.s32 @!p0 s3, s7;
	s7 =	simm.s32 @!p0 $0x108  }
0x21: {  	s3 =	sadd.s32 s3, s9;
	s6 =	sadd.s32 @!p0 $0x88, s6;
	s7 =	simm.s32 @p2 $0x1082  }
0x22: {  	[simem:s7], [sflag:s8] =	dma.local @!p0 [hbm:s6], $0xF7A  }
0x23: {  	s9 =	sor.u32 $0xD0000000, s2;
	s6 =	simm.s32 $0x108;
	_ =	swait.ge @!p0 [sflag:s8], $0x0  }
0x24: {  	s3 =	sadd.s32 $0x88, s3;
	s6 =	simm.s32 @!p1 $0x1082;
	[sflag:s4] =	ssyncset.s32 $0xFFFFF086  }
0x25: {  	[simem:s6], [sflag:s4] =	dma.local [hbm:s3], $0xF7A  }
0x26: {  	[smem:$0x3F9B] =	sst s1;
	(tag) =	ssettag s2;
	_ =	strace s9  }
0x27: {  	s1 =	sld [smem:$0x3FAB]  }
0x28: {  	s2 =	sld [smem:$0x3FAC]  }
0x29: {  	s4 =	sld [smem:$0x3FAE]  }
0x2a: {  	p0 =	seq.s32 s5, $0x0;
	s5 =	sld [smem:$0x3FAF]  }
0x2b: {  	s6 =	sld [smem:$0x3FB0]  }
0x2c: {  	s7 =	sld [smem:$0x3FB1]  }
0x2d: {  	s3 =	simm.s32 $0x108;
	s8 =	sld [smem:$0x3FB2]  }
0x2e: {  	s3 =	simm.s32 @!p0 $0x1082;
	s9 =	sld [smem:$0x3FB3]  }
0x2f: {  	lr =	sadd.s32 s0, s3;
	s0 =	sld [smem:$0x3FAA]  }
0x30: {  	s3 =	sld [smem:$0x3FAD]  }
0x31: {  	[smem:$0x3FB6] =	sst s10  }
0x32: {  	s10 =	sld [smem:$0x3FB4];
	_ =	sdelay $0x3  }
0x33: {  	p0 =	seq.s32 s10, $0x1;
	s10 =	sld [smem:$0x3FB6];
	_ =	sdelay $0x3  }
0x34: {  	[smem:$0x3FB6] =	sst s10  }
0x35: {  	s10 =	sld [smem:$0x3FB5];
	_ =	sdelay $0x3  }
0x36: {  	p1 =	seq.s32 s10, $0x1;
	s10 =	sld [smem:$0x3FB6];
	_ =	sdelay $0x3  }
0x37: {  	[smem:$0x3FB6] =	sst s10  }
0x38: {  	s10 =	sld [smem:$0x3FB7]  }
0x39: {  	_ = 	snop;
	(pc) =	sbr.ind lr, $3  }
0x3a: {  	_ = 	snop  }
0x3b: {  	_ = 	snop  }
0x3c: {  	p2 =	seq.s32 s10, $0x1;
	s10 =	sld [smem:$0x3FB6]  }
0x3d: {  	_ =	shalt  }
0x3e: {  	_ =	shalt  }
0x3f: {  	_ =	shalt  }
0x40: {  	_ =	shalt  }
0x41: {  	_ =	shalt  }
0x42: {  	_ =	shalt  }
0x43: {  	_ =	shalt  }
0x44: {  	_ =	shalt  }
0x45: {  	_ =	shalt  }
0x46: {  	_ =	shalt  }
0x47: {  	_ =	shalt  }
0x48: {  	_ =	shalt  }
0x49: {  	_ =	shalt  }
0x4a: {  	_ =	shalt  }
0x4b: {  	_ =	shalt  }
0x4c: {  	_ =	shalt  }
0x4d: {  	_ =	shalt  }
0x4e: {  	_ =	shalt  }
0x4f: {  	_ =	shalt  }
0x50: {  	_ =	shalt  }
0x51: {  	_ =	shalt  }
0x52: {  	_ =	shalt  }
0x53: {  	_ =	shalt  }
0x54: {  	_ =	shalt  }
0x55: {  	_ =	shalt  }
0x56: {  	_ =	shalt  }
0x57: {  	_ =	shalt  }
0x58: {  	_ =	shalt  }
0x59: {  	_ =	shalt  }
0x5a: {  	_ =	shalt  }
0x5b: {  	_ =	shalt  }
0x5c: {  	_ =	shalt  }
0x5d: {  	_ =	shalt  }
0x5e: {  	_ =	shalt  }
0x5f: {  	_ =	shalt  }
0x60: {  	_ =	shalt  }
0x61: {  	_ =	shalt  }
0x62: {  	_ =	shalt  }
0x63: {  	_ =	shalt  }
0x64: {  	_ =	shalt  }
0x65: {  	_ =	shalt  }
0x66: {  	_ =	shalt  }
0x67: {  	_ =	shalt  }
0x68: {  	_ =	shalt  }
0x69: {  	_ =	shalt  }
0x6a: {  	_ =	shalt  }
0x6b: {  	_ =	shalt  }
0x6c: {  	_ =	shalt  }
0x6d: {  	_ =	shalt  }
0x6e: {  	_ =	shalt  }
0x6f: {  	_ =	shalt  }
0x70: {  	_ =	shalt  }
0x71: {  	_ =	shalt  }
0x72: {  	_ =	shalt  }
0x73: {  	_ =	shalt  }
0x74: {  	_ =	shalt  }
0x75: {  	_ =	shalt  }
0x76: {  	_ =	shalt  }
0x77: {  	_ =	shalt  }
0x78: {  	_ =	shalt  }
0x79: {  	_ =	shalt  }
0x7a: {  	_ =	shalt  }
0x7b: {  	_ =	shalt  }
0x7c: {  	_ =	shalt  }
0x7d: {  	_ =	shalt  }
0x7e: {  	_ =	shalt  }
0x7f: {  	_ =	shalt  }
0x80: {  	_ =	shalt  }
0x81: {  	_ =	shalt  }
0x82: {  	_ =	shalt  }
0x83: {  	_ =	shalt  }
0x84: {  	_ =	shalt  }
0x85: {  	_ =	shalt  }
0x86: {  	_ =	shalt  }
0x87: {  	_ =	shalt  }
.Lfunc_end0:
.L_simem_size_0:
called_computation_lowered:
.L_overlay_start_0:
0x88: {  	s2 =	sld [smem:$0x3FD9]  }
0x89: {  	s3 =	sld [smem:$0x3FFE];
	_ =	sdelay $0x1  }
0x8a: {  	s1 =	srdreg.scid  }
0x8b: {  	s0 =	sand.u32 $0x1, s1  }
0x8c: {  	s17 =	sshll.u32 s0, $0xA;
	s2 =	sadd.s32 s3, s2  }
0x8d: {  	s2 =	sadd.s32 s2, s17  }
0x8e: {  	[smem:$0x3FC2] =	sst s2  }
0x8f: {  	_ = 	snop  }
0x90: {  	s2 =	sld [smem:$0x3FD0];
	(tm) =	ssettm $0x1  }
0x91: {  	s18 =	sld [smem:$0x3FFB];
	_ =	sdelay $0x3  }
0x92: {  	_ =	strace s18  }
0x93: {  	s3 =	sld [smem:$0x3FFC];
	_ =	sdelay $0x3  }
0x94: {  	_ =	strace s3  }
0x95: {  	s3 =	sld [smem:$0x3FFD];
	_ =	sdelay $0x3  }
0x96: {  	_ =	strace s3  }
0x97: {  	_ =	strace $0x8FFFFFFF  }
0x98: {  	s19 =	sld [smem:$0x3FDB];
	_ =	sdelay $0x1  }
0x99: {  	s4 =	simm.s32 $_scs_section_size  }
0x9a: {  	s5 =	simm.s32 $_size__tile_overlayer_lowered;
	s6 =	simm.s32 $_tile_overlayer_lowered  }
0x9b: {  	s22 =	simm.s32 $0x1BFF;
	s21 =	sshll.u32 s6, $0x1;
	s3 =	sadd.s32 s4, s19  }
0x9c: {  	s7 =	simm.s32 $0x0;
	s20 =	sshll.u32 s5, $0x1;
	s5 =	sadd.s32 s21, s3  }
0x9d: {  	[timem:s7], [sflag:s22] =	dma.local [hbm:s5], s20  }
0x9e: {  	_ =	swait.ge [sflag:s22], s20  }
0x9f: {  	s4 =	ssub.s32 $0x0, s20;
	[sflag:s22] =	ssyncset.done $0x0  }
0xa0: {  	[sflag:s22] =	ssyncadd.s32 s4;
	_ =	sdelay $0x1  }
0xa1: {  	s23 =	simm.s32 $0x1B8B  }
0xa2: {  	_ =	swait.ge [sflag:s23], $0x1  }
0xa3: {  	[sflag:s23] =	ssyncset.done $0x0  }
0xa4: {  	s25 =	simm.s32 $0x1B8E;
	s24 =	sld [smem:$0x3FFE];
	[sflag:s23] =	ssyncadd.s32 $0xFFFFFFFF  }
0xa5: {  	s26 =	simm.s32 $execute0_lowered;
	[smem:$0x3FD2] =	sst s25  }
0xa6: {  	s5 =	sshll.u32 s26, $0x1;
	_ =	strace $0x80000046;
	[dreg:$0x1] =	wrdreg $0xFFFFFFFF  }
0xa7: {  	s28 =	simm.s32 $_size_execute0_lowered;
	s3 =	sadd.s32 s3, s5;
	[dreg:$0x0] =	wrdreg $0x0  }
0xa8: {  	s5 =	sshll.u32 s28, $0x1;
	[dreg:$0x2] =	wrdreg s3  }
0xa9: {  	[dreg:$0x3] =	wrdreg s5  }
0xaa: {  	[dreg:$0x4] =	wrdreg $0xC0  }
0xab: {  	_ =	task [dreg:s7], $0x5FFFF  }
0xac: {  	[dreg:$0x1] =	wrdreg $0xFFFFFFFF  }
0xad: {  	[dreg:$0x0] =	wrdreg $0x60  }
0xae: {  	[dreg:$0x2] =	wrdreg s24  }
0xaf: {  	[dreg:$0x3] =	wrdreg s2  }
0xb0: {  	[dreg:$0x4] =	wrdreg $0x0  }
0xb1: {  	[dreg:$0x5] =	wrdreg $0x9  }
0xb2: {  	_ =	task.clear_ibuf [dreg:s7], $0x6FFFF;
	_ =	strace $0x90000046  }
0xb3: {  	s29 =	simm.s32 $0x9;
	_ =	strace $0x80000048  }
0xb4: {  	_ =	swait.ge [sflag:s29], $0x1  }
0xb5: {  	[sflag:s29] =	ssyncadd.s32 $0xFFFFFFFF  }
0xb6: {  	_ =	strace $0x90000048  }
0xb7: {  	_ =	sfence  }
0xb8: {  	s30 =	sld [smem:$0x0];
	_ =	sdelay $0x2  }
0xb9: {  	s31 =	sshll.u32 s1, $0xD;
	s1 =	sshrl.u32 s1, $0x2  }
0xba: {  	s3 =	sand.u32 $0x4000, s31;
	s1 =	sadd.s32 s1, s30  }
0xbb: {  	s0 =	sor.u32 s3, s0;
	s1 =	sshll.u32 s1, $0x11  }
0xbc: {  	s0 =	sor.u32 s1, s0  }
0xbd: {  	s0 =	sadd.s32 $0x8F2B, s0  }
0xbe: {  	[sflag:s0] =	ssyncadd.remote.s32 $0x1  }
0xbf: {  	_ =	sfence.sel $0xFFFF  }
0xc0: {  	[dreg:$0x0] =	wrdreg $0xFFFFFFFF;
	(pc) =	sbr.abs _section_cstart, $3  }
0xc1: {  	[dreg:$0x1] =	wrdreg $0xFFFFFFFF  }
0xc2: {  	_ =	task.clear_ibuf [dreg:s7], $0x2FFFF;
	_ =	strace $0x9FFFFFFF  }
0xc3: {  	(tm) =	ssettm $0x7FFFFFFF  }
tec
execute0_lowered:
.L_overlay_start_1:
0x0: {  	(tag) =	ssettag $0x1  }
0x1: {  	s8 =	rddreg [dreg:$0x0]  }
0x2: {  	s2 =	rddreg [dreg:$0x1]  }
0x3: {  	s3 =	rddreg [dreg:$0x2]  }
0x4: {  	s0 =	rddreg [dreg:$0x3]  }
0x5: {  	s4 =	simm.s32 $0x0;
	s1 =	stileid.u32;
	s5 =	srdreg.scid  }
0x6: {  	s18 =	simm.s32 $0x0;
	[smem:$0x7FF] =	sst s4;
	s6 =	smul.u32 $0x2800, s1  }
0x7: {  	s7 =	sand.u32 $0x1, s5;
	s5 =	sadd.s32 $0x15800, s8;
	s16 =	sshll.u32 s1, $0x6  }
0x8: {  	_ =	strace $0x80000047;
	s9 =	smul.u32 $0x5000, s7;
	s10 =	ssub.s32 $0x2, s7  }
0x9: {  	s13 =	sshll.u32 s7, $0x4;
	s7 =	sor.u32 $0x1C01, s16;
	s16 =	sor.u32 $0x1C02, s16  }
0xa: {  	s15 =	sshrl.u32 s6, $0x3;
	s11 =	sshrl.u32 s10, $0x1;
	s30 =	sadd.s32 s6, s3  }
0xb: {  	s31 =	sor.u32 s1, s13;
	s13 =	sadd.s32 $0xBA40, s8;
	s12 =	sadd.s32 s15, s8  }
0xc: {  	s9 =	sadd.s32 s9, s8;
	s10 =	ssub.s32 s10, s11;
	s14 =	smul.u32 $0x500, s31  }
0xd: {  	p0 =	seq.s32 s31, $0x1F;
	s6 =	sadd.s32 $0x15A00, s12;
	s17 =	sadd.s32 $0x1AA00, s9  }
0xe: {  	s8 =	smax.u32 s10, $0x1;
	s9 =	sshrl.u32 s30, $0x3;
	s10 =	simm.s32 $0x5000  }
0xf: {  	s11 =	sadd.s32 @p0 $0x9B00, s13;
	s12 =	sadd.s32 @!p0 s14, s13;
	s13 =	simm.s32 $0x1  }
0x10: {  	s14 =	simm.s32 $0x80;
	s15 =	sadd.s32 s15, s17;
	s17 =	simm.s32 $0x2  }
.LBB2_1:
0x11: {  	[spmem:s9], [sflag:s7] =	dma.local [hbm:s6], $0x500  }
0x12: {  	[tilespmem:s10], [sflag:$0x1] =	stream.linear.gather [hbm4b:s5+s4], $0x800, $0x38;
	[tilespmem:$0x5800] =	vst v63  }
0x13: {  	s19 =	simm.s32 @p0 $0x0;
	s20 =	simm.s32 @p0 $0x2800  }
0x14: {  	[tilespmem:s20], [sflag:$0x1] =	stream.linear.gather @p0 [hbm4b:s11+s19], $0xA00, $0x38;
	[tilespmem:$0x5800] =	vst v63  }
0x15: {  	s20 =	simm.s32 @p0 $0x3200  }
0x16: {  	[tilespmem:s20], [sflag:$0x1] =	stream.linear.gather @p0 [hbm4b:s2+s19], $0x1E00, $0x38;
	[tilespmem:$0x5800] =	vst v63  }
0x17: {  	s19 =	simm.s32 @!p0 $0x0;
	s20 =	simm.s32 @!p0 $0x2800  }
0x18: {  	[tilespmem:s20], [sflag:$0x1] =	stream.linear.gather @!p0 [hbm4b:s12+s19], $0x2800, $0x38;
	[tilespmem:$0x5800] =	vst v63  }
0x19: {  	_ =	swait.ge [sflag:s13], $0x500  }
0x1a: {  	[sflag:s13] =	ssyncset.done $0x0  }
0x1b: {  	[sflag:s13] =	ssyncadd.s32 $0xFFFFFB00  }
0x1c: {  	_ =	swait.ge [sflag:s13], $0x800  }
0x1d: {  	[sflag:s13] =	ssyncset.done $0x0  }
0x1e: {  	[sflag:s13] =	ssyncadd.s32 $0xFFFFF800  }
0x1f: {  	_ =	swait.ge [sflag:s13], $0x2800  }
0x20: {  	[sflag:s13] =	ssyncset.done $0x0  }
0x21: {  	[sflag:s13] =	ssyncadd.s32 $0xFFFFD800  }
0x22: {  	s19 =	simm.s32 $0x0;
	[bflag:$0x0] =	sbarrier.arrive $0xFFFF  }
.LBB2_2:
0x23: {  	p1 =	sne.s32 s19, $0x9E00  }
.Ltmp0:
0x24: {  	_ = 	snop;
	(pc) =	sbr.rel @p1 .LBB2_2-.Ltmp0, $4  }
0x25: {  	_ = 	snop  }
0x26: {  	s20 =	sshra.s32 s19, $0x2  }
0x27: {  	s19 =	sadd.s32 $0x200, s19;
	s20 =	sadd.s32 $0x2800, s20  }
0x28: {  	[spmem:s3] =	stream.indirect.scatter.add.f32 [tilespmem:s10], [sflag:$0x1], $0x10, s20, s14, $0xb8;
	[tilespmem:$0x5800] =	vst v63  }
0x29: {  	_ =	swait.ge [sflag:s13], $0x800  }
0x2a: {  	s19 =	simm.s32 $0x4F;
	[sflag:s13] =	ssyncset.done $0x0  }
.LBB2_4:
0x2b: {  	p1 =	sne.s32 s19, $0x1;
	s19 =	sadd.s32 $0xFFFFFFFF, s19;
	[sflag:s13] =	ssyncadd.s32 $0xFFFFF800  }
.Ltmp1:
0x2c: {  	(pc) =	sbr.rel @p1 .LBB2_4-.Ltmp1, $3  }
0x2d: {  	_ =	sdelay $0x1  }
0x2e: {  	_ =	swait.ge [sflag:s13], $0x800  }
0x2f: {  	[sflag:s13] =	ssyncset.done $0x0  }
0x30: {  	s18 =	sadd.s32 $0x1, s18  }
0x31: {  	[sflag:s13] =	ssyncadd.s32 $0xFFFFF800;
	p1 =	sne.s32 s18, s8  }
.Ltmp2:
0x32: {  	[bflag:$0x0] =	sbarrier.arrive $0xFFFF;
	(pc) =	sbr.rel @p1 .LBB2_1-.Ltmp2, $4  }
0x33: {  	[hbm:s15], [sflag:s16] =	dma.local [spmem:s9], $0x500  }
0x34: {  	_ =	swait.ge [sflag:s17], $0x500  }
0x35: {  	[sflag:s17] =	ssyncset.done $0x0  }
0x36: {  	[sflag:s17] =	ssyncadd.s32 $0xFFFFFB00  }
0x37: {  	_ =	sfence.sel $0x180000  }
0x38: {  	[bflag:$0x0] =	sbarrier.arrive $0xFFFF  }
0x39: {  	p0 =	sne.s32 s1, $0x0;
	_ =	strace $0x90000047  }
0x3a: {  	s0 =	sadd.s32 @!p0 $0x100000, s0;
	[bflag:$0x2] =	sbarrier.arrive $0xFFFF  }
0x3b: {  	[sflag:s0] =	ssyncadd.tile.s32 @!p0 $0x1;
	_ =	shalt  }
.Lfunc_end2:
_tile_overlayer_lowered:
.L_overlay_start_2:
0x3c: {  	(tag) =	ssettag $0x2  }
0x3d: {  	s0 =	rddreg [dreg:$0x0];
	s2 =	stileid.u32  }
0x3e: {  	s1 =	rddreg [dreg:$0x1];
	p0 =	sne.s32 s2, $0x0  }
0x3f: {  	s3 =	rddreg [dreg:$0x2];
	[bflag:$0x3] =	sbarrier.arrive $0xFFFF;
	s2 =	simm.s32 @!p0 $0x1C02  }
0x40: {  	[timem:s3], [sflag:s2] =	dma.local @!p0 [hbm:s0], s1  }
0x41: {  	s0 =	simm.s32 @!p0 $0x2  }
0x42: {  	_ =	swait.ge @!p0 [sflag:s0], s1  }
0x43: {  	s1 =	ssub.s32 @!p0 $0x0, s1;
	[sflag:s0] =	ssyncset.done @!p0 $0x0  }
0x44: {  	[sflag:s0] =	ssyncadd.s32 @!p0 s1  }
0x45: {  	[bflag:$0x3] =	sbarrier.arrive $0xFFFF  }
0x46: {  	_ =	shalt  }

</sc_bundles>
